<compile_context>
chip_gen: v7x
topology: tpu7x:2x2x1
jax: 0.10.2.dev20260603
libtpu: 0.0.44.dev20260713+nightly
codegen_flags: <defaults>
</compile_context>

<pallas_src>
import functools

import jax
import jax.numpy as jnp
from jax import lax
from jax.experimental import pallas as pl
from jax.experimental.pallas import tpu as pltpu
from jax.experimental.pallas import tpu_sc as plsc

EMBED = 128
CTX = 2
LANES = 16
NJ = EMBED // LANES


def _predictor_sc(y3, table, w0, w1, *, B, U):
    V = table.shape[0]
    info = plsc.get_sparse_core_info()
    NC, NS = info.num_cores, info.num_subcores
    NW = NC * NS
    nb = B // NW
    HALF = U // 2
    NBUF = 4
    PF = 2
    nbg = nb // NBUF

    mesh = plsc.VectorSubcoreMesh(core_axis_name="c", subcore_axis_name="s")

    @functools.partial(
        pl.kernel,
        out_type=jax.ShapeDtypeStruct((B, U, EMBED), jnp.float32),
        mesh=mesh,
        scratch_types=[
            pltpu.VMEM((nb, CTX, HALF), jnp.int32),
            pltpu.VMEM((NBUF, U, EMBED), jnp.float32),
            pltpu.VMEM_SHARED((V, EMBED), jnp.float32),
            pltpu.VMEM((EMBED,), jnp.float32),
            pltpu.VMEM((EMBED,), jnp.float32),
            [pltpu.SemaphoreType.DMA] * NBUF,
            [pltpu.SemaphoreType.DMA] * NBUF,
        ],
    )
    def body(y_hbm, table_hbm, w0_hbm, w1_hbm, out_hbm,
             idx_v, rows_v, table_sp, w0_v, w1_v, gsem, osem):
        wid = lax.axis_index("s") * NC + lax.axis_index("c")
        base = wid * nb

        @pl.when(lax.axis_index("s") == 0)
        def _():
            pltpu.sync_copy(table_hbm, table_sp)
        pltpu.sync_copy(w0_hbm, w0_v)
        pltpu.sync_copy(w1_hbm, w1_v)
        pltpu.sync_copy(y_hbm.at[pl.ds(base, nb)], idx_v)
        plsc.subcore_barrier()
        w0r = [w0_v[pl.ds(LANES * j, LANES)] for j in range(NJ)]
        w1r = [w1_v[pl.ds(LANES * j, LANES)] for j in range(NJ)]

        def gather_descs(i, buf):
            return [
                pltpu.make_async_copy(
                    table_sp.at[idx_v.at[i, h]],
                    rows_v.at[buf, pl.ds(h * HALF, HALF)],
                    gsem[buf],
                )
                for h in range(CTX)
            ]

        def start_gather(i, buf):
            for d in gather_descs(i, buf):
                d.start()

        def wait_gather(i, buf):
            for d in gather_descs(i, buf):
                d.wait()

        def out_desc(i, buf):
            return pltpu.make_async_copy(
                rows_v.at[buf], out_hbm.at[base + i], osem[buf])

        def compute(buf):
            carry0 = tuple(
                rows_v[buf, U - 1, pl.ds(LANES * j, LANES)] for j in range(NJ))

            def ubody(step, carry):
                u = (U - 1) - step
                nxt = []
                for j in range(NJ):
                    t = rows_v[buf, u - 1, pl.ds(LANES * j, LANES)]
                    rows_v[buf, u, pl.ds(LANES * j, LANES)] = (
                        w1r[j] * carry[j] + w0r[j] * t)
                    nxt.append(t)
                return tuple(nxt)

            last = lax.fori_loop(0, U - 1, ubody, carry0)
            for j in range(NJ):
                rows_v[buf, 0, pl.ds(LANES * j, LANES)] = w1r[j] * last[j]

        for k in range(PF):
            start_gather(k, k)

        def gbody(g, _):
            for b in range(NBUF):
                i = g * NBUF + b
                nxt_buf = (b + PF) % NBUF
                if b < PF:
                    @pl.when(g >= 1)
                    def _():
                        out_desc(i - PF, nxt_buf).wait()
                    start_gather(i + PF, nxt_buf)
                else:
                    out_desc(i - PF, nxt_buf).wait()
                    @pl.when(g < nbg - 1)
                    def _():
                        start_gather(i + PF, nxt_buf)
                wait_gather(i, b)
                compute(b)
                out_desc(i, b).start()
            return 0

        lax.fori_loop(0, nbg, gbody, 0)
        for b in range(NBUF - PF, NBUF):
            out_desc(nb - NBUF + b, b).wait()

    return body


def kernel(y, table, conv_w):
    B, U = y.shape
    y3 = y.astype(jnp.int32).reshape(B, CTX, U // CTX)
    w0 = conv_w[:, 0, 0]
    w1 = conv_w[:, 0, 1]
    return _predictor_sc(y3, table, w0, w1, B=B, U=U)(y3, table, w0, w1)

# --- scband reference (transcript-rebuilt; emitter-appended) ---
"""Pipeline reference for scband-predictor-23132693856323 (READ-ONLY COPY).

The authoritative reference and input builder live on the scoring server;
editing this copy changes nothing except your own understanding.
"""

import jax, jax.numpy as jnp
import numpy as np

VOCAB = 1000
EMBED = 128
BLANK = 0
CTX = 2
B = 1024
U = 200


def setup_inputs(seed: int = 0) -> dict:
    key = jax.random.key(seed)
    k1, k2, k3 = jax.random.split(key, 3)
    y = jax.random.randint(k1, (B, U), 0, VOCAB, dtype=jnp.int64 if jax.config.jax_enable_x64 else jnp.int32)
    table = jax.random.normal(k2, (VOCAB, EMBED), dtype=jnp.float32)
    # padding_idx row is initialized to zeros in torch.nn.Embedding
    table = table.at[BLANK].set(0.0)
    # depthwise Conv1d weight: (out_channels, in_channels/groups, kernel) = (EMBED, 1, CTX)
    conv_w = jax.random.normal(k3, (EMBED, 1, CTX), dtype=jnp.float32) * 0.1
    return {"y": y, "table": table, "conv_w": conv_w}


def reference(y, table, conv_w):
    # embedding lookup (padding_idx only affects grads/init, not fwd math)
    embed = jnp.take(table, y, axis=0)          # (b, u, d)
    # permute to (b, d, u)
    x = jnp.transpose(embed, (0, 2, 1))
    # left pad (need_pad=True path)
    x = jnp.pad(x, ((0, 0), (0, 0), (CTX - 1, 0)))
    # depthwise conv1d, groups=EMBED, no bias
    out = jax.lax.conv_general_dilated(
        x, conv_w,
        window_strides=(1,),
        padding='VALID',
        feature_group_count=EMBED,
        dimension_numbers=('NCH', 'OIH', 'NCH'),
    )
    # permute back to (b, u, d)
    return jnp.transpose(out, (0, 2, 1))

if __name__ == "__main__":
    import jax
    _d = setup_inputs()
    print(jax.jit(kernel)(*tuple(_d.values())))

</pallas_src>

<mosaic_0001>
#map = affine_map<(d0, d1) -> (0, 0, 0)>
#map1 = affine_map<(d0, d1) -> (0, 0)>
#map2 = affine_map<(d0, d1) -> (0)>
module attributes {stable_mosaic.version = 14 : i64} {
  func.func @body(%arg0: i32, %arg1: i32, %arg2: memref<1024x2x100xi32, #tpu.memory_space<hbm>>, %arg3: memref<1000x128xf32, #tpu.memory_space<hbm>>, %arg4: memref<128xf32, #tpu.memory_space<hbm>>, %arg5: memref<128xf32, #tpu.memory_space<hbm>>, %arg6: memref<1024x200x128xf32, #tpu.memory_space<hbm>>, %arg7: memref<32x2x100xi32, #tpu.memory_space<vmem>>, %arg8: memref<4x200x128xf32, #tpu.memory_space<vmem>>, %arg9: memref<1000x128xf32, #tpu.memory_space<vmem_shared>>, %arg10: memref<128xf32, #tpu.memory_space<vmem>>, %arg11: memref<128xf32, #tpu.memory_space<vmem>>, %arg12: memref<!tpu.dma_semaphore, #tpu.memory_space<semaphore_mem>>, %arg13: memref<!tpu.dma_semaphore, #tpu.memory_space<semaphore_mem>>, %arg14: memref<!tpu.dma_semaphore, #tpu.memory_space<semaphore_mem>>, %arg15: memref<!tpu.dma_semaphore, #tpu.memory_space<semaphore_mem>>, %arg16: memref<!tpu.dma_semaphore, #tpu.memory_space<semaphore_mem>>, %arg17: memref<!tpu.dma_semaphore, #tpu.memory_space<semaphore_mem>>, %arg18: memref<!tpu.dma_semaphore, #tpu.memory_space<semaphore_mem>>, %arg19: memref<!tpu.dma_semaphore, #tpu.memory_space<semaphore_mem>>) attributes {dimension_semantics = [#tpu.dimension_semantics<core_parallel>, #tpu.dimension_semantics<subcore_parallel>], iteration_bounds = array<i64: 2, 16>, scalar_prefetch = 0 : i64, scratch_operands = 13 : i64, tpu.core_type = #tpu.core_type<sc_vector_subcore>, window_params = [{transform_indices = #map}, {transform_indices = #map1}, {transform_indices = #map2}, {transform_indices = #map2}, {transform_indices = #map}]} {
    %mul3A = arith.constant 2 : i32
    %mul3A_0 = arith.muli %arg1, %mul3A : i32
    %add3A = arith.addi %mul3A_0, %arg0 : i32
    %mul3A_1 = arith.constant 32 : i32
    %mul3A_2 = arith.muli %add3A, %mul3A_1 : i32
    %eq3A = arith.constant 0 : i32
    %eq3A_3 = arith.cmpi eq, %arg1, %eq3A : i32
    %convert_element_type3A = arith.extui %eq3A_3 : i1 to i32
    %cond3A = arith.constant 0 : i32
    %cond3A_4 = arith.cmpi ne, %convert_element_type3A, %cond3A : i32
    scf.if %cond3A_4 {
      "tpu.region"() ({
        %run_scoped3A = tpu.sem_alloc : memref<!tpu.dma_semaphore, #tpu.memory_space<semaphore_mem>>
        tpu.enqueue_dma source(%arg3 : memref<1000x128xf32, #tpu.memory_space<hbm>>) target(%arg9 : memref<1000x128xf32, #tpu.memory_space<vmem_shared>>) target_semaphore(%run_scoped3A : memref<!tpu.dma_semaphore, #tpu.memory_space<semaphore_mem>>)
        tpu.wait_dma2 semaphore(%run_scoped3A : memref<!tpu.dma_semaphore, #tpu.memory_space<semaphore_mem>>) src(%arg3 : memref<1000x128xf32, #tpu.memory_space<hbm>>) dst(%arg9 : memref<1000x128xf32, #tpu.memory_space<vmem_shared>>)
        tpu.yield
      }) : () -> ()
    } else {
    }
    "tpu.region"() ({
      %run_scoped3A = tpu.sem_alloc : memref<!tpu.dma_semaphore, #tpu.memory_space<semaphore_mem>>
      tpu.enqueue_dma source(%arg4 : memref<128xf32, #tpu.memory_space<hbm>>) target(%arg10 : memref<128xf32, #tpu.memory_space<vmem>>) target_semaphore(%run_scoped3A : memref<!tpu.dma_semaphore, #tpu.memory_space<semaphore_mem>>)
      tpu.wait_dma2 semaphore(%run_scoped3A : memref<!tpu.dma_semaphore, #tpu.memory_space<semaphore_mem>>) src(%arg4 : memref<128xf32, #tpu.memory_space<hbm>>) dst(%arg10 : memref<128xf32, #tpu.memory_space<vmem>>)
      tpu.yield
    }) : () -> ()
    "tpu.region"() ({
      %run_scoped3A = tpu.sem_alloc : memref<!tpu.dma_semaphore, #tpu.memory_space<semaphore_mem>>
      tpu.enqueue_dma source(%arg5 : memref<128xf32, #tpu.memory_space<hbm>>) target(%arg11 : memref<128xf32, #tpu.memory_space<vmem>>) target_semaphore(%run_scoped3A : memref<!tpu.dma_semaphore, #tpu.memory_space<semaphore_mem>>)
      tpu.wait_dma2 semaphore(%run_scoped3A : memref<!tpu.dma_semaphore, #tpu.memory_space<semaphore_mem>>) src(%arg5 : memref<128xf32, #tpu.memory_space<hbm>>) dst(%arg11 : memref<128xf32, #tpu.memory_space<vmem>>)
      tpu.yield
    }) : () -> ()
    "tpu.region"() ({
      %run_scoped3A = tpu.sem_alloc : memref<!tpu.dma_semaphore, #tpu.memory_space<semaphore_mem>>
      %dma_start3A_146 = arith.constant 0 : i32
      %dma_start3A_147 = arith.constant 0 : i32
      %dma_start3A_148 = tpu.memref_slice %arg2[%mul3A_2, %dma_start3A_146, %dma_start3A_147] : memref<1024x2x100xi32, #tpu.memory_space<hbm>> -> memref<32x2x100xi32, #tpu.memory_space<hbm>>
      %dma_start3A_149 = arith.constant 0 : i32
      %dma_start3A_150 = arith.constant 0 : i32
      %dma_start3A_151 = tpu.memref_slice %arg2[%mul3A_2, %dma_start3A_149, %dma_start3A_150] : memref<1024x2x100xi32, #tpu.memory_space<hbm>> -> memref<32x2x100xi32, #tpu.memory_space<hbm>>
      tpu.enqueue_dma source(%dma_start3A_151 : memref<32x2x100xi32, #tpu.memory_space<hbm>>) target(%arg7 : memref<32x2x100xi32, #tpu.memory_space<vmem>>) target_semaphore(%run_scoped3A : memref<!tpu.dma_semaphore, #tpu.memory_space<semaphore_mem>>)
      %dma_wait3A_152 = arith.constant 0 : i32
      %dma_wait3A_153 = arith.constant 0 : i32
      %dma_wait3A_154 = tpu.memref_slice %arg2[%mul3A_2, %dma_wait3A_152, %dma_wait3A_153] : memref<1024x2x100xi32, #tpu.memory_space<hbm>> -> memref<32x2x100xi32, #tpu.memory_space<hbm>>
      %dma_wait3A_155 = arith.constant 0 : i32
      %dma_wait3A_156 = arith.constant 0 : i32
      %dma_wait3A_157 = tpu.memref_slice %arg2[%mul3A_2, %dma_wait3A_155, %dma_wait3A_156] : memref<1024x2x100xi32, #tpu.memory_space<hbm>> -> memref<32x2x100xi32, #tpu.memory_space<hbm>>
      tpu.wait_dma2 semaphore(%run_scoped3A : memref<!tpu.dma_semaphore, #tpu.memory_space<semaphore_mem>>) src(%dma_wait3A_157 : memref<32x2x100xi32, #tpu.memory_space<hbm>>) dst(%arg7 : memref<32x2x100xi32, #tpu.memory_space<vmem>>)
      tpu.yield
    }) : () -> ()
    %barrier3A = arith.constant 0 : index
    tpu.barrier barrier_id(%barrier3A)
    %get3A = arith.constant 0 : index
    %get3A_5 = tpu.vector_load %arg10[%get3A] {strides = array<i32>} : memref<128xf32, #tpu.memory_space<vmem>>, vector<16xf32>,
    %get3A_6 = vector.shape_cast %get3A_5 : vector<16xf32> to vector<16xf32>
    %get3A_7 = arith.constant 16 : index
    %get3A_8 = tpu.vector_load %arg10[%get3A_7] {strides = array<i32>} : memref<128xf32, #tpu.memory_space<vmem>>, vector<16xf32>,
    %get3A_9 = vector.shape_cast %get3A_8 : vector<16xf32> to vector<16xf32>
    %get3A_10 = arith.constant 32 : index
    %get3A_11 = tpu.vector_load %arg10[%get3A_10] {strides = array<i32>} : memref<128xf32, #tpu.memory_space<vmem>>, vector<16xf32>,
    %get3A_12 = vector.shape_cast %get3A_11 : vector<16xf32> to vector<16xf32>
    %get3A_13 = arith.constant 48 : index
    %get3A_14 = tpu.vector_load %arg10[%get3A_13] {strides = array<i32>} : memref<128xf32, #tpu.memory_space<vmem>>, vector<16xf32>,
    %get3A_15 = vector.shape_cast %get3A_14 : vector<16xf32> to vector<16xf32>
    %get3A_16 = arith.constant 64 : index
    %get3A_17 = tpu.vector_load %arg10[%get3A_16] {strides = array<i32>} : memref<128xf32, #tpu.memory_space<vmem>>, vector<16xf32>,
    %get3A_18 = vector.shape_cast %get3A_17 : vector<16xf32> to vector<16xf32>
    %get3A_19 = arith.constant 80 : index
    %get3A_20 = tpu.vector_load %arg10[%get3A_19] {strides = array<i32>} : memref<128xf32, #tpu.memory_space<vmem>>, vector<16xf32>,
    %get3A_21 = vector.shape_cast %get3A_20 : vector<16xf32> to vector<16xf32>
    %get3A_22 = arith.constant 96 : index
    %get3A_23 = tpu.vector_load %arg10[%get3A_22] {strides = array<i32>} : memref<128xf32, #tpu.memory_space<vmem>>, vector<16xf32>,
    %get3A_24 = vector.shape_cast %get3A_23 : vector<16xf32> to vector<16xf32>
    %get3A_25 = arith.constant 112 : index
    %get3A_26 = tpu.vector_load %arg10[%get3A_25] {strides = array<i32>} : memref<128xf32, #tpu.memory_space<vmem>>, vector<16xf32>,
    %get3A_27 = vector.shape_cast %get3A_26 : vector<16xf32> to vector<16xf32>
    %get3A_28 = arith.constant 0 : index
    %get3A_29 = tpu.vector_load %arg11[%get3A_28] {strides = array<i32>} : memref<128xf32, #tpu.memory_space<vmem>>, vector<16xf32>,
    %get3A_30 = vector.shape_cast %get3A_29 : vector<16xf32> to vector<16xf32>
    %get3A_31 = arith.constant 16 : index
    %get3A_32 = tpu.vector_load %arg11[%get3A_31] {strides = array<i32>} : memref<128xf32, #tpu.memory_space<vmem>>, vector<16xf32>,
    %get3A_33 = vector.shape_cast %get3A_32 : vector<16xf32> to vector<16xf32>
    %get3A_34 = arith.constant 32 : index
    %get3A_35 = tpu.vector_load %arg11[%get3A_34] {strides = array<i32>} : memref<128xf32, #tpu.memory_space<vmem>>, vector<16xf32>,
    %get3A_36 = vector.shape_cast %get3A_35 : vector<16xf32> to vector<16xf32>
    %get3A_37 = arith.constant 48 : index
    %get3A_38 = tpu.vector_load %arg11[%get3A_37] {strides = array<i32>} : memref<128xf32, #tpu.memory_space<vmem>>, vector<16xf32>,
    %get3A_39 = vector.shape_cast %get3A_38 : vector<16xf32> to vector<16xf32>
    %get3A_40 = arith.constant 64 : index
    %get3A_41 = tpu.vector_load %arg11[%get3A_40] {strides = array<i32>} : memref<128xf32, #tpu.memory_space<vmem>>, vector<16xf32>,
    %get3A_42 = vector.shape_cast %get3A_41 : vector<16xf32> to vector<16xf32>
    %get3A_43 = arith.constant 80 : index
    %get3A_44 = tpu.vector_load %arg11[%get3A_43] {strides = array<i32>} : memref<128xf32, #tpu.memory_space<vmem>>, vector<16xf32>,
    %get3A_45 = vector.shape_cast %get3A_44 : vector<16xf32> to vector<16xf32>
    %get3A_46 = arith.constant 96 : index
    %get3A_47 = tpu.vector_load %arg11[%get3A_46] {strides = array<i32>} : memref<128xf32, #tpu.memory_space<vmem>>, vector<16xf32>,
    %get3A_48 = vector.shape_cast %get3A_47 : vector<16xf32> to vector<16xf32>
    %get3A_49 = arith.constant 112 : index
    %get3A_50 = tpu.vector_load %arg11[%get3A_49] {strides = array<i32>} : memref<128xf32, #tpu.memory_space<vmem>>, vector<16xf32>,
    %get3A_51 = vector.shape_cast %get3A_50 : vector<16xf32> to vector<16xf32>
    %dma_start3A = arith.constant 0 : i32
    %dma_start3A_52 = arith.constant 0 : i32
    %dma_start3A_53 = arith.constant 0 : i32
    %dma_start3A_54 = arith.constant 0 : i32
    %dma_start3A_55 = arith.constant 0 : i32
    %dma_start3A_56 = tpu.memref_slice %arg8[%dma_start3A_53, %dma_start3A_54, %dma_start3A_55] : memref<4x200x128xf32, #tpu.memory_space<vmem>> -> memref<1x100x128xf32, #tpu.memory_space<vmem>>
    %dma_start3A_57 = tpu.memref_squeeze %dma_start3A_56 : memref<1x100x128xf32, #tpu.memory_space<vmem>> -> memref<100x128xf32, #tpu.memory_space<vmem>>
    %dma_start3A_58 = arith.constant 0 : i32
    %dma_start3A_59 = tpu.memref_slice %arg7[%dma_start3A, %dma_start3A_52, %dma_start3A_58] : memref<32x2x100xi32, #tpu.memory_space<vmem>> -> memref<1x1x100xi32, #tpu.memory_space<vmem>>
    %dma_start3A_60 = tpu.memref_squeeze %dma_start3A_59 : memref<1x1x100xi32, #tpu.memory_space<vmem>> -> memref<100xi32, #tpu.memory_space<vmem>>
    %dma_start3A_61 = arith.constant 0 : i32
    %dma_start3A_62 = arith.constant 0 : i32
    %dma_start3A_63 = tpu.memref_slice %arg9[%dma_start3A_61, %dma_start3A_62] : memref<1000x128xf32, #tpu.memory_space<vmem_shared>> -> memref<1000x128xf32, #tpu.memory_space<vmem_shared>>
    tpu.enqueue_indirect_dma source(%dma_start3A_63 : memref<1000x128xf32, #tpu.memory_space<vmem_shared>>) target(%dma_start3A_57 : memref<100x128xf32, #tpu.memory_space<vmem>>) offsets(%dma_start3A_60 : memref<100xi32, #tpu.memory_space<vmem>>) semaphore(%arg12 : memref<!tpu.dma_semaphore, #tpu.memory_space<semaphore_mem>>)
    %dma_start3A_64 = arith.constant 0 : i32
    %dma_start3A_65 = arith.constant 1 : i32
    %dma_start3A_66 = arith.constant 0 : i32
    %dma_start3A_67 = arith.constant 100 : i32
    %dma_start3A_68 = arith.constant 0 : i32
    %dma_start3A_69 = tpu.memref_slice %arg8[%dma_start3A_66, %dma_start3A_67, %dma_start3A_68] : memref<4x200x128xf32, #tpu.memory_space<vmem>> -> memref<1x100x128xf32, #tpu.memory_space<vmem>>
    %dma_start3A_70 = tpu.memref_squeeze %dma_start3A_69 : memref<1x100x128xf32, #tpu.memory_space<vmem>> -> memref<100x128xf32, #tpu.memory_space<vmem>>
    %dma_start3A_71 = arith.constant 0 : i32
    %dma_start3A_72 = tpu.memref_slice %arg7[%dma_start3A_64, %dma_start3A_65, %dma_start3A_71] : memref<32x2x100xi32, #tpu.memory_space<vmem>> -> memref<1x1x100xi32, #tpu.memory_space<vmem>>
    %dma_start3A_73 = tpu.memref_squeeze %dma_start3A_72 : memref<1x1x100xi32, #tpu.memory_space<vmem>> -> memref<100xi32, #tpu.memory_space<vmem>>
    %dma_start3A_74 = arith.constant 0 : i32
    %dma_start3A_75 = arith.constant 0 : i32
    %dma_start3A_76 = tpu.memref_slice %arg9[%dma_start3A_74, %dma_start3A_75] : memref<1000x128xf32, #tpu.memory_space<vmem_shared>> -> memref<1000x128xf32, #tpu.memory_space<vmem_shared>>
    tpu.enqueue_indirect_dma source(%dma_start3A_76 : memref<1000x128xf32, #tpu.memory_space<vmem_shared>>) target(%dma_start3A_70 : memref<100x128xf32, #tpu.memory_space<vmem>>) offsets(%dma_start3A_73 : memref<100xi32, #tpu.memory_space<vmem>>) semaphore(%arg12 : memref<!tpu.dma_semaphore, #tpu.memory_space<semaphore_mem>>)
    %dma_start3A_77 = arith.constant 1 : i32
    %dma_start3A_78 = arith.constant 0 : i32
    %dma_start3A_79 = arith.constant 1 : i32
    %dma_start3A_80 = arith.constant 0 : i32
    %dma_start3A_81 = arith.constant 0 : i32
    %dma_start3A_82 = tpu.memref_slice %arg8[%dma_start3A_79, %dma_start3A_80, %dma_start3A_81] : memref<4x200x128xf32, #tpu.memory_space<vmem>> -> memref<1x100x128xf32, #tpu.memory_space<vmem>>
    %dma_start3A_83 = tpu.memref_squeeze %dma_start3A_82 : memref<1x100x128xf32, #tpu.memory_space<vmem>> -> memref<100x128xf32, #tpu.memory_space<vmem>>
    %dma_start3A_84 = arith.constant 0 : i32
    %dma_start3A_85 = tpu.memref_slice %arg7[%dma_start3A_77, %dma_start3A_78, %dma_start3A_84] : memref<32x2x100xi32, #tpu.memory_space<vmem>> -> memref<1x1x100xi32, #tpu.memory_space<vmem>>
    %dma_start3A_86 = tpu.memref_squeeze %dma_start3A_85 : memref<1x1x100xi32, #tpu.memory_space<vmem>> -> memref<100xi32, #tpu.memory_space<vmem>>
    %dma_start3A_87 = arith.constant 0 : i32
    %dma_start3A_88 = arith.constant 0 : i32
    %dma_start3A_89 = tpu.memref_slice %arg9[%dma_start3A_87, %dma_start3A_88] : memref<1000x128xf32, #tpu.memory_space<vmem_shared>> -> memref<1000x128xf32, #tpu.memory_space<vmem_shared>>
    tpu.enqueue_indirect_dma source(%dma_start3A_89 : memref<1000x128xf32, #tpu.memory_space<vmem_shared>>) target(%dma_start3A_83 : memref<100x128xf32, #tpu.memory_space<vmem>>) offsets(%dma_start3A_86 : memref<100xi32, #tpu.memory_space<vmem>>) semaphore(%arg13 : memref<!tpu.dma_semaphore, #tpu.memory_space<semaphore_mem>>)
    %dma_start3A_90 = arith.constant 1 : i32
    %dma_start3A_91 = arith.constant 1 : i32
    %dma_start3A_92 = arith.constant 1 : i32
    %dma_start3A_93 = arith.constant 100 : i32
    %dma_start3A_94 = arith.constant 0 : i32
    %dma_start3A_95 = tpu.memref_slice %arg8[%dma_start3A_92, %dma_start3A_93, %dma_start3A_94] : memref<4x200x128xf32, #tpu.memory_space<vmem>> -> memref<1x100x128xf32, #tpu.memory_space<vmem>>
    %dma_start3A_96 = tpu.memref_squeeze %dma_start3A_95 : memref<1x100x128xf32, #tpu.memory_space<vmem>> -> memref<100x128xf32, #tpu.memory_space<vmem>>
    %dma_start3A_97 = arith.constant 0 : i32
    %dma_start3A_98 = tpu.memref_slice %arg7[%dma_start3A_90, %dma_start3A_91, %dma_start3A_97] : memref<32x2x100xi32, #tpu.memory_space<vmem>> -> memref<1x1x100xi32, #tpu.memory_space<vmem>>
    %dma_start3A_99 = tpu.memref_squeeze %dma_start3A_98 : memref<1x1x100xi32, #tpu.memory_space<vmem>> -> memref<100xi32, #tpu.memory_space<vmem>>
    %dma_start3A_100 = arith.constant 0 : i32
    %dma_start3A_101 = arith.constant 0 : i32
    %dma_start3A_102 = tpu.memref_slice %arg9[%dma_start3A_100, %dma_start3A_101] : memref<1000x128xf32, #tpu.memory_space<vmem_shared>> -> memref<1000x128xf32, #tpu.memory_space<vmem_shared>>
    tpu.enqueue_indirect_dma source(%dma_start3A_102 : memref<1000x128xf32, #tpu.memory_space<vmem_shared>>) target(%dma_start3A_96 : memref<100x128xf32, #tpu.memory_space<vmem>>) offsets(%dma_start3A_99 : memref<100xi32, #tpu.memory_space<vmem>>) semaphore(%arg13 : memref<!tpu.dma_semaphore, #tpu.memory_space<semaphore_mem>>)
    %scan3A = arith.constant 0 : i32
    %scan3A_103 = arith.constant 0 : i32
    %scan3A_104 = arith.constant 8 : i32
    %scan3A_105 = arith.addi %scan3A_103, %scan3A_104 : i32
    %scan3A_106 = arith.constant 1 : i32
    %scan3A_107 = scf.for %scan3A_146 = %scan3A_103 to %scan3A_105 step %scan3A_106 iter_args(%scan3A_147 = %scan3A) -> (i32)  : i32 {
      %mul3A_148 = arith.constant 4 : i32
      %mul3A_149 = arith.muli %scan3A_146, %mul3A_148 : i32
      %add3A_150 = arith.constant 0 : i32
      %add3A_151 = arith.addi %mul3A_149, %add3A_150 : i32
      %ge3A = arith.constant 1 : i32
      %ge3A_152 = arith.cmpi sge, %scan3A_146, %ge3A : i32
      %convert_element_type3A_153 = arith.extui %ge3A_152 : i1 to i32
      %cond3A_154 = arith.constant 0 : i32
      %cond3A_155 = arith.cmpi ne, %convert_element_type3A_153, %cond3A_154 : i32
      scf.if %cond3A_155 {
        %sub3A_977 = arith.constant 2 : i32
        %sub3A_978 = arith.subi %add3A_151, %sub3A_977 : i32
        %add3A_979 = arith.addi %mul3A_2, %sub3A_978 : i32
        %dma_wait3A_980 = arith.constant 2 : i32
        %dma_wait3A_981 = arith.constant 0 : i32
        %dma_wait3A_982 = arith.constant 0 : i32
        %dma_wait3A_983 = tpu.memref_slice %arg8[%dma_wait3A_980, %dma_wait3A_981, %dma_wait3A_982] : memref<4x200x128xf32, #tpu.memory_space<vmem>> -> memref<1x200x128xf32, #tpu.memory_space<vmem>>
        %dma_wait3A_984 = tpu.memref_squeeze %dma_wait3A_983 : memref<1x200x128xf32, #tpu.memory_space<vmem>> -> memref<200x128xf32, #tpu.memory_space<vmem>>
        %dma_wait3A_985 = arith.constant 0 : i32
        %dma_wait3A_986 = arith.constant 0 : i32
        %dma_wait3A_987 = tpu.memref_slice %arg6[%add3A_979, %dma_wait3A_985, %dma_wait3A_986] : memref<1024x200x128xf32, #tpu.memory_space<hbm>> -> memref<1x200x128xf32, #tpu.memory_space<hbm>>
        %dma_wait3A_988 = tpu.memref_squeeze %dma_wait3A_987 : memref<1x200x128xf32, #tpu.memory_space<hbm>> -> memref<200x128xf32, #tpu.memory_space<hbm>>
        %dma_wait3A_989 = arith.constant 0 : i32
        %dma_wait3A_990 = arith.constant 0 : i32
        %dma_wait3A_991 = tpu.memref_slice %arg6[%add3A_979, %dma_wait3A_989, %dma_wait3A_990] : memref<1024x200x128xf32, #tpu.memory_space<hbm>> -> memref<1x200x128xf32, #tpu.memory_space<hbm>>
        %dma_wait3A_992 = tpu.memref_squeeze %dma_wait3A_991 : memref<1x200x128xf32, #tpu.memory_space<hbm>> -> memref<200x128xf32, #tpu.memory_space<hbm>>
        %dma_wait3A_993 = arith.constant 0 : i32
        %dma_wait3A_994 = arith.constant 0 : i32
        %dma_wait3A_995 = tpu.memref_slice %arg8[%dma_wait3A_980, %dma_wait3A_993, %dma_wait3A_994] : memref<4x200x128xf32, #tpu.memory_space<vmem>> -> memref<1x200x128xf32, #tpu.memory_space<vmem>>
        %dma_wait3A_996 = tpu.memref_squeeze %dma_wait3A_995 : memref<1x200x128xf32, #tpu.memory_space<vmem>> -> memref<200x128xf32, #tpu.memory_space<vmem>>
        tpu.wait_dma2 semaphore(%arg18 : memref<!tpu.dma_semaphore, #tpu.memory_space<semaphore_mem>>) src(%dma_wait3A_996 : memref<200x128xf32, #tpu.memory_space<vmem>>) dst(%dma_wait3A_992 : memref<200x128xf32, #tpu.memory_space<hbm>>)
      } else {
      }
      %add3A_156 = arith.constant 2 : i32
      %add3A_157 = arith.addi %add3A_151, %add3A_156 : i32
      %dma_start3A_158 = arith.constant 0 : i32
      %dma_start3A_159 = arith.constant 2 : i32
      %dma_start3A_160 = arith.constant 0 : i32
      %dma_start3A_161 = arith.constant 0 : i32
      %dma_start3A_162 = tpu.memref_slice %arg8[%dma_start3A_159, %dma_start3A_160, %dma_start3A_161] : memref<4x200x128xf32, #tpu.memory_space<vmem>> -> memref<1x100x128xf32, #tpu.memory_space<vmem>>
      %dma_start3A_163 = tpu.memref_squeeze %dma_start3A_162 : memref<1x100x128xf32, #tpu.memory_space<vmem>> -> memref<100x128xf32, #tpu.memory_space<vmem>>
      %dma_start3A_164 = arith.constant 0 : i32
      %dma_start3A_165 = tpu.memref_slice %arg7[%add3A_157, %dma_start3A_158, %dma_start3A_164] : memref<32x2x100xi32, #tpu.memory_space<vmem>> -> memref<1x1x100xi32, #tpu.memory_space<vmem>>
      %dma_start3A_166 = tpu.memref_squeeze %dma_start3A_165 : memref<1x1x100xi32, #tpu.memory_space<vmem>> -> memref<100xi32, #tpu.memory_space<vmem>>
      %dma_start3A_167 = arith.constant 0 : i32
      %dma_start3A_168 = arith.constant 0 : i32
      %dma_start3A_169 = tpu.memref_slice %arg9[%dma_start3A_167, %dma_start3A_168] : memref<1000x128xf32, #tpu.memory_space<vmem_shared>> -> memref<1000x128xf32, #tpu.memory_space<vmem_shared>>
      tpu.enqueue_indirect_dma source(%dma_start3A_169 : memref<1000x128xf32, #tpu.memory_space<vmem_shared>>) target(%dma_start3A_163 : memref<100x128xf32, #tpu.memory_space<vmem>>) offsets(%dma_start3A_166 : memref<100xi32, #tpu.memory_space<vmem>>) semaphore(%arg14 : memref<!tpu.dma_semaphore, #tpu.memory_space<semaphore_mem>>)
      %dma_start3A_170 = arith.constant 1 : i32
      %dma_start3A_171 = arith.constant 2 : i32
      %dma_start3A_172 = arith.constant 100 : i32
      %dma_start3A_173 = arith.constant 0 : i32
      %dma_start3A_174 = tpu.memref_slice %arg8[%dma_start3A_171, %dma_start3A_172, %dma_start3A_173] : memref<4x200x128xf32, #tpu.memory_space<vmem>> -> memref<1x100x128xf32, #tpu.memory_space<vmem>>
      %dma_start3A_175 = tpu.memref_squeeze %dma_start3A_174 : memref<1x100x128xf32, #tpu.memory_space<vmem>> -> memref<100x128xf32, #tpu.memory_space<vmem>>
      %dma_start3A_176 = arith.constant 0 : i32
      %dma_start3A_177 = tpu.memref_slice %arg7[%add3A_157, %dma_start3A_170, %dma_start3A_176] : memref<32x2x100xi32, #tpu.memory_space<vmem>> -> memref<1x1x100xi32, #tpu.memory_space<vmem>>
      %dma_start3A_178 = tpu.memref_squeeze %dma_start3A_177 : memref<1x1x100xi32, #tpu.memory_space<vmem>> -> memref<100xi32, #tpu.memory_space<vmem>>
      %dma_start3A_179 = arith.constant 0 : i32
      %dma_start3A_180 = arith.constant 0 : i32
      %dma_start3A_181 = tpu.memref_slice %arg9[%dma_start3A_179, %dma_start3A_180] : memref<1000x128xf32, #tpu.memory_space<vmem_shared>> -> memref<1000x128xf32, #tpu.memory_space<vmem_shared>>
      tpu.enqueue_indirect_dma source(%dma_start3A_181 : memref<1000x128xf32, #tpu.memory_space<vmem_shared>>) target(%dma_start3A_175 : memref<100x128xf32, #tpu.memory_space<vmem>>) offsets(%dma_start3A_178 : memref<100xi32, #tpu.memory_space<vmem>>) semaphore(%arg14 : memref<!tpu.dma_semaphore, #tpu.memory_space<semaphore_mem>>)
      %dma_wait3A_182 = arith.constant 0 : i32
      %dma_wait3A_183 = arith.constant 0 : i32
      %dma_wait3A_184 = arith.constant 0 : i32
      %dma_wait3A_185 = arith.constant 0 : i32
      %dma_wait3A_186 = tpu.memref_slice %arg8[%dma_wait3A_183, %dma_wait3A_184, %dma_wait3A_185] : memref<4x200x128xf32, #tpu.memory_space<vmem>> -> memref<1x100x128xf32, #tpu.memory_space<vmem>>
      %dma_wait3A_187 = tpu.memref_squeeze %dma_wait3A_186 : memref<1x100x128xf32, #tpu.memory_space<vmem>> -> memref<100x128xf32, #tpu.memory_space<vmem>>
      %dma_wait3A_188 = arith.constant 0 : i32
      %dma_wait3A_189 = tpu.memref_slice %arg7[%add3A_151, %dma_wait3A_182, %dma_wait3A_188] : memref<32x2x100xi32, #tpu.memory_space<vmem>> -> memref<1x1x100xi32, #tpu.memory_space<vmem>>
      %dma_wait3A_190 = tpu.memref_squeeze %dma_wait3A_189 : memref<1x1x100xi32, #tpu.memory_space<vmem>> -> memref<100xi32, #tpu.memory_space<vmem>>
      %dma_wait3A_191 = arith.constant 0 : i32
      %dma_wait3A_192 = arith.constant 0 : i32
      %dma_wait3A_193 = tpu.memref_slice %arg9[%dma_wait3A_191, %dma_wait3A_192] : memref<1000x128xf32, #tpu.memory_space<vmem_shared>> -> memref<1000x128xf32, #tpu.memory_space<vmem_shared>>
      tpu.wait_indirect_dma semaphore(%arg12 : memref<!tpu.dma_semaphore, #tpu.memory_space<semaphore_mem>>) src(%dma_wait3A_193 : memref<1000x128xf32, #tpu.memory_space<vmem_shared>>) dst(%dma_wait3A_187 : memref<100x128xf32, #tpu.memory_space<vmem>>)
      %dma_wait3A_194 = arith.constant 1 : i32
      %dma_wait3A_195 = arith.constant 0 : i32
      %dma_wait3A_196 = arith.constant 100 : i32
      %dma_wait3A_197 = arith.constant 0 : i32
      %dma_wait3A_198 = tpu.memref_slice %arg8[%dma_wait3A_195, %dma_wait3A_196, %dma_wait3A_197] : memref<4x200x128xf32, #tpu.memory_space<vmem>> -> memref<1x100x128xf32, #tpu.memory_space<vmem>>
      %dma_wait3A_199 = tpu.memref_squeeze %dma_wait3A_198 : memref<1x100x128xf32, #tpu.memory_space<vmem>> -> memref<100x128xf32, #tpu.memory_space<vmem>>
      %dma_wait3A_200 = arith.constant 0 : i32
      %dma_wait3A_201 = tpu.memref_slice %arg7[%add3A_151, %dma_wait3A_194, %dma_wait3A_200] : memref<32x2x100xi32, #tpu.memory_space<vmem>> -> memref<1x1x100xi32, #tpu.memory_space<vmem>>
      %dma_wait3A_202 = tpu.memref_squeeze %dma_wait3A_201 : memref<1x1x100xi32, #tpu.memory_space<vmem>> -> memref<100xi32, #tpu.memory_space<vmem>>
      %dma_wait3A_203 = arith.constant 0 : i32
      %dma_wait3A_204 = arith.constant 0 : i32
      %dma_wait3A_205 = tpu.memref_slice %arg9[%dma_wait3A_203, %dma_wait3A_204] : memref<1000x128xf32, #tpu.memory_space<vmem_shared>> -> memref<1000x128xf32, #tpu.memory_space<vmem_shared>>
      tpu.wait_indirect_dma semaphore(%arg12 : memref<!tpu.dma_semaphore, #tpu.memory_space<semaphore_mem>>) src(%dma_wait3A_205 : memref<1000x128xf32, #tpu.memory_space<vmem_shared>>) dst(%dma_wait3A_199 : memref<100x128xf32, #tpu.memory_space<vmem>>)
      %get3A_206 = arith.constant 0 : i32
      %get3A_207 = arith.constant 199 : i32
      %get3A_208 = arith.index_cast %get3A_206 : i32 to index
      %get3A_209 = arith.index_cast %get3A_207 : i32 to index
      %get3A_210 = arith.constant 0 : index
      %get3A_211 = tpu.vector_load %arg8[%get3A_208, %get3A_209, %get3A_210] {strides = array<i32>} : memref<4x200x128xf32, #tpu.memory_space<vmem>>, vector<1x1x16xf32>,
      %get3A_212 = vector.shape_cast %get3A_211 : vector<1x1x16xf32> to vector<16xf32>
      %get3A_213 = arith.constant 0 : i32
      %get3A_214 = arith.constant 199 : i32
      %get3A_215 = arith.index_cast %get3A_213 : i32 to index
      %get3A_216 = arith.index_cast %get3A_214 : i32 to index
      %get3A_217 = arith.constant 16 : index
      %get3A_218 = tpu.vector_load %arg8[%get3A_215, %get3A_216, %get3A_217] {strides = array<i32>} : memref<4x200x128xf32, #tpu.memory_space<vmem>>, vector<1x1x16xf32>,
      %get3A_219 = vector.shape_cast %get3A_218 : vector<1x1x16xf32> to vector<16xf32>
      %get3A_220 = arith.constant 0 : i32
      %get3A_221 = arith.constant 199 : i32
      %get3A_222 = arith.index_cast %get3A_220 : i32 to index
      %get3A_223 = arith.index_cast %get3A_221 : i32 to index
      %get3A_224 = arith.constant 32 : index
      %get3A_225 = tpu.vector_load %arg8[%get3A_222, %get3A_223, %get3A_224] {strides = array<i32>} : memref<4x200x128xf32, #tpu.memory_space<vmem>>, vector<1x1x16xf32>,
      %get3A_226 = vector.shape_cast %get3A_225 : vector<1x1x16xf32> to vector<16xf32>
      %get3A_227 = arith.constant 0 : i32
      %get3A_228 = arith.constant 199 : i32
      %get3A_229 = arith.index_cast %get3A_227 : i32 to index
      %get3A_230 = arith.index_cast %get3A_228 : i32 to index
      %get3A_231 = arith.constant 48 : index
      %get3A_232 = tpu.vector_load %arg8[%get3A_229, %get3A_230, %get3A_231] {strides = array<i32>} : memref<4x200x128xf32, #tpu.memory_space<vmem>>, vector<1x1x16xf32>,
      %get3A_233 = vector.shape_cast %get3A_232 : vector<1x1x16xf32> to vector<16xf32>
      %get3A_234 = arith.constant 0 : i32
      %get3A_235 = arith.constant 199 : i32
      %get3A_236 = arith.index_cast %get3A_234 : i32 to index
      %get3A_237 = arith.index_cast %get3A_235 : i32 to index
      %get3A_238 = arith.constant 64 : index
      %get3A_239 = tpu.vector_load %arg8[%get3A_236, %get3A_237, %get3A_238] {strides = array<i32>} : memref<4x200x128xf32, #tpu.memory_space<vmem>>, vector<1x1x16xf32>,
      %get3A_240 = vector.shape_cast %get3A_239 : vector<1x1x16xf32> to vector<16xf32>
      %get3A_241 = arith.constant 0 : i32
      %get3A_242 = arith.constant 199 : i32
      %get3A_243 = arith.index_cast %get3A_241 : i32 to index
      %get3A_244 = arith.index_cast %get3A_242 : i32 to index
      %get3A_245 = arith.constant 80 : index
      %get3A_246 = tpu.vector_load %arg8[%get3A_243, %get3A_244, %get3A_245] {strides = array<i32>} : memref<4x200x128xf32, #tpu.memory_space<vmem>>, vector<1x1x16xf32>,
      %get3A_247 = vector.shape_cast %get3A_246 : vector<1x1x16xf32> to vector<16xf32>
      %get3A_248 = arith.constant 0 : i32
      %get3A_249 = arith.constant 199 : i32
      %get3A_250 = arith.index_cast %get3A_248 : i32 to index
      %get3A_251 = arith.index_cast %get3A_249 : i32 to index
      %get3A_252 = arith.constant 96 : index
      %get3A_253 = tpu.vector_load %arg8[%get3A_250, %get3A_251, %get3A_252] {strides = array<i32>} : memref<4x200x128xf32, #tpu.memory_space<vmem>>, vector<1x1x16xf32>,
      %get3A_254 = vector.shape_cast %get3A_253 : vector<1x1x16xf32> to vector<16xf32>
      %get3A_255 = arith.constant 0 : i32
      %get3A_256 = arith.constant 199 : i32
      %get3A_257 = arith.index_cast %get3A_255 : i32 to index
      %get3A_258 = arith.index_cast %get3A_256 : i32 to index
      %get3A_259 = arith.constant 112 : index
      %get3A_260 = tpu.vector_load %arg8[%get3A_257, %get3A_258, %get3A_259] {strides = array<i32>} : memref<4x200x128xf32, #tpu.memory_space<vmem>>, vector<1x1x16xf32>,
      %get3A_261 = vector.shape_cast %get3A_260 : vector<1x1x16xf32> to vector<16xf32>
      %scan3A_262 = arith.constant 0 : i32
      %scan3A_263 = arith.constant 199 : i32
      %scan3A_264 = arith.addi %scan3A_262, %scan3A_263 : i32
      %scan3A_265 = arith.constant 1 : i32
      %scan3A_266:8 = scf.for %scan3A_977 = %scan3A_262 to %scan3A_264 step %scan3A_265 iter_args(%scan3A_978 = %get3A_212, %scan3A_979 = %get3A_219, %scan3A_980 = %get3A_226, %scan3A_981 = %get3A_233, %scan3A_982 = %get3A_240, %scan3A_983 = %get3A_247, %scan3A_984 = %get3A_254, %scan3A_985 = %get3A_261) -> (vector<16xf32>, vector<16xf32>, vector<16xf32>, vector<16xf32>, vector<16xf32>, vector<16xf32>, vector<16xf32>, vector<16xf32>)  : i32 {
        %sub3A_986 = arith.constant 199 : i32
        %sub3A_987 = arith.subi %sub3A_986, %scan3A_977 : i32
        %sub3A_988 = arith.constant 1 : i32
        %sub3A_989 = arith.subi %sub3A_987, %sub3A_988 : i32
        %get3A_990 = arith.constant 0 : i32
        %get3A_991 = arith.index_cast %get3A_990 : i32 to index
        %get3A_992 = arith.index_cast %sub3A_989 : i32 to index
        %get3A_993 = arith.constant 0 : index
        %get3A_994 = tpu.vector_load %arg8[%get3A_991, %get3A_992, %get3A_993] {strides = array<i32>} : memref<4x200x128xf32, #tpu.memory_space<vmem>>, vector<1x1x16xf32>,
        %get3A_995 = vector.shape_cast %get3A_994 : vector<1x1x16xf32> to vector<16xf32>
        %mul3A_996 = arith.mulf %get3A_30, %scan3A_978 : vector<16xf32>
        %mul3A_997 = arith.mulf %get3A_6, %get3A_995 : vector<16xf32>
        %add3A_998 = arith.addf %mul3A_996, %mul3A_997 : vector<16xf32>
        %swap3A_999 = arith.constant 0 : i32
        %swap3A_1000 = arith.index_cast %swap3A_999 : i32 to index
        %swap3A_1001 = arith.index_cast %sub3A_987 : i32 to index
        %swap3A_1002 = arith.constant 0 : index
        %swap3A_1003 = tpu.vector_load %arg8[%swap3A_1000, %swap3A_1001, %swap3A_1002] {strides = array<i32>} : memref<4x200x128xf32, #tpu.memory_space<vmem>>, vector<1x1x16xf32>,
        %swap3A_1004 = vector.shape_cast %swap3A_1003 : vector<1x1x16xf32> to vector<16xf32>
        %swap3A_1005 = vector.shape_cast %add3A_998 : vector<16xf32> to vector<1x1x16xf32>
        tpu.vector_store %arg8[%swap3A_1000, %swap3A_1001, %swap3A_1002], %swap3A_1005 {strides = array<i32>} : memref<4x200x128xf32, #tpu.memory_space<vmem>>, vector<1x1x16xf32>,
        %sub3A_1006 = arith.constant 1 : i32
        %sub3A_1007 = arith.subi %sub3A_987, %sub3A_1006 : i32
        %get3A_1008 = arith.constant 0 : i32
        %get3A_1009 = arith.index_cast %get3A_1008 : i32 to index
        %get3A_1010 = arith.index_cast %sub3A_1007 : i32 to index
        %get3A_1011 = arith.constant 16 : index
        %get3A_1012 = tpu.vector_load %arg8[%get3A_1009, %get3A_1010, %get3A_1011] {strides = array<i32>} : memref<4x200x128xf32, #tpu.memory_space<vmem>>, vector<1x1x16xf32>,
        %get3A_1013 = vector.shape_cast %get3A_1012 : vector<1x1x16xf32> to vector<16xf32>
        %mul3A_1014 = arith.mulf %get3A_33, %scan3A_979 : vector<16xf32>
        %mul3A_1015 = arith.mulf %get3A_9, %get3A_1013 : vector<16xf32>
        %add3A_1016 = arith.addf %mul3A_1014, %mul3A_1015 : vector<16xf32>
        %swap3A_1017 = arith.constant 0 : i32
        %swap3A_1018 = arith.index_cast %swap3A_1017 : i32 to index
        %swap3A_1019 = arith.index_cast %sub3A_987 : i32 to index
        %swap3A_1020 = arith.constant 16 : index
        %swap3A_1021 = tpu.vector_load %arg8[%swap3A_1018, %swap3A_1019, %swap3A_1020] {strides = array<i32>} : memref<4x200x128xf32, #tpu.memory_space<vmem>>, vector<1x1x16xf32>,
        %swap3A_1022 = vector.shape_cast %swap3A_1021 : vector<1x1x16xf32> to vector<16xf32>
        %swap3A_1023 = vector.shape_cast %add3A_1016 : vector<16xf32> to vector<1x1x16xf32>
        tpu.vector_store %arg8[%swap3A_1018, %swap3A_1019, %swap3A_1020], %swap3A_1023 {strides = array<i32>} : memref<4x200x128xf32, #tpu.memory_space<vmem>>, vector<1x1x16xf32>,
        %sub3A_1024 = arith.constant 1 : i32
        %sub3A_1025 = arith.subi %sub3A_987, %sub3A_1024 : i32
        %get3A_1026 = arith.constant 0 : i32
        %get3A_1027 = arith.index_cast %get3A_1026 : i32 to index
        %get3A_1028 = arith.index_cast %sub3A_1025 : i32 to index
        %get3A_1029 = arith.constant 32 : index
        %get3A_1030 = tpu.vector_load %arg8[%get3A_1027, %get3A_1028, %get3A_1029] {strides = array<i32>} : memref<4x200x128xf32, #tpu.memory_space<vmem>>, vector<1x1x16xf32>,
        %get3A_1031 = vector.shape_cast %get3A_1030 : vector<1x1x16xf32> to vector<16xf32>
        %mul3A_1032 = arith.mulf %get3A_36, %scan3A_980 : vector<16xf32>
        %mul3A_1033 = arith.mulf %get3A_12, %get3A_1031 : vector<16xf32>
        %add3A_1034 = arith.addf %mul3A_1032, %mul3A_1033 : vector<16xf32>
        %swap3A_1035 = arith.constant 0 : i32
        %swap3A_1036 = arith.index_cast %swap3A_1035 : i32 to index
        %swap3A_1037 = arith.index_cast %sub3A_987 : i32 to index
        %swap3A_1038 = arith.constant 32 : index
        %swap3A_1039 = tpu.vector_load %arg8[%swap3A_1036, %swap3A_1037, %swap3A_1038] {strides = array<i32>} : memref<4x200x128xf32, #tpu.memory_space<vmem>>, vector<1x1x16xf32>,
        %swap3A_1040 = vector.shape_cast %swap3A_1039 : vector<1x1x16xf32> to vector<16xf32>
        %swap3A_1041 = vector.shape_cast %add3A_1034 : vector<16xf32> to vector<1x1x16xf32>
        tpu.vector_store %arg8[%swap3A_1036, %swap3A_1037, %swap3A_1038], %swap3A_1041 {strides = array<i32>} : memref<4x200x128xf32, #tpu.memory_space<vmem>>, vector<1x1x16xf32>,
        %sub3A_1042 = arith.constant 1 : i32
        %sub3A_1043 = arith.subi %sub3A_987, %sub3A_1042 : i32
        %get3A_1044 = arith.constant 0 : i32
        %get3A_1045 = arith.index_cast %get3A_1044 : i32 to index
        %get3A_1046 = arith.index_cast %sub3A_1043 : i32 to index
        %get3A_1047 = arith.constant 48 : index
        %get3A_1048 = tpu.vector_load %arg8[%get3A_1045, %get3A_1046, %get3A_1047] {strides = array<i32>} : memref<4x200x128xf32, #tpu.memory_space<vmem>>, vector<1x1x16xf32>,
        %get3A_1049 = vector.shape_cast %get3A_1048 : vector<1x1x16xf32> to vector<16xf32>
        %mul3A_1050 = arith.mulf %get3A_39, %scan3A_981 : vector<16xf32>
        %mul3A_1051 = arith.mulf %get3A_15, %get3A_1049 : vector<16xf32>
        %add3A_1052 = arith.addf %mul3A_1050, %mul3A_1051 : vector<16xf32>
        %swap3A_1053 = arith.constant 0 : i32
        %swap3A_1054 = arith.index_cast %swap3A_1053 : i32 to index
        %swap3A_1055 = arith.index_cast %sub3A_987 : i32 to index
        %swap3A_1056 = arith.constant 48 : index
        %swap3A_1057 = tpu.vector_load %arg8[%swap3A_1054, %swap3A_1055, %swap3A_1056] {strides = array<i32>} : memref<4x200x128xf32, #tpu.memory_space<vmem>>, vector<1x1x16xf32>,
        %swap3A_1058 = vector.shape_cast %swap3A_1057 : vector<1x1x16xf32> to vector<16xf32>
        %swap3A_1059 = vector.shape_cast %add3A_1052 : vector<16xf32> to vector<1x1x16xf32>
        tpu.vector_store %arg8[%swap3A_1054, %swap3A_1055, %swap3A_1056], %swap3A_1059 {strides = array<i32>} : memref<4x200x128xf32, #tpu.memory_space<vmem>>, vector<1x1x16xf32>,
        %sub3A_1060 = arith.constant 1 : i32
        %sub3A_1061 = arith.subi %sub3A_987, %sub3A_1060 : i32
        %get3A_1062 = arith.constant 0 : i32
        %get3A_1063 = arith.index_cast %get3A_1062 : i32 to index
        %get3A_1064 = arith.index_cast %sub3A_1061 : i32 to index
        %get3A_1065 = arith.constant 64 : index
        %get3A_1066 = tpu.vector_load %arg8[%get3A_1063, %get3A_1064, %get3A_1065] {strides = array<i32>} : memref<4x200x128xf32, #tpu.memory_space<vmem>>, vector<1x1x16xf32>,
        %get3A_1067 = vector.shape_cast %get3A_1066 : vector<1x1x16xf32> to vector<16xf32>
        %mul3A_1068 = arith.mulf %get3A_42, %scan3A_982 : vector<16xf32>
        %mul3A_1069 = arith.mulf %get3A_18, %get3A_1067 : vector<16xf32>
        %add3A_1070 = arith.addf %mul3A_1068, %mul3A_1069 : vector<16xf32>
        %swap3A_1071 = arith.constant 0 : i32
        %swap3A_1072 = arith.index_cast %swap3A_1071 : i32 to index
        %swap3A_1073 = arith.index_cast %sub3A_987 : i32 to index
        %swap3A_1074 = arith.constant 64 : index
        %swap3A_1075 = tpu.vector_load %arg8[%swap3A_1072, %swap3A_1073, %swap3A_1074] {strides = array<i32>} : memref<4x200x128xf32, #tpu.memory_space<vmem>>, vector<1x1x16xf32>,
        %swap3A_1076 = vector.shape_cast %swap3A_1075 : vector<1x1x16xf32> to vector<16xf32>
        %swap3A_1077 = vector.shape_cast %add3A_1070 : vector<16xf32> to vector<1x1x16xf32>
        tpu.vector_store %arg8[%swap3A_1072, %swap3A_1073, %swap3A_1074], %swap3A_1077 {strides = array<i32>} : memref<4x200x128xf32, #tpu.memory_space<vmem>>, vector<1x1x16xf32>,
        %sub3A_1078 = arith.constant 1 : i32
        %sub3A_1079 = arith.subi %sub3A_987, %sub3A_1078 : i32
        %get3A_1080 = arith.constant 0 : i32
        %get3A_1081 = arith.index_cast %get3A_1080 : i32 to index
        %get3A_1082 = arith.index_cast %sub3A_1079 : i32 to index
        %get3A_1083 = arith.constant 80 : index
        %get3A_1084 = tpu.vector_load %arg8[%get3A_1081, %get3A_1082, %get3A_1083] {strides = array<i32>} : memref<4x200x128xf32, #tpu.memory_space<vmem>>, vector<1x1x16xf32>,
        %get3A_1085 = vector.shape_cast %get3A_1084 : vector<1x1x16xf32> to vector<16xf32>
        %mul3A_1086 = arith.mulf %get3A_45, %scan3A_983 : vector<16xf32>
        %mul3A_1087 = arith.mulf %get3A_21, %get3A_1085 : vector<16xf32>
        %add3A_1088 = arith.addf %mul3A_1086, %mul3A_1087 : vector<16xf32>
        %swap3A_1089 = arith.constant 0 : i32
        %swap3A_1090 = arith.index_cast %swap3A_1089 : i32 to index
        %swap3A_1091 = arith.index_cast %sub3A_987 : i32 to index
        %swap3A_1092 = arith.constant 80 : index
        %swap3A_1093 = tpu.vector_load %arg8[%swap3A_1090, %swap3A_1091, %swap3A_1092] {strides = array<i32>} : memref<4x200x128xf32, #tpu.memory_space<vmem>>, vector<1x1x16xf32>,
        %swap3A_1094 = vector.shape_cast %swap3A_1093 : vector<1x1x16xf32> to vector<16xf32>
        %swap3A_1095 = vector.shape_cast %add3A_1088 : vector<16xf32> to vector<1x1x16xf32>
        tpu.vector_store %arg8[%swap3A_1090, %swap3A_1091, %swap3A_1092], %swap3A_1095 {strides = array<i32>} : memref<4x200x128xf32, #tpu.memory_space<vmem>>, vector<1x1x16xf32>,
        %sub3A_1096 = arith.constant 1 : i32
        %sub3A_1097 = arith.subi %sub3A_987, %sub3A_1096 : i32
        %get3A_1098 = arith.constant 0 : i32
        %get3A_1099 = arith.index_cast %get3A_1098 : i32 to index
        %get3A_1100 = arith.index_cast %sub3A_1097 : i32 to index
        %get3A_1101 = arith.constant 96 : index
        %get3A_1102 = tpu.vector_load %arg8[%get3A_1099, %get3A_1100, %get3A_1101] {strides = array<i32>} : memref<4x200x128xf32, #tpu.memory_space<vmem>>, vector<1x1x16xf32>,
        %get3A_1103 = vector.shape_cast %get3A_1102 : vector<1x1x16xf32> to vector<16xf32>
        %mul3A_1104 = arith.mulf %get3A_48, %scan3A_984 : vector<16xf32>
        %mul3A_1105 = arith.mulf %get3A_24, %get3A_1103 : vector<16xf32>
        %add3A_1106 = arith.addf %mul3A_1104, %mul3A_1105 : vector<16xf32>
        %swap3A_1107 = arith.constant 0 : i32
        %swap3A_1108 = arith.index_cast %swap3A_1107 : i32 to index
        %swap3A_1109 = arith.index_cast %sub3A_987 : i32 to index
        %swap3A_1110 = arith.constant 96 : index
        %swap3A_1111 = tpu.vector_load %arg8[%swap3A_1108, %swap3A_1109, %swap3A_1110] {strides = array<i32>} : memref<4x200x128xf32, #tpu.memory_space<vmem>>, vector<1x1x16xf32>,
        %swap3A_1112 = vector.shape_cast %swap3A_1111 : vector<1x1x16xf32> to vector<16xf32>
        %swap3A_1113 = vector.shape_cast %add3A_1106 : vector<16xf32> to vector<1x1x16xf32>
        tpu.vector_store %arg8[%swap3A_1108, %swap3A_1109, %swap3A_1110], %swap3A_1113 {strides = array<i32>} : memref<4x200x128xf32, #tpu.memory_space<vmem>>, vector<1x1x16xf32>,
        %sub3A_1114 = arith.constant 1 : i32
        %sub3A_1115 = arith.subi %sub3A_987, %sub3A_1114 : i32
        %get3A_1116 = arith.constant 0 : i32
        %get3A_1117 = arith.index_cast %get3A_1116 : i32 to index
        %get3A_1118 = arith.index_cast %sub3A_1115 : i32 to index
        %get3A_1119 = arith.constant 112 : index
        %get3A_1120 = tpu.vector_load %arg8[%get3A_1117, %get3A_1118, %get3A_1119] {strides = array<i32>} : memref<4x200x128xf32, #tpu.memory_space<vmem>>, vector<1x1x16xf32>,
        %get3A_1121 = vector.shape_cast %get3A_1120 : vector<1x1x16xf32> to vector<16xf32>
        %mul3A_1122 = arith.mulf %get3A_51, %scan3A_985 : vector<16xf32>
        %mul3A_1123 = arith.mulf %get3A_27, %get3A_1121 : vector<16xf32>
        %add3A_1124 = arith.addf %mul3A_1122, %mul3A_1123 : vector<16xf32>
        %swap3A_1125 = arith.constant 0 : i32
        %swap3A_1126 = arith.index_cast %swap3A_1125 : i32 to index
        %swap3A_1127 = arith.index_cast %sub3A_987 : i32 to index
        %swap3A_1128 = arith.constant 112 : index
        %swap3A_1129 = tpu.vector_load %arg8[%swap3A_1126, %swap3A_1127, %swap3A_1128] {strides = array<i32>} : memref<4x200x128xf32, #tpu.memory_space<vmem>>, vector<1x1x16xf32>,
        %swap3A_1130 = vector.shape_cast %swap3A_1129 : vector<1x1x16xf32> to vector<16xf32>
        %swap3A_1131 = vector.shape_cast %add3A_1124 : vector<16xf32> to vector<1x1x16xf32>
        tpu.vector_store %arg8[%swap3A_1126, %swap3A_1127, %swap3A_1128], %swap3A_1131 {strides = array<i32>} : memref<4x200x128xf32, #tpu.memory_space<vmem>>, vector<1x1x16xf32>,
        scf.yield %get3A_995, %get3A_1013, %get3A_1031, %get3A_1049, %get3A_1067, %get3A_1085, %get3A_1103, %get3A_1121 : vector<16xf32>, vector<16xf32>, vector<16xf32>, vector<16xf32>, vector<16xf32>, vector<16xf32>, vector<16xf32>, vector<16xf32>
      }
      %scan3A_267 = arith.constant 199 : i32
      %mul3A_268 = arith.mulf %get3A_30, %scan3A_266#0 : vector<16xf32>
      %swap3A = arith.constant 0 : i32
      %swap3A_269 = arith.constant 0 : i32
      %swap3A_270 = arith.index_cast %swap3A : i32 to index
      %swap3A_271 = arith.index_cast %swap3A_269 : i32 to index
      %swap3A_272 = arith.constant 0 : index
      %swap3A_273 = tpu.vector_load %arg8[%swap3A_270, %swap3A_271, %swap3A_272] {strides = array<i32>} : memref<4x200x128xf32, #tpu.memory_space<vmem>>, vector<1x1x16xf32>,
      %swap3A_274 = vector.shape_cast %swap3A_273 : vector<1x1x16xf32> to vector<16xf32>
      %swap3A_275 = vector.shape_cast %mul3A_268 : vector<16xf32> to vector<1x1x16xf32>
      tpu.vector_store %arg8[%swap3A_270, %swap3A_271, %swap3A_272], %swap3A_275 {strides = array<i32>} : memref<4x200x128xf32, #tpu.memory_space<vmem>>, vector<1x1x16xf32>,
      %mul3A_276 = arith.mulf %get3A_33, %scan3A_266#1 : vector<16xf32>
      %swap3A_277 = arith.constant 0 : i32
      %swap3A_278 = arith.constant 0 : i32
      %swap3A_279 = arith.index_cast %swap3A_277 : i32 to index
      %swap3A_280 = arith.index_cast %swap3A_278 : i32 to index
      %swap3A_281 = arith.constant 16 : index
      %swap3A_282 = tpu.vector_load %arg8[%swap3A_279, %swap3A_280, %swap3A_281] {strides = array<i32>} : memref<4x200x128xf32, #tpu.memory_space<vmem>>, vector<1x1x16xf32>,
      %swap3A_283 = vector.shape_cast %swap3A_282 : vector<1x1x16xf32> to vector<16xf32>
      %swap3A_284 = vector.shape_cast %mul3A_276 : vector<16xf32> to vector<1x1x16xf32>
      tpu.vector_store %arg8[%swap3A_279, %swap3A_280, %swap3A_281], %swap3A_284 {strides = array<i32>} : memref<4x200x128xf32, #tpu.memory_space<vmem>>, vector<1x1x16xf32>,
      %mul3A_285 = arith.mulf %get3A_36, %scan3A_266#2 : vector<16xf32>
      %swap3A_286 = arith.constant 0 : i32
      %swap3A_287 = arith.constant 0 : i32
      %swap3A_288 = arith.index_cast %swap3A_286 : i32 to index
      %swap3A_289 = arith.index_cast %swap3A_287 : i32 to index
      %swap3A_290 = arith.constant 32 : index
      %swap3A_291 = tpu.vector_load %arg8[%swap3A_288, %swap3A_289, %swap3A_290] {strides = array<i32>} : memref<4x200x128xf32, #tpu.memory_space<vmem>>, vector<1x1x16xf32>,
      %swap3A_292 = vector.shape_cast %swap3A_291 : vector<1x1x16xf32> to vector<16xf32>
      %swap3A_293 = vector.shape_cast %mul3A_285 : vector<16xf32> to vector<1x1x16xf32>
      tpu.vector_store %arg8[%swap3A_288, %swap3A_289, %swap3A_290], %swap3A_293 {strides = array<i32>} : memref<4x200x128xf32, #tpu.memory_space<vmem>>, vector<1x1x16xf32>,
      %mul3A_294 = arith.mulf %get3A_39, %scan3A_266#3 : vector<16xf32>
      %swap3A_295 = arith.constant 0 : i32
      %swap3A_296 = arith.constant 0 : i32
      %swap3A_297 = arith.index_cast %swap3A_295 : i32 to index
      %swap3A_298 = arith.index_cast %swap3A_296 : i32 to index
      %swap3A_299 = arith.constant 48 : index
      %swap3A_300 = tpu.vector_load %arg8[%swap3A_297, %swap3A_298, %swap3A_299] {strides = array<i32>} : memref<4x200x128xf32, #tpu.memory_space<vmem>>, vector<1x1x16xf32>,
      %swap3A_301 = vector.shape_cast %swap3A_300 : vector<1x1x16xf32> to vector<16xf32>
      %swap3A_302 = vector.shape_cast %mul3A_294 : vector<16xf32> to vector<1x1x16xf32>
      tpu.vector_store %arg8[%swap3A_297, %swap3A_298, %swap3A_299], %swap3A_302 {strides = array<i32>} : memref<4x200x128xf32, #tpu.memory_space<vmem>>, vector<1x1x16xf32>,
      %mul3A_303 = arith.mulf %get3A_42, %scan3A_266#4 : vector<16xf32>
      %swap3A_304 = arith.constant 0 : i32
      %swap3A_305 = arith.constant 0 : i32
      %swap3A_306 = arith.index_cast %swap3A_304 : i32 to index
      %swap3A_307 = arith.index_cast %swap3A_305 : i32 to index
      %swap3A_308 = arith.constant 64 : index
      %swap3A_309 = tpu.vector_load %arg8[%swap3A_306, %swap3A_307, %swap3A_308] {strides = array<i32>} : memref<4x200x128xf32, #tpu.memory_space<vmem>>, vector<1x1x16xf32>,
      %swap3A_310 = vector.shape_cast %swap3A_309 : vector<1x1x16xf32> to vector<16xf32>
      %swap3A_311 = vector.shape_cast %mul3A_303 : vector<16xf32> to vector<1x1x16xf32>
      tpu.vector_store %arg8[%swap3A_306, %swap3A_307, %swap3A_308], %swap3A_311 {strides = array<i32>} : memref<4x200x128xf32, #tpu.memory_space<vmem>>, vector<1x1x16xf32>,
      %mul3A_312 = arith.mulf %get3A_45, %scan3A_266#5 : vector<16xf32>
      %swap3A_313 = arith.constant 0 : i32
      %swap3A_314 = arith.constant 0 : i32
      %swap3A_315 = arith.index_cast %swap3A_313 : i32 to index
      %swap3A_316 = arith.index_cast %swap3A_314 : i32 to index
      %swap3A_317 = arith.constant 80 : index
      %swap3A_318 = tpu.vector_load %arg8[%swap3A_315, %swap3A_316, %swap3A_317] {strides = array<i32>} : memref<4x200x128xf32, #tpu.memory_space<vmem>>, vector<1x1x16xf32>,
      %swap3A_319 = vector.shape_cast %swap3A_318 : vector<1x1x16xf32> to vector<16xf32>
      %swap3A_320 = vector.shape_cast %mul3A_312 : vector<16xf32> to vector<1x1x16xf32>
      tpu.vector_store %arg8[%swap3A_315, %swap3A_316, %swap3A_317], %swap3A_320 {strides = array<i32>} : memref<4x200x128xf32, #tpu.memory_space<vmem>>, vector<1x1x16xf32>,
      %mul3A_321 = arith.mulf %get3A_48, %scan3A_266#6 : vector<16xf32>
      %swap3A_322 = arith.constant 0 : i32
      %swap3A_323 = arith.constant 0 : i32
      %swap3A_324 = arith.index_cast %swap3A_322 : i32 to index
      %swap3A_325 = arith.index_cast %swap3A_323 : i32 to index
      %swap3A_326 = arith.constant 96 : index
      %swap3A_327 = tpu.vector_load %arg8[%swap3A_324, %swap3A_325, %swap3A_326] {strides = array<i32>} : memref<4x200x128xf32, #tpu.memory_space<vmem>>, vector<1x1x16xf32>,
      %swap3A_328 = vector.shape_cast %swap3A_327 : vector<1x1x16xf32> to vector<16xf32>
      %swap3A_329 = vector.shape_cast %mul3A_321 : vector<16xf32> to vector<1x1x16xf32>
      tpu.vector_store %arg8[%swap3A_324, %swap3A_325, %swap3A_326], %swap3A_329 {strides = array<i32>} : memref<4x200x128xf32, #tpu.memory_space<vmem>>, vector<1x1x16xf32>,
      %mul3A_330 = arith.mulf %get3A_51, %scan3A_266#7 : vector<16xf32>
      %swap3A_331 = arith.constant 0 : i32
      %swap3A_332 = arith.constant 0 : i32
      %swap3A_333 = arith.index_cast %swap3A_331 : i32 to index
      %swap3A_334 = arith.index_cast %swap3A_332 : i32 to index
      %swap3A_335 = arith.constant 112 : index
      %swap3A_336 = tpu.vector_load %arg8[%swap3A_333, %swap3A_334, %swap3A_335] {strides = array<i32>} : memref<4x200x128xf32, #tpu.memory_space<vmem>>, vector<1x1x16xf32>,
      %swap3A_337 = vector.shape_cast %swap3A_336 : vector<1x1x16xf32> to vector<16xf32>
      %swap3A_338 = vector.shape_cast %mul3A_330 : vector<16xf32> to vector<1x1x16xf32>
      tpu.vector_store %arg8[%swap3A_333, %swap3A_334, %swap3A_335], %swap3A_338 {strides = array<i32>} : memref<4x200x128xf32, #tpu.memory_space<vmem>>, vector<1x1x16xf32>,
      %add3A_339 = arith.addi %mul3A_2, %add3A_151 : i32
      %dma_start3A_340 = arith.constant 0 : i32
      %dma_start3A_341 = arith.constant 0 : i32
      %dma_start3A_342 = arith.constant 0 : i32
      %dma_start3A_343 = tpu.memref_slice %arg8[%dma_start3A_340, %dma_start3A_341, %dma_start3A_342] : memref<4x200x128xf32, #tpu.memory_space<vmem>> -> memref<1x200x128xf32, #tpu.memory_space<vmem>>
      %dma_start3A_344 = tpu.memref_squeeze %dma_start3A_343 : memref<1x200x128xf32, #tpu.memory_space<vmem>> -> memref<200x128xf32, #tpu.memory_space<vmem>>
      %dma_start3A_345 = arith.constant 0 : i32
      %dma_start3A_346 = arith.constant 0 : i32
      %dma_start3A_347 = tpu.memref_slice %arg6[%add3A_339, %dma_start3A_345, %dma_start3A_346] : memref<1024x200x128xf32, #tpu.memory_space<hbm>> -> memref<1x200x128xf32, #tpu.memory_space<hbm>>
      %dma_start3A_348 = tpu.memref_squeeze %dma_start3A_347 : memref<1x200x128xf32, #tpu.memory_space<hbm>> -> memref<200x128xf32, #tpu.memory_space<hbm>>
      %dma_start3A_349 = arith.constant 0 : i32
      %dma_start3A_350 = arith.constant 0 : i32
      %dma_start3A_351 = tpu.memref_slice %arg6[%add3A_339, %dma_start3A_349, %dma_start3A_350] : memref<1024x200x128xf32, #tpu.memory_space<hbm>> -> memref<1x200x128xf32, #tpu.memory_space<hbm>>
      %dma_start3A_352 = tpu.memref_squeeze %dma_start3A_351 : memref<1x200x128xf32, #tpu.memory_space<hbm>> -> memref<200x128xf32, #tpu.memory_space<hbm>>
      %dma_start3A_353 = arith.constant 0 : i32
      %dma_start3A_354 = arith.constant 0 : i32
      %dma_start3A_355 = tpu.memref_slice %arg8[%dma_start3A_340, %dma_start3A_353, %dma_start3A_354] : memref<4x200x128xf32, #tpu.memory_space<vmem>> -> memref<1x200x128xf32, #tpu.memory_space<vmem>>
      %dma_start3A_356 = tpu.memref_squeeze %dma_start3A_355 : memref<1x200x128xf32, #tpu.memory_space<vmem>> -> memref<200x128xf32, #tpu.memory_space<vmem>>
      tpu.enqueue_dma source(%dma_start3A_356 : memref<200x128xf32, #tpu.memory_space<vmem>>) target(%dma_start3A_352 : memref<200x128xf32, #tpu.memory_space<hbm>>) target_semaphore(%arg16 : memref<!tpu.dma_semaphore, #tpu.memory_space<semaphore_mem>>)
      %mul3A_357 = arith.constant 4 : i32
      %mul3A_358 = arith.muli %scan3A_146, %mul3A_357 : i32
      %add3A_359 = arith.constant 1 : i32
      %add3A_360 = arith.addi %mul3A_358, %add3A_359 : i32
      %ge3A_361 = arith.constant 1 : i32
      %ge3A_362 = arith.cmpi sge, %scan3A_146, %ge3A_361 : i32
      %convert_element_type3A_363 = arith.extui %ge3A_362 : i1 to i32
      %cond3A_364 = arith.constant 0 : i32
      %cond3A_365 = arith.cmpi ne, %convert_element_type3A_363, %cond3A_364 : i32
      scf.if %cond3A_365 {
        %sub3A_977 = arith.constant 2 : i32
        %sub3A_978 = arith.subi %add3A_360, %sub3A_977 : i32
        %add3A_979 = arith.addi %mul3A_2, %sub3A_978 : i32
        %dma_wait3A_980 = arith.constant 3 : i32
        %dma_wait3A_981 = arith.constant 0 : i32
        %dma_wait3A_982 = arith.constant 0 : i32
        %dma_wait3A_983 = tpu.memref_slice %arg8[%dma_wait3A_980, %dma_wait3A_981, %dma_wait3A_982] : memref<4x200x128xf32, #tpu.memory_space<vmem>> -> memref<1x200x128xf32, #tpu.memory_space<vmem>>
        %dma_wait3A_984 = tpu.memref_squeeze %dma_wait3A_983 : memref<1x200x128xf32, #tpu.memory_space<vmem>> -> memref<200x128xf32, #tpu.memory_space<vmem>>
        %dma_wait3A_985 = arith.constant 0 : i32
        %dma_wait3A_986 = arith.constant 0 : i32
        %dma_wait3A_987 = tpu.memref_slice %arg6[%add3A_979, %dma_wait3A_985, %dma_wait3A_986] : memref<1024x200x128xf32, #tpu.memory_space<hbm>> -> memref<1x200x128xf32, #tpu.memory_space<hbm>>
        %dma_wait3A_988 = tpu.memref_squeeze %dma_wait3A_987 : memref<1x200x128xf32, #tpu.memory_space<hbm>> -> memref<200x128xf32, #tpu.memory_space<hbm>>
        %dma_wait3A_989 = arith.constant 0 : i32
        %dma_wait3A_990 = arith.constant 0 : i32
        %dma_wait3A_991 = tpu.memref_slice %arg6[%add3A_979, %dma_wait3A_989, %dma_wait3A_990] : memref<1024x200x128xf32, #tpu.memory_space<hbm>> -> memref<1x200x128xf32, #tpu.memory_space<hbm>>
        %dma_wait3A_992 = tpu.memref_squeeze %dma_wait3A_991 : memref<1x200x128xf32, #tpu.memory_space<hbm>> -> memref<200x128xf32, #tpu.memory_space<hbm>>
        %dma_wait3A_993 = arith.constant 0 : i32
        %dma_wait3A_994 = arith.constant 0 : i32
        %dma_wait3A_995 = tpu.memref_slice %arg8[%dma_wait3A_980, %dma_wait3A_993, %dma_wait3A_994] : memref<4x200x128xf32, #tpu.memory_space<vmem>> -> memref<1x200x128xf32, #tpu.memory_space<vmem>>
        %dma_wait3A_996 = tpu.memref_squeeze %dma_wait3A_995 : memref<1x200x128xf32, #tpu.memory_space<vmem>> -> memref<200x128xf32, #tpu.memory_space<vmem>>
        tpu.wait_dma2 semaphore(%arg19 : memref<!tpu.dma_semaphore, #tpu.memory_space<semaphore_mem>>) src(%dma_wait3A_996 : memref<200x128xf32, #tpu.memory_space<vmem>>) dst(%dma_wait3A_992 : memref<200x128xf32, #tpu.memory_space<hbm>>)
      } else {
      }
      %add3A_366 = arith.constant 2 : i32
      %add3A_367 = arith.addi %add3A_360, %add3A_366 : i32
      %dma_start3A_368 = arith.constant 0 : i32
      %dma_start3A_369 = arith.constant 3 : i32
      %dma_start3A_370 = arith.constant 0 : i32
      %dma_start3A_371 = arith.constant 0 : i32
      %dma_start3A_372 = tpu.memref_slice %arg8[%dma_start3A_369, %dma_start3A_370, %dma_start3A_371] : memref<4x200x128xf32, #tpu.memory_space<vmem>> -> memref<1x100x128xf32, #tpu.memory_space<vmem>>
      %dma_start3A_373 = tpu.memref_squeeze %dma_start3A_372 : memref<1x100x128xf32, #tpu.memory_space<vmem>> -> memref<100x128xf32, #tpu.memory_space<vmem>>
      %dma_start3A_374 = arith.constant 0 : i32
      %dma_start3A_375 = tpu.memref_slice %arg7[%add3A_367, %dma_start3A_368, %dma_start3A_374] : memref<32x2x100xi32, #tpu.memory_space<vmem>> -> memref<1x1x100xi32, #tpu.memory_space<vmem>>
      %dma_start3A_376 = tpu.memref_squeeze %dma_start3A_375 : memref<1x1x100xi32, #tpu.memory_space<vmem>> -> memref<100xi32, #tpu.memory_space<vmem>>
      %dma_start3A_377 = arith.constant 0 : i32
      %dma_start3A_378 = arith.constant 0 : i32
      %dma_start3A_379 = tpu.memref_slice %arg9[%dma_start3A_377, %dma_start3A_378] : memref<1000x128xf32, #tpu.memory_space<vmem_shared>> -> memref<1000x128xf32, #tpu.memory_space<vmem_shared>>
      tpu.enqueue_indirect_dma source(%dma_start3A_379 : memref<1000x128xf32, #tpu.memory_space<vmem_shared>>) target(%dma_start3A_373 : memref<100x128xf32, #tpu.memory_space<vmem>>) offsets(%dma_start3A_376 : memref<100xi32, #tpu.memory_space<vmem>>) semaphore(%arg15 : memref<!tpu.dma_semaphore, #tpu.memory_space<semaphore_mem>>)
      %dma_start3A_380 = arith.constant 1 : i32
      %dma_start3A_381 = arith.constant 3 : i32
      %dma_start3A_382 = arith.constant 100 : i32
      %dma_start3A_383 = arith.constant 0 : i32
      %dma_start3A_384 = tpu.memref_slice %arg8[%dma_start3A_381, %dma_start3A_382, %dma_start3A_383] : memref<4x200x128xf32, #tpu.memory_space<vmem>> -> memref<1x100x128xf32, #tpu.memory_space<vmem>>
      %dma_start3A_385 = tpu.memref_squeeze %dma_start3A_384 : memref<1x100x128xf32, #tpu.memory_space<vmem>> -> memref<100x128xf32, #tpu.memory_space<vmem>>
      %dma_start3A_386 = arith.constant 0 : i32
      %dma_start3A_387 = tpu.memref_slice %arg7[%add3A_367, %dma_start3A_380, %dma_start3A_386] : memref<32x2x100xi32, #tpu.memory_space<vmem>> -> memref<1x1x100xi32, #tpu.memory_space<vmem>>
      %dma_start3A_388 = tpu.memref_squeeze %dma_start3A_387 : memref<1x1x100xi32, #tpu.memory_space<vmem>> -> memref<100xi32, #tpu.memory_space<vmem>>
      %dma_start3A_389 = arith.constant 0 : i32
      %dma_start3A_390 = arith.constant 0 : i32
      %dma_start3A_391 = tpu.memref_slice %arg9[%dma_start3A_389, %dma_start3A_390] : memref<1000x128xf32, #tpu.memory_space<vmem_shared>> -> memref<1000x128xf32, #tpu.memory_space<vmem_shared>>
      tpu.enqueue_indirect_dma source(%dma_start3A_391 : memref<1000x128xf32, #tpu.memory_space<vmem_shared>>) target(%dma_start3A_385 : memref<100x128xf32, #tpu.memory_space<vmem>>) offsets(%dma_start3A_388 : memref<100xi32, #tpu.memory_space<vmem>>) semaphore(%arg15 : memref<!tpu.dma_semaphore, #tpu.memory_space<semaphore_mem>>)
      %dma_wait3A_392 = arith.constant 0 : i32
      %dma_wait3A_393 = arith.constant 1 : i32
      %dma_wait3A_394 = arith.constant 0 : i32
      %dma_wait3A_395 = arith.constant 0 : i32
      %dma_wait3A_396 = tpu.memref_slice %arg8[%dma_wait3A_393, %dma_wait3A_394, %dma_wait3A_395] : memref<4x200x128xf32, #tpu.memory_space<vmem>> -> memref<1x100x128xf32, #tpu.memory_space<vmem>>
      %dma_wait3A_397 = tpu.memref_squeeze %dma_wait3A_396 : memref<1x100x128xf32, #tpu.memory_space<vmem>> -> memref<100x128xf32, #tpu.memory_space<vmem>>
      %dma_wait3A_398 = arith.constant 0 : i32
      %dma_wait3A_399 = tpu.memref_slice %arg7[%add3A_360, %dma_wait3A_392, %dma_wait3A_398] : memref<32x2x100xi32, #tpu.memory_space<vmem>> -> memref<1x1x100xi32, #tpu.memory_space<vmem>>
      %dma_wait3A_400 = tpu.memref_squeeze %dma_wait3A_399 : memref<1x1x100xi32, #tpu.memory_space<vmem>> -> memref<100xi32, #tpu.memory_space<vmem>>
      %dma_wait3A_401 = arith.constant 0 : i32
      %dma_wait3A_402 = arith.constant 0 : i32
      %dma_wait3A_403 = tpu.memref_slice %arg9[%dma_wait3A_401, %dma_wait3A_402] : memref<1000x128xf32, #tpu.memory_space<vmem_shared>> -> memref<1000x128xf32, #tpu.memory_space<vmem_shared>>
      tpu.wait_indirect_dma semaphore(%arg13 : memref<!tpu.dma_semaphore, #tpu.memory_space<semaphore_mem>>) src(%dma_wait3A_403 : memref<1000x128xf32, #tpu.memory_space<vmem_shared>>) dst(%dma_wait3A_397 : memref<100x128xf32, #tpu.memory_space<vmem>>)
      %dma_wait3A_404 = arith.constant 1 : i32
      %dma_wait3A_405 = arith.constant 1 : i32
      %dma_wait3A_406 = arith.constant 100 : i32
      %dma_wait3A_407 = arith.constant 0 : i32
      %dma_wait3A_408 = tpu.memref_slice %arg8[%dma_wait3A_405, %dma_wait3A_406, %dma_wait3A_407] : memref<4x200x128xf32, #tpu.memory_space<vmem>> -> memref<1x100x128xf32, #tpu.memory_space<vmem>>
      %dma_wait3A_409 = tpu.memref_squeeze %dma_wait3A_408 : memref<1x100x128xf32, #tpu.memory_space<vmem>> -> memref<100x128xf32, #tpu.memory_space<vmem>>
      %dma_wait3A_410 = arith.constant 0 : i32
      %dma_wait3A_411 = tpu.memref_slice %arg7[%add3A_360, %dma_wait3A_404, %dma_wait3A_410] : memref<32x2x100xi32, #tpu.memory_space<vmem>> -> memref<1x1x100xi32, #tpu.memory_space<vmem>>
      %dma_wait3A_412 = tpu.memref_squeeze %dma_wait3A_411 : memref<1x1x100xi32, #tpu.memory_space<vmem>> -> memref<100xi32, #tpu.memory_space<vmem>>
      %dma_wait3A_413 = arith.constant 0 : i32
      %dma_wait3A_414 = arith.constant 0 : i32
      %dma_wait3A_415 = tpu.memref_slice %arg9[%dma_wait3A_413, %dma_wait3A_414] : memref<1000x128xf32, #tpu.memory_space<vmem_shared>> -> memref<1000x128xf32, #tpu.memory_space<vmem_shared>>
      tpu.wait_indirect_dma semaphore(%arg13 : memref<!tpu.dma_semaphore, #tpu.memory_space<semaphore_mem>>) src(%dma_wait3A_415 : memref<1000x128xf32, #tpu.memory_space<vmem_shared>>) dst(%dma_wait3A_409 : memref<100x128xf32, #tpu.memory_space<vmem>>)
      %get3A_416 = arith.constant 1 : i32
      %get3A_417 = arith.constant 199 : i32
      %get3A_418 = arith.index_cast %get3A_416 : i32 to index
      %get3A_419 = arith.index_cast %get3A_417 : i32 to index
      %get3A_420 = arith.constant 0 : index
      %get3A_421 = tpu.vector_load %arg8[%get3A_418, %get3A_419, %get3A_420] {strides = array<i32>} : memref<4x200x128xf32, #tpu.memory_space<vmem>>, vector<1x1x16xf32>,
      %get3A_422 = vector.shape_cast %get3A_421 : vector<1x1x16xf32> to vector<16xf32>
      %get3A_423 = arith.constant 1 : i32
      %get3A_424 = arith.constant 199 : i32
      %get3A_425 = arith.index_cast %get3A_423 : i32 to index
      %get3A_426 = arith.index_cast %get3A_424 : i32 to index
      %get3A_427 = arith.constant 16 : index
      %get3A_428 = tpu.vector_load %arg8[%get3A_425, %get3A_426, %get3A_427] {strides = array<i32>} : memref<4x200x128xf32, #tpu.memory_space<vmem>>, vector<1x1x16xf32>,
      %get3A_429 = vector.shape_cast %get3A_428 : vector<1x1x16xf32> to vector<16xf32>
      %get3A_430 = arith.constant 1 : i32
      %get3A_431 = arith.constant 199 : i32
      %get3A_432 = arith.index_cast %get3A_430 : i32 to index
      %get3A_433 = arith.index_cast %get3A_431 : i32 to index
      %get3A_434 = arith.constant 32 : index
      %get3A_435 = tpu.vector_load %arg8[%get3A_432, %get3A_433, %get3A_434] {strides = array<i32>} : memref<4x200x128xf32, #tpu.memory_space<vmem>>, vector<1x1x16xf32>,
      %get3A_436 = vector.shape_cast %get3A_435 : vector<1x1x16xf32> to vector<16xf32>
      %get3A_437 = arith.constant 1 : i32
      %get3A_438 = arith.constant 199 : i32
      %get3A_439 = arith.index_cast %get3A_437 : i32 to index
      %get3A_440 = arith.index_cast %get3A_438 : i32 to index
      %get3A_441 = arith.constant 48 : index
      %get3A_442 = tpu.vector_load %arg8[%get3A_439, %get3A_440, %get3A_441] {strides = array<i32>} : memref<4x200x128xf32, #tpu.memory_space<vmem>>, vector<1x1x16xf32>,
      %get3A_443 = vector.shape_cast %get3A_442 : vector<1x1x16xf32> to vector<16xf32>
      %get3A_444 = arith.constant 1 : i32
      %get3A_445 = arith.constant 199 : i32
      %get3A_446 = arith.index_cast %get3A_444 : i32 to index
      %get3A_447 = arith.index_cast %get3A_445 : i32 to index
      %get3A_448 = arith.constant 64 : index
      %get3A_449 = tpu.vector_load %arg8[%get3A_446, %get3A_447, %get3A_448] {strides = array<i32>} : memref<4x200x128xf32, #tpu.memory_space<vmem>>, vector<1x1x16xf32>,
      %get3A_450 = vector.shape_cast %get3A_449 : vector<1x1x16xf32> to vector<16xf32>
      %get3A_451 = arith.constant 1 : i32
      %get3A_452 = arith.constant 199 : i32
      %get3A_453 = arith.index_cast %get3A_451 : i32 to index
      %get3A_454 = arith.index_cast %get3A_452 : i32 to index
      %get3A_455 = arith.constant 80 : index
      %get3A_456 = tpu.vector_load %arg8[%get3A_453, %get3A_454, %get3A_455] {strides = array<i32>} : memref<4x200x128xf32, #tpu.memory_space<vmem>>, vector<1x1x16xf32>,
      %get3A_457 = vector.shape_cast %get3A_456 : vector<1x1x16xf32> to vector<16xf32>
      %get3A_458 = arith.constant 1 : i32
      %get3A_459 = arith.constant 199 : i32
      %get3A_460 = arith.index_cast %get3A_458 : i32 to index
      %get3A_461 = arith.index_cast %get3A_459 : i32 to index
      %get3A_462 = arith.constant 96 : index
      %get3A_463 = tpu.vector_load %arg8[%get3A_460, %get3A_461, %get3A_462] {strides = array<i32>} : memref<4x200x128xf32, #tpu.memory_space<vmem>>, vector<1x1x16xf32>,
      %get3A_464 = vector.shape_cast %get3A_463 : vector<1x1x16xf32> to vector<16xf32>
      %get3A_465 = arith.constant 1 : i32
      %get3A_466 = arith.constant 199 : i32
      %get3A_467 = arith.index_cast %get3A_465 : i32 to index
      %get3A_468 = arith.index_cast %get3A_466 : i32 to index
      %get3A_469 = arith.constant 112 : index
      %get3A_470 = tpu.vector_load %arg8[%get3A_467, %get3A_468, %get3A_469] {strides = array<i32>} : memref<4x200x128xf32, #tpu.memory_space<vmem>>, vector<1x1x16xf32>,
      %get3A_471 = vector.shape_cast %get3A_470 : vector<1x1x16xf32> to vector<16xf32>
      %scan3A_472 = arith.constant 0 : i32
      %scan3A_473 = arith.constant 199 : i32
      %scan3A_474 = arith.addi %scan3A_472, %scan3A_473 : i32
      %scan3A_475 = arith.constant 1 : i32
      %scan3A_476:8 = scf.for %scan3A_977 = %scan3A_472 to %scan3A_474 step %scan3A_475 iter_args(%scan3A_978 = %get3A_422, %scan3A_979 = %get3A_429, %scan3A_980 = %get3A_436, %scan3A_981 = %get3A_443, %scan3A_982 = %get3A_450, %scan3A_983 = %get3A_457, %scan3A_984 = %get3A_464, %scan3A_985 = %get3A_471) -> (vector<16xf32>, vector<16xf32>, vector<16xf32>, vector<16xf32>, vector<16xf32>, vector<16xf32>, vector<16xf32>, vector<16xf32>)  : i32 {
        %sub3A_986 = arith.constant 199 : i32
        %sub3A_987 = arith.subi %sub3A_986, %scan3A_977 : i32
        %sub3A_988 = arith.constant 1 : i32
        %sub3A_989 = arith.subi %sub3A_987, %sub3A_988 : i32
        %get3A_990 = arith.constant 1 : i32
        %get3A_991 = arith.index_cast %get3A_990 : i32 to index
        %get3A_992 = arith.index_cast %sub3A_989 : i32 to index
        %get3A_993 = arith.constant 0 : index
        %get3A_994 = tpu.vector_load %arg8[%get3A_991, %get3A_992, %get3A_993] {strides = array<i32>} : memref<4x200x128xf32, #tpu.memory_space<vmem>>, vector<1x1x16xf32>,
        %get3A_995 = vector.shape_cast %get3A_994 : vector<1x1x16xf32> to vector<16xf32>
        %mul3A_996 = arith.mulf %get3A_30, %scan3A_978 : vector<16xf32>
        %mul3A_997 = arith.mulf %get3A_6, %get3A_995 : vector<16xf32>
        %add3A_998 = arith.addf %mul3A_996, %mul3A_997 : vector<16xf32>
        %swap3A_999 = arith.constant 1 : i32
        %swap3A_1000 = arith.index_cast %swap3A_999 : i32 to index
        %swap3A_1001 = arith.index_cast %sub3A_987 : i32 to index
        %swap3A_1002 = arith.constant 0 : index
        %swap3A_1003 = tpu.vector_load %arg8[%swap3A_1000, %swap3A_1001, %swap3A_1002] {strides = array<i32>} : memref<4x200x128xf32, #tpu.memory_space<vmem>>, vector<1x1x16xf32>,
        %swap3A_1004 = vector.shape_cast %swap3A_1003 : vector<1x1x16xf32> to vector<16xf32>
        %swap3A_1005 = vector.shape_cast %add3A_998 : vector<16xf32> to vector<1x1x16xf32>
        tpu.vector_store %arg8[%swap3A_1000, %swap3A_1001, %swap3A_1002], %swap3A_1005 {strides = array<i32>} : memref<4x200x128xf32, #tpu.memory_space<vmem>>, vector<1x1x16xf32>,
        %sub3A_1006 = arith.constant 1 : i32
        %sub3A_1007 = arith.subi %sub3A_987, %sub3A_1006 : i32
        %get3A_1008 = arith.constant 1 : i32
        %get3A_1009 = arith.index_cast %get3A_1008 : i32 to index
        %get3A_1010 = arith.index_cast %sub3A_1007 : i32 to index
        %get3A_1011 = arith.constant 16 : index
        %get3A_1012 = tpu.vector_load %arg8[%get3A_1009, %get3A_1010, %get3A_1011] {strides = array<i32>} : memref<4x200x128xf32, #tpu.memory_space<vmem>>, vector<1x1x16xf32>,
        %get3A_1013 = vector.shape_cast %get3A_1012 : vector<1x1x16xf32> to vector<16xf32>
        %mul3A_1014 = arith.mulf %get3A_33, %scan3A_979 : vector<16xf32>
        %mul3A_1015 = arith.mulf %get3A_9, %get3A_1013 : vector<16xf32>
        %add3A_1016 = arith.addf %mul3A_1014, %mul3A_1015 : vector<16xf32>
        %swap3A_1017 = arith.constant 1 : i32
        %swap3A_1018 = arith.index_cast %swap3A_1017 : i32 to index
        %swap3A_1019 = arith.index_cast %sub3A_987 : i32 to index
        %swap3A_1020 = arith.constant 16 : index
        %swap3A_1021 = tpu.vector_load %arg8[%swap3A_1018, %swap3A_1019, %swap3A_1020] {strides = array<i32>} : memref<4x200x128xf32, #tpu.memory_space<vmem>>, vector<1x1x16xf32>,
        %swap3A_1022 = vector.shape_cast %swap3A_1021 : vector<1x1x16xf32> to vector<16xf32>
        %swap3A_1023 = vector.shape_cast %add3A_1016 : vector<16xf32> to vector<1x1x16xf32>
        tpu.vector_store %arg8[%swap3A_1018, %swap3A_1019, %swap3A_1020], %swap3A_1023 {strides = array<i32>} : memref<4x200x128xf32, #tpu.memory_space<vmem>>, vector<1x1x16xf32>,
        %sub3A_1024 = arith.constant 1 : i32
        %sub3A_1025 = arith.subi %sub3A_987, %sub3A_1024 : i32
        %get3A_1026 = arith.constant 1 : i32
        %get3A_1027 = arith.index_cast %get3A_1026 : i32 to index
        %get3A_1028 = arith.index_cast %sub3A_1025 : i32 to index
        %get3A_1029 = arith.constant 32 : index
        %get3A_1030 = tpu.vector_load %arg8[%get3A_1027, %get3A_1028, %get3A_1029] {strides = array<i32>} : memref<4x200x128xf32, #tpu.memory_space<vmem>>, vector<1x1x16xf32>,
        %get3A_1031 = vector.shape_cast %get3A_1030 : vector<1x1x16xf32> to vector<16xf32>
        %mul3A_1032 = arith.mulf %get3A_36, %scan3A_980 : vector<16xf32>
        %mul3A_1033 = arith.mulf %get3A_12, %get3A_1031 : vector<16xf32>
        %add3A_1034 = arith.addf %mul3A_1032, %mul3A_1033 : vector<16xf32>
        %swap3A_1035 = arith.constant 1 : i32
        %swap3A_1036 = arith.index_cast %swap3A_1035 : i32 to index
        %swap3A_1037 = arith.index_cast %sub3A_987 : i32 to index
        %swap3A_1038 = arith.constant 32 : index
        %swap3A_1039 = tpu.vector_load %arg8[%swap3A_1036, %swap3A_1037, %swap3A_1038] {strides = array<i32>} : memref<4x200x128xf32, #tpu.memory_space<vmem>>, vector<1x1x16xf32>,
        %swap3A_1040 = vector.shape_cast %swap3A_1039 : vector<1x1x16xf32> to vector<16xf32>
        %swap3A_1041 = vector.shape_cast %add3A_1034 : vector<16xf32> to vector<1x1x16xf32>
        tpu.vector_store %arg8[%swap3A_1036, %swap3A_1037, %swap3A_1038], %swap3A_1041 {strides = array<i32>} : memref<4x200x128xf32, #tpu.memory_space<vmem>>, vector<1x1x16xf32>,
        %sub3A_1042 = arith.constant 1 : i32
        %sub3A_1043 = arith.subi %sub3A_987, %sub3A_1042 : i32
        %get3A_1044 = arith.constant 1 : i32
        %get3A_1045 = arith.index_cast %get3A_1044 : i32 to index
        %get3A_1046 = arith.index_cast %sub3A_1043 : i32 to index
        %get3A_1047 = arith.constant 48 : index
        %get3A_1048 = tpu.vector_load %arg8[%get3A_1045, %get3A_1046, %get3A_1047] {strides = array<i32>} : memref<4x200x128xf32, #tpu.memory_space<vmem>>, vector<1x1x16xf32>,
        %get3A_1049 = vector.shape_cast %get3A_1048 : vector<1x1x16xf32> to vector<16xf32>
        %mul3A_1050 = arith.mulf %get3A_39, %scan3A_981 : vector<16xf32>
        %mul3A_1051 = arith.mulf %get3A_15, %get3A_1049 : vector<16xf32>
        %add3A_1052 = arith.addf %mul3A_1050, %mul3A_1051 : vector<16xf32>
        %swap3A_1053 = arith.constant 1 : i32
        %swap3A_1054 = arith.index_cast %swap3A_1053 : i32 to index
        %swap3A_1055 = arith.index_cast %sub3A_987 : i32 to index
        %swap3A_1056 = arith.constant 48 : index
        %swap3A_1057 = tpu.vector_load %arg8[%swap3A_1054, %swap3A_1055, %swap3A_1056] {strides = array<i32>} : memref<4x200x128xf32, #tpu.memory_space<vmem>>, vector<1x1x16xf32>,
        %swap3A_1058 = vector.shape_cast %swap3A_1057 : vector<1x1x16xf32> to vector<16xf32>
        %swap3A_1059 = vector.shape_cast %add3A_1052 : vector<16xf32> to vector<1x1x16xf32>
        tpu.vector_store %arg8[%swap3A_1054, %swap3A_1055, %swap3A_1056], %swap3A_1059 {strides = array<i32>} : memref<4x200x128xf32, #tpu.memory_space<vmem>>, vector<1x1x16xf32>,
        %sub3A_1060 = arith.constant 1 : i32
        %sub3A_1061 = arith.subi %sub3A_987, %sub3A_1060 : i32
        %get3A_1062 = arith.constant 1 : i32
        %get3A_1063 = arith.index_cast %get3A_1062 : i32 to index
        %get3A_1064 = arith.index_cast %sub3A_1061 : i32 to index
        %get3A_1065 = arith.constant 64 : index
        %get3A_1066 = tpu.vector_load %arg8[%get3A_1063, %get3A_1064, %get3A_1065] {strides = array<i32>} : memref<4x200x128xf32, #tpu.memory_space<vmem>>, vector<1x1x16xf32>,
        %get3A_1067 = vector.shape_cast %get3A_1066 : vector<1x1x16xf32> to vector<16xf32>
        %mul3A_1068 = arith.mulf %get3A_42, %scan3A_982 : vector<16xf32>
        %mul3A_1069 = arith.mulf %get3A_18, %get3A_1067 : vector<16xf32>
        %add3A_1070 = arith.addf %mul3A_1068, %mul3A_1069 : vector<16xf32>
        %swap3A_1071 = arith.constant 1 : i32
        %swap3A_1072 = arith.index_cast %swap3A_1071 : i32 to index
        %swap3A_1073 = arith.index_cast %sub3A_987 : i32 to index
        %swap3A_1074 = arith.constant 64 : index
        %swap3A_1075 = tpu.vector_load %arg8[%swap3A_1072, %swap3A_1073, %swap3A_1074] {strides = array<i32>} : memref<4x200x128xf32, #tpu.memory_space<vmem>>, vector<1x1x16xf32>,
        %swap3A_1076 = vector.shape_cast %swap3A_1075 : vector<1x1x16xf32> to vector<16xf32>
        %swap3A_1077 = vector.shape_cast %add3A_1070 : vector<16xf32> to vector<1x1x16xf32>
        tpu.vector_store %arg8[%swap3A_1072, %swap3A_1073, %swap3A_1074], %swap3A_1077 {strides = array<i32>} : memref<4x200x128xf32, #tpu.memory_space<vmem>>, vector<1x1x16xf32>,
        %sub3A_1078 = arith.constant 1 : i32
        %sub3A_1079 = arith.subi %sub3A_987, %sub3A_1078 : i32
        %get3A_1080 = arith.constant 1 : i32
        %get3A_1081 = arith.index_cast %get3A_1080 : i32 to index
        %get3A_1082 = arith.index_cast %sub3A_1079 : i32 to index
        %get3A_1083 = arith.constant 80 : index
        %get3A_1084 = tpu.vector_load %arg8[%get3A_1081, %get3A_1082, %get3A_1083] {strides = array<i32>} : memref<4x200x128xf32, #tpu.memory_space<vmem>>, vector<1x1x16xf32>,
        %get3A_1085 = vector.shape_cast %get3A_1084 : vector<1x1x16xf32> to vector<16xf32>
        %mul3A_1086 = arith.mulf %get3A_45, %scan3A_983 : vector<16xf32>
        %mul3A_1087 = arith.mulf %get3A_21, %get3A_1085 : vector<16xf32>
        %add3A_1088 = arith.addf %mul3A_1086, %mul3A_1087 : vector<16xf32>
        %swap3A_1089 = arith.constant 1 : i32
        %swap3A_1090 = arith.index_cast %swap3A_1089 : i32 to index
        %swap3A_1091 = arith.index_cast %sub3A_987 : i32 to index
        %swap3A_1092 = arith.constant 80 : index
        %swap3A_1093 = tpu.vector_load %arg8[%swap3A_1090, %swap3A_1091, %swap3A_1092] {strides = array<i32>} : memref<4x200x128xf32, #tpu.memory_space<vmem>>, vector<1x1x16xf32>,
        %swap3A_1094 = vector.shape_cast %swap3A_1093 : vector<1x1x16xf32> to vector<16xf32>
        %swap3A_1095 = vector.shape_cast %add3A_1088 : vector<16xf32> to vector<1x1x16xf32>
        tpu.vector_store %arg8[%swap3A_1090, %swap3A_1091, %swap3A_1092], %swap3A_1095 {strides = array<i32>} : memref<4x200x128xf32, #tpu.memory_space<vmem>>, vector<1x1x16xf32>,
        %sub3A_1096 = arith.constant 1 : i32
        %sub3A_1097 = arith.subi %sub3A_987, %sub3A_1096 : i32
        %get3A_1098 = arith.constant 1 : i32
        %get3A_1099 = arith.index_cast %get3A_1098 : i32 to index
        %get3A_1100 = arith.index_cast %sub3A_1097 : i32 to index
        %get3A_1101 = arith.constant 96 : index
        %get3A_1102 = tpu.vector_load %arg8[%get3A_1099, %get3A_1100, %get3A_1101] {strides = array<i32>} : memref<4x200x128xf32, #tpu.memory_space<vmem>>, vector<1x1x16xf32>,
        %get3A_1103 = vector.shape_cast %get3A_1102 : vector<1x1x16xf32> to vector<16xf32>
        %mul3A_1104 = arith.mulf %get3A_48, %scan3A_984 : vector<16xf32>
        %mul3A_1105 = arith.mulf %get3A_24, %get3A_1103 : vector<16xf32>
        %add3A_1106 = arith.addf %mul3A_1104, %mul3A_1105 : vector<16xf32>
        %swap3A_1107 = arith.constant 1 : i32
        %swap3A_1108 = arith.index_cast %swap3A_1107 : i32 to index
        %swap3A_1109 = arith.index_cast %sub3A_987 : i32 to index
        %swap3A_1110 = arith.constant 96 : index
        %swap3A_1111 = tpu.vector_load %arg8[%swap3A_1108, %swap3A_1109, %swap3A_1110] {strides = array<i32>} : memref<4x200x128xf32, #tpu.memory_space<vmem>>, vector<1x1x16xf32>,
        %swap3A_1112 = vector.shape_cast %swap3A_1111 : vector<1x1x16xf32> to vector<16xf32>
        %swap3A_1113 = vector.shape_cast %add3A_1106 : vector<16xf32> to vector<1x1x16xf32>
        tpu.vector_store %arg8[%swap3A_1108, %swap3A_1109, %swap3A_1110], %swap3A_1113 {strides = array<i32>} : memref<4x200x128xf32, #tpu.memory_space<vmem>>, vector<1x1x16xf32>,
        %sub3A_1114 = arith.constant 1 : i32
        %sub3A_1115 = arith.subi %sub3A_987, %sub3A_1114 : i32
        %get3A_1116 = arith.constant 1 : i32
        %get3A_1117 = arith.index_cast %get3A_1116 : i32 to index
        %get3A_1118 = arith.index_cast %sub3A_1115 : i32 to index
        %get3A_1119 = arith.constant 112 : index
        %get3A_1120 = tpu.vector_load %arg8[%get3A_1117, %get3A_1118, %get3A_1119] {strides = array<i32>} : memref<4x200x128xf32, #tpu.memory_space<vmem>>, vector<1x1x16xf32>,
        %get3A_1121 = vector.shape_cast %get3A_1120 : vector<1x1x16xf32> to vector<16xf32>
        %mul3A_1122 = arith.mulf %get3A_51, %scan3A_985 : vector<16xf32>
        %mul3A_1123 = arith.mulf %get3A_27, %get3A_1121 : vector<16xf32>
        %add3A_1124 = arith.addf %mul3A_1122, %mul3A_1123 : vector<16xf32>
        %swap3A_1125 = arith.constant 1 : i32
        %swap3A_1126 = arith.index_cast %swap3A_1125 : i32 to index
        %swap3A_1127 = arith.index_cast %sub3A_987 : i32 to index
        %swap3A_1128 = arith.constant 112 : index
        %swap3A_1129 = tpu.vector_load %arg8[%swap3A_1126, %swap3A_1127, %swap3A_1128] {strides = array<i32>} : memref<4x200x128xf32, #tpu.memory_space<vmem>>, vector<1x1x16xf32>,
        %swap3A_1130 = vector.shape_cast %swap3A_1129 : vector<1x1x16xf32> to vector<16xf32>
        %swap3A_1131 = vector.shape_cast %add3A_1124 : vector<16xf32> to vector<1x1x16xf32>
        tpu.vector_store %arg8[%swap3A_1126, %swap3A_1127, %swap3A_1128], %swap3A_1131 {strides = array<i32>} : memref<4x200x128xf32, #tpu.memory_space<vmem>>, vector<1x1x16xf32>,
        scf.yield %get3A_995, %get3A_1013, %get3A_1031, %get3A_1049, %get3A_1067, %get3A_1085, %get3A_1103, %get3A_1121 : vector<16xf32>, vector<16xf32>, vector<16xf32>, vector<16xf32>, vector<16xf32>, vector<16xf32>, vector<16xf32>, vector<16xf32>
      }
      %scan3A_477 = arith.constant 199 : i32
      %mul3A_478 = arith.mulf %get3A_30, %scan3A_476#0 : vector<16xf32>
      %swap3A_479 = arith.constant 1 : i32
      %swap3A_480 = arith.constant 0 : i32
      %swap3A_481 = arith.index_cast %swap3A_479 : i32 to index
      %swap3A_482 = arith.index_cast %swap3A_480 : i32 to index
      %swap3A_483 = arith.constant 0 : index
      %swap3A_484 = tpu.vector_load %arg8[%swap3A_481, %swap3A_482, %swap3A_483] {strides = array<i32>} : memref<4x200x128xf32, #tpu.memory_space<vmem>>, vector<1x1x16xf32>,
      %swap3A_485 = vector.shape_cast %swap3A_484 : vector<1x1x16xf32> to vector<16xf32>
      %swap3A_486 = vector.shape_cast %mul3A_478 : vector<16xf32> to vector<1x1x16xf32>
      tpu.vector_store %arg8[%swap3A_481, %swap3A_482, %swap3A_483], %swap3A_486 {strides = array<i32>} : memref<4x200x128xf32, #tpu.memory_space<vmem>>, vector<1x1x16xf32>,
      %mul3A_487 = arith.mulf %get3A_33, %scan3A_476#1 : vector<16xf32>
      %swap3A_488 = arith.constant 1 : i32
      %swap3A_489 = arith.constant 0 : i32
      %swap3A_490 = arith.index_cast %swap3A_488 : i32 to index
      %swap3A_491 = arith.index_cast %swap3A_489 : i32 to index
      %swap3A_492 = arith.constant 16 : index
      %swap3A_493 = tpu.vector_load %arg8[%swap3A_490, %swap3A_491, %swap3A_492] {strides = array<i32>} : memref<4x200x128xf32, #tpu.memory_space<vmem>>, vector<1x1x16xf32>,
      %swap3A_494 = vector.shape_cast %swap3A_493 : vector<1x1x16xf32> to vector<16xf32>
      %swap3A_495 = vector.shape_cast %mul3A_487 : vector<16xf32> to vector<1x1x16xf32>
      tpu.vector_store %arg8[%swap3A_490, %swap3A_491, %swap3A_492], %swap3A_495 {strides = array<i32>} : memref<4x200x128xf32, #tpu.memory_space<vmem>>, vector<1x1x16xf32>,
      %mul3A_496 = arith.mulf %get3A_36, %scan3A_476#2 : vector<16xf32>
      %swap3A_497 = arith.constant 1 : i32
      %swap3A_498 = arith.constant 0 : i32
      %swap3A_499 = arith.index_cast %swap3A_497 : i32 to index
      %swap3A_500 = arith.index_cast %swap3A_498 : i32 to index
      %swap3A_501 = arith.constant 32 : index
      %swap3A_502 = tpu.vector_load %arg8[%swap3A_499, %swap3A_500, %swap3A_501] {strides = array<i32>} : memref<4x200x128xf32, #tpu.memory_space<vmem>>, vector<1x1x16xf32>,
      %swap3A_503 = vector.shape_cast %swap3A_502 : vector<1x1x16xf32> to vector<16xf32>
      %swap3A_504 = vector.shape_cast %mul3A_496 : vector<16xf32> to vector<1x1x16xf32>
      tpu.vector_store %arg8[%swap3A_499, %swap3A_500, %swap3A_501], %swap3A_504 {strides = array<i32>} : memref<4x200x128xf32, #tpu.memory_space<vmem>>, vector<1x1x16xf32>,
      %mul3A_505 = arith.mulf %get3A_39, %scan3A_476#3 : vector<16xf32>
      %swap3A_506 = arith.constant 1 : i32
      %swap3A_507 = arith.constant 0 : i32
      %swap3A_508 = arith.index_cast %swap3A_506 : i32 to index
      %swap3A_509 = arith.index_cast %swap3A_507 : i32 to index
      %swap3A_510 = arith.constant 48 : index
      %swap3A_511 = tpu.vector_load %arg8[%swap3A_508, %swap3A_509, %swap3A_510] {strides = array<i32>} : memref<4x200x128xf32, #tpu.memory_space<vmem>>, vector<1x1x16xf32>,
      %swap3A_512 = vector.shape_cast %swap3A_511 : vector<1x1x16xf32> to vector<16xf32>
      %swap3A_513 = vector.shape_cast %mul3A_505 : vector<16xf32> to vector<1x1x16xf32>
      tpu.vector_store %arg8[%swap3A_508, %swap3A_509, %swap3A_510], %swap3A_513 {strides = array<i32>} : memref<4x200x128xf32, #tpu.memory_space<vmem>>, vector<1x1x16xf32>,
      %mul3A_514 = arith.mulf %get3A_42, %scan3A_476#4 : vector<16xf32>
      %swap3A_515 = arith.constant 1 : i32
      %swap3A_516 = arith.constant 0 : i32
      %swap3A_517 = arith.index_cast %swap3A_515 : i32 to index
      %swap3A_518 = arith.index_cast %swap3A_516 : i32 to index
      %swap3A_519 = arith.constant 64 : index
      %swap3A_520 = tpu.vector_load %arg8[%swap3A_517, %swap3A_518, %swap3A_519] {strides = array<i32>} : memref<4x200x128xf32, #tpu.memory_space<vmem>>, vector<1x1x16xf32>,
      %swap3A_521 = vector.shape_cast %swap3A_520 : vector<1x1x16xf32> to vector<16xf32>
      %swap3A_522 = vector.shape_cast %mul3A_514 : vector<16xf32> to vector<1x1x16xf32>
      tpu.vector_store %arg8[%swap3A_517, %swap3A_518, %swap3A_519], %swap3A_522 {strides = array<i32>} : memref<4x200x128xf32, #tpu.memory_space<vmem>>, vector<1x1x16xf32>,
      %mul3A_523 = arith.mulf %get3A_45, %scan3A_476#5 : vector<16xf32>
      %swap3A_524 = arith.constant 1 : i32
      %swap3A_525 = arith.constant 0 : i32
      %swap3A_526 = arith.index_cast %swap3A_524 : i32 to index
      %swap3A_527 = arith.index_cast %swap3A_525 : i32 to index
      %swap3A_528 = arith.constant 80 : index
      %swap3A_529 = tpu.vector_load %arg8[%swap3A_526, %swap3A_527, %swap3A_528] {strides = array<i32>} : memref<4x200x128xf32, #tpu.memory_space<vmem>>, vector<1x1x16xf32>,
      %swap3A_530 = vector.shape_cast %swap3A_529 : vector<1x1x16xf32> to vector<16xf32>
      %swap3A_531 = vector.shape_cast %mul3A_523 : vector<16xf32> to vector<1x1x16xf32>
      tpu.vector_store %arg8[%swap3A_526, %swap3A_527, %swap3A_528], %swap3A_531 {strides = array<i32>} : memref<4x200x128xf32, #tpu.memory_space<vmem>>, vector<1x1x16xf32>,
      %mul3A_532 = arith.mulf %get3A_48, %scan3A_476#6 : vector<16xf32>
      %swap3A_533 = arith.constant 1 : i32
      %swap3A_534 = arith.constant 0 : i32
      %swap3A_535 = arith.index_cast %swap3A_533 : i32 to index
      %swap3A_536 = arith.index_cast %swap3A_534 : i32 to index
      %swap3A_537 = arith.constant 96 : index
      %swap3A_538 = tpu.vector_load %arg8[%swap3A_535, %swap3A_536, %swap3A_537] {strides = array<i32>} : memref<4x200x128xf32, #tpu.memory_space<vmem>>, vector<1x1x16xf32>,
      %swap3A_539 = vector.shape_cast %swap3A_538 : vector<1x1x16xf32> to vector<16xf32>
      %swap3A_540 = vector.shape_cast %mul3A_532 : vector<16xf32> to vector<1x1x16xf32>
      tpu.vector_store %arg8[%swap3A_535, %swap3A_536, %swap3A_537], %swap3A_540 {strides = array<i32>} : memref<4x200x128xf32, #tpu.memory_space<vmem>>, vector<1x1x16xf32>,
      %mul3A_541 = arith.mulf %get3A_51, %scan3A_476#7 : vector<16xf32>
      %swap3A_542 = arith.constant 1 : i32
      %swap3A_543 = arith.constant 0 : i32
      %swap3A_544 = arith.index_cast %swap3A_542 : i32 to index
      %swap3A_545 = arith.index_cast %swap3A_543 : i32 to index
      %swap3A_546 = arith.constant 112 : index
      %swap3A_547 = tpu.vector_load %arg8[%swap3A_544, %swap3A_545, %swap3A_546] {strides = array<i32>} : memref<4x200x128xf32, #tpu.memory_space<vmem>>, vector<1x1x16xf32>,
      %swap3A_548 = vector.shape_cast %swap3A_547 : vector<1x1x16xf32> to vector<16xf32>
      %swap3A_549 = vector.shape_cast %mul3A_541 : vector<16xf32> to vector<1x1x16xf32>
      tpu.vector_store %arg8[%swap3A_544, %swap3A_545, %swap3A_546], %swap3A_549 {strides = array<i32>} : memref<4x200x128xf32, #tpu.memory_space<vmem>>, vector<1x1x16xf32>,
      %add3A_550 = arith.addi %mul3A_2, %add3A_360 : i32
      %dma_start3A_551 = arith.constant 1 : i32
      %dma_start3A_552 = arith.constant 0 : i32
      %dma_start3A_553 = arith.constant 0 : i32
      %dma_start3A_554 = tpu.memref_slice %arg8[%dma_start3A_551, %dma_start3A_552, %dma_start3A_553] : memref<4x200x128xf32, #tpu.memory_space<vmem>> -> memref<1x200x128xf32, #tpu.memory_space<vmem>>
      %dma_start3A_555 = tpu.memref_squeeze %dma_start3A_554 : memref<1x200x128xf32, #tpu.memory_space<vmem>> -> memref<200x128xf32, #tpu.memory_space<vmem>>
      %dma_start3A_556 = arith.constant 0 : i32
      %dma_start3A_557 = arith.constant 0 : i32
      %dma_start3A_558 = tpu.memref_slice %arg6[%add3A_550, %dma_start3A_556, %dma_start3A_557] : memref<1024x200x128xf32, #tpu.memory_space<hbm>> -> memref<1x200x128xf32, #tpu.memory_space<hbm>>
      %dma_start3A_559 = tpu.memref_squeeze %dma_start3A_558 : memref<1x200x128xf32, #tpu.memory_space<hbm>> -> memref<200x128xf32, #tpu.memory_space<hbm>>
      %dma_start3A_560 = arith.constant 0 : i32
      %dma_start3A_561 = arith.constant 0 : i32
      %dma_start3A_562 = tpu.memref_slice %arg6[%add3A_550, %dma_start3A_560, %dma_start3A_561] : memref<1024x200x128xf32, #tpu.memory_space<hbm>> -> memref<1x200x128xf32, #tpu.memory_space<hbm>>
      %dma_start3A_563 = tpu.memref_squeeze %dma_start3A_562 : memref<1x200x128xf32, #tpu.memory_space<hbm>> -> memref<200x128xf32, #tpu.memory_space<hbm>>
      %dma_start3A_564 = arith.constant 0 : i32
      %dma_start3A_565 = arith.constant 0 : i32
      %dma_start3A_566 = tpu.memref_slice %arg8[%dma_start3A_551, %dma_start3A_564, %dma_start3A_565] : memref<4x200x128xf32, #tpu.memory_space<vmem>> -> memref<1x200x128xf32, #tpu.memory_space<vmem>>
      %dma_start3A_567 = tpu.memref_squeeze %dma_start3A_566 : memref<1x200x128xf32, #tpu.memory_space<vmem>> -> memref<200x128xf32, #tpu.memory_space<vmem>>
      tpu.enqueue_dma source(%dma_start3A_567 : memref<200x128xf32, #tpu.memory_space<vmem>>) target(%dma_start3A_563 : memref<200x128xf32, #tpu.memory_space<hbm>>) target_semaphore(%arg17 : memref<!tpu.dma_semaphore, #tpu.memory_space<semaphore_mem>>)
      %mul3A_568 = arith.constant 4 : i32
      %mul3A_569 = arith.muli %scan3A_146, %mul3A_568 : i32
      %add3A_570 = arith.constant 2 : i32
      %add3A_571 = arith.addi %mul3A_569, %add3A_570 : i32
      %sub3A = arith.constant 2 : i32
      %sub3A_572 = arith.subi %add3A_571, %sub3A : i32
      %add3A_573 = arith.addi %mul3A_2, %sub3A_572 : i32
      %dma_wait3A_574 = arith.constant 0 : i32
      %dma_wait3A_575 = arith.constant 0 : i32
      %dma_wait3A_576 = arith.constant 0 : i32
      %dma_wait3A_577 = tpu.memref_slice %arg8[%dma_wait3A_574, %dma_wait3A_575, %dma_wait3A_576] : memref<4x200x128xf32, #tpu.memory_space<vmem>> -> memref<1x200x128xf32, #tpu.memory_space<vmem>>
      %dma_wait3A_578 = tpu.memref_squeeze %dma_wait3A_577 : memref<1x200x128xf32, #tpu.memory_space<vmem>> -> memref<200x128xf32, #tpu.memory_space<vmem>>
      %dma_wait3A_579 = arith.constant 0 : i32
      %dma_wait3A_580 = arith.constant 0 : i32
      %dma_wait3A_581 = tpu.memref_slice %arg6[%add3A_573, %dma_wait3A_579, %dma_wait3A_580] : memref<1024x200x128xf32, #tpu.memory_space<hbm>> -> memref<1x200x128xf32, #tpu.memory_space<hbm>>
      %dma_wait3A_582 = tpu.memref_squeeze %dma_wait3A_581 : memref<1x200x128xf32, #tpu.memory_space<hbm>> -> memref<200x128xf32, #tpu.memory_space<hbm>>
      %dma_wait3A_583 = arith.constant 0 : i32
      %dma_wait3A_584 = arith.constant 0 : i32
      %dma_wait3A_585 = tpu.memref_slice %arg6[%add3A_573, %dma_wait3A_583, %dma_wait3A_584] : memref<1024x200x128xf32, #tpu.memory_space<hbm>> -> memref<1x200x128xf32, #tpu.memory_space<hbm>>
      %dma_wait3A_586 = tpu.memref_squeeze %dma_wait3A_585 : memref<1x200x128xf32, #tpu.memory_space<hbm>> -> memref<200x128xf32, #tpu.memory_space<hbm>>
      %dma_wait3A_587 = arith.constant 0 : i32
      %dma_wait3A_588 = arith.constant 0 : i32
      %dma_wait3A_589 = tpu.memref_slice %arg8[%dma_wait3A_574, %dma_wait3A_587, %dma_wait3A_588] : memref<4x200x128xf32, #tpu.memory_space<vmem>> -> memref<1x200x128xf32, #tpu.memory_space<vmem>>
      %dma_wait3A_590 = tpu.memref_squeeze %dma_wait3A_589 : memref<1x200x128xf32, #tpu.memory_space<vmem>> -> memref<200x128xf32, #tpu.memory_space<vmem>>
      tpu.wait_dma2 semaphore(%arg16 : memref<!tpu.dma_semaphore, #tpu.memory_space<semaphore_mem>>) src(%dma_wait3A_590 : memref<200x128xf32, #tpu.memory_space<vmem>>) dst(%dma_wait3A_586 : memref<200x128xf32, #tpu.memory_space<hbm>>)
      %lt3A = arith.constant 7 : i32
      %lt3A_591 = arith.cmpi slt, %scan3A_146, %lt3A : i32
      %convert_element_type3A_592 = arith.extui %lt3A_591 : i1 to i32
      %cond3A_593 = arith.constant 0 : i32
      %cond3A_594 = arith.cmpi ne, %convert_element_type3A_592, %cond3A_593 : i32
      scf.if %cond3A_594 {
        %add3A_977 = arith.constant 2 : i32
        %add3A_978 = arith.addi %add3A_571, %add3A_977 : i32
        %dma_start3A_979 = arith.constant 0 : i32
        %dma_start3A_980 = arith.constant 0 : i32
        %dma_start3A_981 = arith.constant 0 : i32
        %dma_start3A_982 = arith.constant 0 : i32
        %dma_start3A_983 = tpu.memref_slice %arg8[%dma_start3A_980, %dma_start3A_981, %dma_start3A_982] : memref<4x200x128xf32, #tpu.memory_space<vmem>> -> memref<1x100x128xf32, #tpu.memory_space<vmem>>
        %dma_start3A_984 = tpu.memref_squeeze %dma_start3A_983 : memref<1x100x128xf32, #tpu.memory_space<vmem>> -> memref<100x128xf32, #tpu.memory_space<vmem>>
        %dma_start3A_985 = arith.constant 0 : i32
        %dma_start3A_986 = tpu.memref_slice %arg7[%add3A_978, %dma_start3A_979, %dma_start3A_985] : memref<32x2x100xi32, #tpu.memory_space<vmem>> -> memref<1x1x100xi32, #tpu.memory_space<vmem>>
        %dma_start3A_987 = tpu.memref_squeeze %dma_start3A_986 : memref<1x1x100xi32, #tpu.memory_space<vmem>> -> memref<100xi32, #tpu.memory_space<vmem>>
        %dma_start3A_988 = arith.constant 0 : i32
        %dma_start3A_989 = arith.constant 0 : i32
        %dma_start3A_990 = tpu.memref_slice %arg9[%dma_start3A_988, %dma_start3A_989] : memref<1000x128xf32, #tpu.memory_space<vmem_shared>> -> memref<1000x128xf32, #tpu.memory_space<vmem_shared>>
        tpu.enqueue_indirect_dma source(%dma_start3A_990 : memref<1000x128xf32, #tpu.memory_space<vmem_shared>>) target(%dma_start3A_984 : memref<100x128xf32, #tpu.memory_space<vmem>>) offsets(%dma_start3A_987 : memref<100xi32, #tpu.memory_space<vmem>>) semaphore(%arg12 : memref<!tpu.dma_semaphore, #tpu.memory_space<semaphore_mem>>)
        %dma_start3A_991 = arith.constant 1 : i32
        %dma_start3A_992 = arith.constant 0 : i32
        %dma_start3A_993 = arith.constant 100 : i32
        %dma_start3A_994 = arith.constant 0 : i32
        %dma_start3A_995 = tpu.memref_slice %arg8[%dma_start3A_992, %dma_start3A_993, %dma_start3A_994] : memref<4x200x128xf32, #tpu.memory_space<vmem>> -> memref<1x100x128xf32, #tpu.memory_space<vmem>>
        %dma_start3A_996 = tpu.memref_squeeze %dma_start3A_995 : memref<1x100x128xf32, #tpu.memory_space<vmem>> -> memref<100x128xf32, #tpu.memory_space<vmem>>
        %dma_start3A_997 = arith.constant 0 : i32
        %dma_start3A_998 = tpu.memref_slice %arg7[%add3A_978, %dma_start3A_991, %dma_start3A_997] : memref<32x2x100xi32, #tpu.memory_space<vmem>> -> memref<1x1x100xi32, #tpu.memory_space<vmem>>
        %dma_start3A_999 = tpu.memref_squeeze %dma_start3A_998 : memref<1x1x100xi32, #tpu.memory_space<vmem>> -> memref<100xi32, #tpu.memory_space<vmem>>
        %dma_start3A_1000 = arith.constant 0 : i32
        %dma_start3A_1001 = arith.constant 0 : i32
        %dma_start3A_1002 = tpu.memref_slice %arg9[%dma_start3A_1000, %dma_start3A_1001] : memref<1000x128xf32, #tpu.memory_space<vmem_shared>> -> memref<1000x128xf32, #tpu.memory_space<vmem_shared>>
        tpu.enqueue_indirect_dma source(%dma_start3A_1002 : memref<1000x128xf32, #tpu.memory_space<vmem_shared>>) target(%dma_start3A_996 : memref<100x128xf32, #tpu.memory_space<vmem>>) offsets(%dma_start3A_999 : memref<100xi32, #tpu.memory_space<vmem>>) semaphore(%arg12 : memref<!tpu.dma_semaphore, #tpu.memory_space<semaphore_mem>>)
      } else {
      }
      %dma_wait3A_595 = arith.constant 0 : i32
      %dma_wait3A_596 = arith.constant 2 : i32
      %dma_wait3A_597 = arith.constant 0 : i32
      %dma_wait3A_598 = arith.constant 0 : i32
      %dma_wait3A_599 = tpu.memref_slice %arg8[%dma_wait3A_596, %dma_wait3A_597, %dma_wait3A_598] : memref<4x200x128xf32, #tpu.memory_space<vmem>> -> memref<1x100x128xf32, #tpu.memory_space<vmem>>
      %dma_wait3A_600 = tpu.memref_squeeze %dma_wait3A_599 : memref<1x100x128xf32, #tpu.memory_space<vmem>> -> memref<100x128xf32, #tpu.memory_space<vmem>>
      %dma_wait3A_601 = arith.constant 0 : i32
      %dma_wait3A_602 = tpu.memref_slice %arg7[%add3A_571, %dma_wait3A_595, %dma_wait3A_601] : memref<32x2x100xi32, #tpu.memory_space<vmem>> -> memref<1x1x100xi32, #tpu.memory_space<vmem>>
      %dma_wait3A_603 = tpu.memref_squeeze %dma_wait3A_602 : memref<1x1x100xi32, #tpu.memory_space<vmem>> -> memref<100xi32, #tpu.memory_space<vmem>>
      %dma_wait3A_604 = arith.constant 0 : i32
      %dma_wait3A_605 = arith.constant 0 : i32
      %dma_wait3A_606 = tpu.memref_slice %arg9[%dma_wait3A_604, %dma_wait3A_605] : memref<1000x128xf32, #tpu.memory_space<vmem_shared>> -> memref<1000x128xf32, #tpu.memory_space<vmem_shared>>
      tpu.wait_indirect_dma semaphore(%arg14 : memref<!tpu.dma_semaphore, #tpu.memory_space<semaphore_mem>>) src(%dma_wait3A_606 : memref<1000x128xf32, #tpu.memory_space<vmem_shared>>) dst(%dma_wait3A_600 : memref<100x128xf32, #tpu.memory_space<vmem>>)
      %dma_wait3A_607 = arith.constant 1 : i32
      %dma_wait3A_608 = arith.constant 2 : i32
      %dma_wait3A_609 = arith.constant 100 : i32
      %dma_wait3A_610 = arith.constant 0 : i32
      %dma_wait3A_611 = tpu.memref_slice %arg8[%dma_wait3A_608, %dma_wait3A_609, %dma_wait3A_610] : memref<4x200x128xf32, #tpu.memory_space<vmem>> -> memref<1x100x128xf32, #tpu.memory_space<vmem>>
      %dma_wait3A_612 = tpu.memref_squeeze %dma_wait3A_611 : memref<1x100x128xf32, #tpu.memory_space<vmem>> -> memref<100x128xf32, #tpu.memory_space<vmem>>
      %dma_wait3A_613 = arith.constant 0 : i32
      %dma_wait3A_614 = tpu.memref_slice %arg7[%add3A_571, %dma_wait3A_607, %dma_wait3A_613] : memref<32x2x100xi32, #tpu.memory_space<vmem>> -> memref<1x1x100xi32, #tpu.memory_space<vmem>>
      %dma_wait3A_615 = tpu.memref_squeeze %dma_wait3A_614 : memref<1x1x100xi32, #tpu.memory_space<vmem>> -> memref<100xi32, #tpu.memory_space<vmem>>
      %dma_wait3A_616 = arith.constant 0 : i32
      %dma_wait3A_617 = arith.constant 0 : i32
      %dma_wait3A_618 = tpu.memref_slice %arg9[%dma_wait3A_616, %dma_wait3A_617] : memref<1000x128xf32, #tpu.memory_space<vmem_shared>> -> memref<1000x128xf32, #tpu.memory_space<vmem_shared>>
      tpu.wait_indirect_dma semaphore(%arg14 : memref<!tpu.dma_semaphore, #tpu.memory_space<semaphore_mem>>) src(%dma_wait3A_618 : memref<1000x128xf32, #tpu.memory_space<vmem_shared>>) dst(%dma_wait3A_612 : memref<100x128xf32, #tpu.memory_space<vmem>>)
      %get3A_619 = arith.constant 2 : i32
      %get3A_620 = arith.constant 199 : i32
      %get3A_621 = arith.index_cast %get3A_619 : i32 to index
      %get3A_622 = arith.index_cast %get3A_620 : i32 to index
      %get3A_623 = arith.constant 0 : index
      %get3A_624 = tpu.vector_load %arg8[%get3A_621, %get3A_622, %get3A_623] {strides = array<i32>} : memref<4x200x128xf32, #tpu.memory_space<vmem>>, vector<1x1x16xf32>,
      %get3A_625 = vector.shape_cast %get3A_624 : vector<1x1x16xf32> to vector<16xf32>
      %get3A_626 = arith.constant 2 : i32
      %get3A_627 = arith.constant 199 : i32
      %get3A_628 = arith.index_cast %get3A_626 : i32 to index
      %get3A_629 = arith.index_cast %get3A_627 : i32 to index
      %get3A_630 = arith.constant 16 : index
      %get3A_631 = tpu.vector_load %arg8[%get3A_628, %get3A_629, %get3A_630] {strides = array<i32>} : memref<4x200x128xf32, #tpu.memory_space<vmem>>, vector<1x1x16xf32>,
      %get3A_632 = vector.shape_cast %get3A_631 : vector<1x1x16xf32> to vector<16xf32>
      %get3A_633 = arith.constant 2 : i32
      %get3A_634 = arith.constant 199 : i32
      %get3A_635 = arith.index_cast %get3A_633 : i32 to index
      %get3A_636 = arith.index_cast %get3A_634 : i32 to index
      %get3A_637 = arith.constant 32 : index
      %get3A_638 = tpu.vector_load %arg8[%get3A_635, %get3A_636, %get3A_637] {strides = array<i32>} : memref<4x200x128xf32, #tpu.memory_space<vmem>>, vector<1x1x16xf32>,
      %get3A_639 = vector.shape_cast %get3A_638 : vector<1x1x16xf32> to vector<16xf32>
      %get3A_640 = arith.constant 2 : i32
      %get3A_641 = arith.constant 199 : i32
      %get3A_642 = arith.index_cast %get3A_640 : i32 to index
      %get3A_643 = arith.index_cast %get3A_641 : i32 to index
      %get3A_644 = arith.constant 48 : index
      %get3A_645 = tpu.vector_load %arg8[%get3A_642, %get3A_643, %get3A_644] {strides = array<i32>} : memref<4x200x128xf32, #tpu.memory_space<vmem>>, vector<1x1x16xf32>,
      %get3A_646 = vector.shape_cast %get3A_645 : vector<1x1x16xf32> to vector<16xf32>
      %get3A_647 = arith.constant 2 : i32
      %get3A_648 = arith.constant 199 : i32
      %get3A_649 = arith.index_cast %get3A_647 : i32 to index
      %get3A_650 = arith.index_cast %get3A_648 : i32 to index
      %get3A_651 = arith.constant 64 : index
      %get3A_652 = tpu.vector_load %arg8[%get3A_649, %get3A_650, %get3A_651] {strides = array<i32>} : memref<4x200x128xf32, #tpu.memory_space<vmem>>, vector<1x1x16xf32>,
      %get3A_653 = vector.shape_cast %get3A_652 : vector<1x1x16xf32> to vector<16xf32>
      %get3A_654 = arith.constant 2 : i32
      %get3A_655 = arith.constant 199 : i32
      %get3A_656 = arith.index_cast %get3A_654 : i32 to index
      %get3A_657 = arith.index_cast %get3A_655 : i32 to index
      %get3A_658 = arith.constant 80 : index
      %get3A_659 = tpu.vector_load %arg8[%get3A_656, %get3A_657, %get3A_658] {strides = array<i32>} : memref<4x200x128xf32, #tpu.memory_space<vmem>>, vector<1x1x16xf32>,
      %get3A_660 = vector.shape_cast %get3A_659 : vector<1x1x16xf32> to vector<16xf32>
      %get3A_661 = arith.constant 2 : i32
      %get3A_662 = arith.constant 199 : i32
      %get3A_663 = arith.index_cast %get3A_661 : i32 to index
      %get3A_664 = arith.index_cast %get3A_662 : i32 to index
      %get3A_665 = arith.constant 96 : index
      %get3A_666 = tpu.vector_load %arg8[%get3A_663, %get3A_664, %get3A_665] {strides = array<i32>} : memref<4x200x128xf32, #tpu.memory_space<vmem>>, vector<1x1x16xf32>,
      %get3A_667 = vector.shape_cast %get3A_666 : vector<1x1x16xf32> to vector<16xf32>
      %get3A_668 = arith.constant 2 : i32
      %get3A_669 = arith.constant 199 : i32
      %get3A_670 = arith.index_cast %get3A_668 : i32 to index
      %get3A_671 = arith.index_cast %get3A_669 : i32 to index
      %get3A_672 = arith.constant 112 : index
      %get3A_673 = tpu.vector_load %arg8[%get3A_670, %get3A_671, %get3A_672] {strides = array<i32>} : memref<4x200x128xf32, #tpu.memory_space<vmem>>, vector<1x1x16xf32>,
      %get3A_674 = vector.shape_cast %get3A_673 : vector<1x1x16xf32> to vector<16xf32>
      %scan3A_675 = arith.constant 0 : i32
      %scan3A_676 = arith.constant 199 : i32
      %scan3A_677 = arith.addi %scan3A_675, %scan3A_676 : i32
      %scan3A_678 = arith.constant 1 : i32
      %scan3A_679:8 = scf.for %scan3A_977 = %scan3A_675 to %scan3A_677 step %scan3A_678 iter_args(%scan3A_978 = %get3A_625, %scan3A_979 = %get3A_632, %scan3A_980 = %get3A_639, %scan3A_981 = %get3A_646, %scan3A_982 = %get3A_653, %scan3A_983 = %get3A_660, %scan3A_984 = %get3A_667, %scan3A_985 = %get3A_674) -> (vector<16xf32>, vector<16xf32>, vector<16xf32>, vector<16xf32>, vector<16xf32>, vector<16xf32>, vector<16xf32>, vector<16xf32>)  : i32 {
        %sub3A_986 = arith.constant 199 : i32
        %sub3A_987 = arith.subi %sub3A_986, %scan3A_977 : i32
        %sub3A_988 = arith.constant 1 : i32
        %sub3A_989 = arith.subi %sub3A_987, %sub3A_988 : i32
        %get3A_990 = arith.constant 2 : i32
        %get3A_991 = arith.index_cast %get3A_990 : i32 to index
        %get3A_992 = arith.index_cast %sub3A_989 : i32 to index
        %get3A_993 = arith.constant 0 : index
        %get3A_994 = tpu.vector_load %arg8[%get3A_991, %get3A_992, %get3A_993] {strides = array<i32>} : memref<4x200x128xf32, #tpu.memory_space<vmem>>, vector<1x1x16xf32>,
        %get3A_995 = vector.shape_cast %get3A_994 : vector<1x1x16xf32> to vector<16xf32>
        %mul3A_996 = arith.mulf %get3A_30, %scan3A_978 : vector<16xf32>
        %mul3A_997 = arith.mulf %get3A_6, %get3A_995 : vector<16xf32>
        %add3A_998 = arith.addf %mul3A_996, %mul3A_997 : vector<16xf32>
        %swap3A_999 = arith.constant 2 : i32
        %swap3A_1000 = arith.index_cast %swap3A_999 : i32 to index
        %swap3A_1001 = arith.index_cast %sub3A_987 : i32 to index
        %swap3A_1002 = arith.constant 0 : index
        %swap3A_1003 = tpu.vector_load %arg8[%swap3A_1000, %swap3A_1001, %swap3A_1002] {strides = array<i32>} : memref<4x200x128xf32, #tpu.memory_space<vmem>>, vector<1x1x16xf32>,
        %swap3A_1004 = vector.shape_cast %swap3A_1003 : vector<1x1x16xf32> to vector<16xf32>
        %swap3A_1005 = vector.shape_cast %add3A_998 : vector<16xf32> to vector<1x1x16xf32>
        tpu.vector_store %arg8[%swap3A_1000, %swap3A_1001, %swap3A_1002], %swap3A_1005 {strides = array<i32>} : memref<4x200x128xf32, #tpu.memory_space<vmem>>, vector<1x1x16xf32>,
        %sub3A_1006 = arith.constant 1 : i32
        %sub3A_1007 = arith.subi %sub3A_987, %sub3A_1006 : i32
        %get3A_1008 = arith.constant 2 : i32
        %get3A_1009 = arith.index_cast %get3A_1008 : i32 to index
        %get3A_1010 = arith.index_cast %sub3A_1007 : i32 to index
        %get3A_1011 = arith.constant 16 : index
        %get3A_1012 = tpu.vector_load %arg8[%get3A_1009, %get3A_1010, %get3A_1011] {strides = array<i32>} : memref<4x200x128xf32, #tpu.memory_space<vmem>>, vector<1x1x16xf32>,
        %get3A_1013 = vector.shape_cast %get3A_1012 : vector<1x1x16xf32> to vector<16xf32>
        %mul3A_1014 = arith.mulf %get3A_33, %scan3A_979 : vector<16xf32>
        %mul3A_1015 = arith.mulf %get3A_9, %get3A_1013 : vector<16xf32>
        %add3A_1016 = arith.addf %mul3A_1014, %mul3A_1015 : vector<16xf32>
        %swap3A_1017 = arith.constant 2 : i32
        %swap3A_1018 = arith.index_cast %swap3A_1017 : i32 to index
        %swap3A_1019 = arith.index_cast %sub3A_987 : i32 to index
        %swap3A_1020 = arith.constant 16 : index
        %swap3A_1021 = tpu.vector_load %arg8[%swap3A_1018, %swap3A_1019, %swap3A_1020] {strides = array<i32>} : memref<4x200x128xf32, #tpu.memory_space<vmem>>, vector<1x1x16xf32>,
        %swap3A_1022 = vector.shape_cast %swap3A_1021 : vector<1x1x16xf32> to vector<16xf32>
        %swap3A_1023 = vector.shape_cast %add3A_1016 : vector<16xf32> to vector<1x1x16xf32>
        tpu.vector_store %arg8[%swap3A_1018, %swap3A_1019, %swap3A_1020], %swap3A_1023 {strides = array<i32>} : memref<4x200x128xf32, #tpu.memory_space<vmem>>, vector<1x1x16xf32>,
        %sub3A_1024 = arith.constant 1 : i32
        %sub3A_1025 = arith.subi %sub3A_987, %sub3A_1024 : i32
        %get3A_1026 = arith.constant 2 : i32
        %get3A_1027 = arith.index_cast %get3A_1026 : i32 to index
        %get3A_1028 = arith.index_cast %sub3A_1025 : i32 to index
        %get3A_1029 = arith.constant 32 : index
        %get3A_1030 = tpu.vector_load %arg8[%get3A_1027, %get3A_1028, %get3A_1029] {strides = array<i32>} : memref<4x200x128xf32, #tpu.memory_space<vmem>>, vector<1x1x16xf32>,
        %get3A_1031 = vector.shape_cast %get3A_1030 : vector<1x1x16xf32> to vector<16xf32>
        %mul3A_1032 = arith.mulf %get3A_36, %scan3A_980 : vector<16xf32>
        %mul3A_1033 = arith.mulf %get3A_12, %get3A_1031 : vector<16xf32>
        %add3A_1034 = arith.addf %mul3A_1032, %mul3A_1033 : vector<16xf32>
        %swap3A_1035 = arith.constant 2 : i32
        %swap3A_1036 = arith.index_cast %swap3A_1035 : i32 to index
        %swap3A_1037 = arith.index_cast %sub3A_987 : i32 to index
        %swap3A_1038 = arith.constant 32 : index
        %swap3A_1039 = tpu.vector_load %arg8[%swap3A_1036, %swap3A_1037, %swap3A_1038] {strides = array<i32>} : memref<4x200x128xf32, #tpu.memory_space<vmem>>, vector<1x1x16xf32>,
        %swap3A_1040 = vector.shape_cast %swap3A_1039 : vector<1x1x16xf32> to vector<16xf32>
        %swap3A_1041 = vector.shape_cast %add3A_1034 : vector<16xf32> to vector<1x1x16xf32>
        tpu.vector_store %arg8[%swap3A_1036, %swap3A_1037, %swap3A_1038], %swap3A_1041 {strides = array<i32>} : memref<4x200x128xf32, #tpu.memory_space<vmem>>, vector<1x1x16xf32>,
        %sub3A_1042 = arith.constant 1 : i32
        %sub3A_1043 = arith.subi %sub3A_987, %sub3A_1042 : i32
        %get3A_1044 = arith.constant 2 : i32
        %get3A_1045 = arith.index_cast %get3A_1044 : i32 to index
        %get3A_1046 = arith.index_cast %sub3A_1043 : i32 to index
        %get3A_1047 = arith.constant 48 : index
        %get3A_1048 = tpu.vector_load %arg8[%get3A_1045, %get3A_1046, %get3A_1047] {strides = array<i32>} : memref<4x200x128xf32, #tpu.memory_space<vmem>>, vector<1x1x16xf32>,
        %get3A_1049 = vector.shape_cast %get3A_1048 : vector<1x1x16xf32> to vector<16xf32>
        %mul3A_1050 = arith.mulf %get3A_39, %scan3A_981 : vector<16xf32>
        %mul3A_1051 = arith.mulf %get3A_15, %get3A_1049 : vector<16xf32>
        %add3A_1052 = arith.addf %mul3A_1050, %mul3A_1051 : vector<16xf32>
        %swap3A_1053 = arith.constant 2 : i32
        %swap3A_1054 = arith.index_cast %swap3A_1053 : i32 to index
        %swap3A_1055 = arith.index_cast %sub3A_987 : i32 to index
        %swap3A_1056 = arith.constant 48 : index
        %swap3A_1057 = tpu.vector_load %arg8[%swap3A_1054, %swap3A_1055, %swap3A_1056] {strides = array<i32>} : memref<4x200x128xf32, #tpu.memory_space<vmem>>, vector<1x1x16xf32>,
        %swap3A_1058 = vector.shape_cast %swap3A_1057 : vector<1x1x16xf32> to vector<16xf32>
        %swap3A_1059 = vector.shape_cast %add3A_1052 : vector<16xf32> to vector<1x1x16xf32>
        tpu.vector_store %arg8[%swap3A_1054, %swap3A_1055, %swap3A_1056], %swap3A_1059 {strides = array<i32>} : memref<4x200x128xf32, #tpu.memory_space<vmem>>, vector<1x1x16xf32>,
        %sub3A_1060 = arith.constant 1 : i32
        %sub3A_1061 = arith.subi %sub3A_987, %sub3A_1060 : i32
        %get3A_1062 = arith.constant 2 : i32
        %get3A_1063 = arith.index_cast %get3A_1062 : i32 to index
        %get3A_1064 = arith.index_cast %sub3A_1061 : i32 to index
        %get3A_1065 = arith.constant 64 : index
        %get3A_1066 = tpu.vector_load %arg8[%get3A_1063, %get3A_1064, %get3A_1065] {strides = array<i32>} : memref<4x200x128xf32, #tpu.memory_space<vmem>>, vector<1x1x16xf32>,
        %get3A_1067 = vector.shape_cast %get3A_1066 : vector<1x1x16xf32> to vector<16xf32>
        %mul3A_1068 = arith.mulf %get3A_42, %scan3A_982 : vector<16xf32>
        %mul3A_1069 = arith.mulf %get3A_18, %get3A_1067 : vector<16xf32>
        %add3A_1070 = arith.addf %mul3A_1068, %mul3A_1069 : vector<16xf32>
        %swap3A_1071 = arith.constant 2 : i32
        %swap3A_1072 = arith.index_cast %swap3A_1071 : i32 to index
        %swap3A_1073 = arith.index_cast %sub3A_987 : i32 to index
        %swap3A_1074 = arith.constant 64 : index
        %swap3A_1075 = tpu.vector_load %arg8[%swap3A_1072, %swap3A_1073, %swap3A_1074] {strides = array<i32>} : memref<4x200x128xf32, #tpu.memory_space<vmem>>, vector<1x1x16xf32>,
        %swap3A_1076 = vector.shape_cast %swap3A_1075 : vector<1x1x16xf32> to vector<16xf32>
        %swap3A_1077 = vector.shape_cast %add3A_1070 : vector<16xf32> to vector<1x1x16xf32>
        tpu.vector_store %arg8[%swap3A_1072, %swap3A_1073, %swap3A_1074], %swap3A_1077 {strides = array<i32>} : memref<4x200x128xf32, #tpu.memory_space<vmem>>, vector<1x1x16xf32>,
        %sub3A_1078 = arith.constant 1 : i32
        %sub3A_1079 = arith.subi %sub3A_987, %sub3A_1078 : i32
        %get3A_1080 = arith.constant 2 : i32
        %get3A_1081 = arith.index_cast %get3A_1080 : i32 to index
        %get3A_1082 = arith.index_cast %sub3A_1079 : i32 to index
        %get3A_1083 = arith.constant 80 : index
        %get3A_1084 = tpu.vector_load %arg8[%get3A_1081, %get3A_1082, %get3A_1083] {strides = array<i32>} : memref<4x200x128xf32, #tpu.memory_space<vmem>>, vector<1x1x16xf32>,
        %get3A_1085 = vector.shape_cast %get3A_1084 : vector<1x1x16xf32> to vector<16xf32>
        %mul3A_1086 = arith.mulf %get3A_45, %scan3A_983 : vector<16xf32>
        %mul3A_1087 = arith.mulf %get3A_21, %get3A_1085 : vector<16xf32>
        %add3A_1088 = arith.addf %mul3A_1086, %mul3A_1087 : vector<16xf32>
        %swap3A_1089 = arith.constant 2 : i32
        %swap3A_1090 = arith.index_cast %swap3A_1089 : i32 to index
        %swap3A_1091 = arith.index_cast %sub3A_987 : i32 to index
        %swap3A_1092 = arith.constant 80 : index
        %swap3A_1093 = tpu.vector_load %arg8[%swap3A_1090, %swap3A_1091, %swap3A_1092] {strides = array<i32>} : memref<4x200x128xf32, #tpu.memory_space<vmem>>, vector<1x1x16xf32>,
        %swap3A_1094 = vector.shape_cast %swap3A_1093 : vector<1x1x16xf32> to vector<16xf32>
        %swap3A_1095 = vector.shape_cast %add3A_1088 : vector<16xf32> to vector<1x1x16xf32>
        tpu.vector_store %arg8[%swap3A_1090, %swap3A_1091, %swap3A_1092], %swap3A_1095 {strides = array<i32>} : memref<4x200x128xf32, #tpu.memory_space<vmem>>, vector<1x1x16xf32>,
        %sub3A_1096 = arith.constant 1 : i32
        %sub3A_1097 = arith.subi %sub3A_987, %sub3A_1096 : i32
        %get3A_1098 = arith.constant 2 : i32
        %get3A_1099 = arith.index_cast %get3A_1098 : i32 to index
        %get3A_1100 = arith.index_cast %sub3A_1097 : i32 to index
        %get3A_1101 = arith.constant 96 : index
        %get3A_1102 = tpu.vector_load %arg8[%get3A_1099, %get3A_1100, %get3A_1101] {strides = array<i32>} : memref<4x200x128xf32, #tpu.memory_space<vmem>>, vector<1x1x16xf32>,
        %get3A_1103 = vector.shape_cast %get3A_1102 : vector<1x1x16xf32> to vector<16xf32>
        %mul3A_1104 = arith.mulf %get3A_48, %scan3A_984 : vector<16xf32>
        %mul3A_1105 = arith.mulf %get3A_24, %get3A_1103 : vector<16xf32>
        %add3A_1106 = arith.addf %mul3A_1104, %mul3A_1105 : vector<16xf32>
        %swap3A_1107 = arith.constant 2 : i32
        %swap3A_1108 = arith.index_cast %swap3A_1107 : i32 to index
        %swap3A_1109 = arith.index_cast %sub3A_987 : i32 to index
        %swap3A_1110 = arith.constant 96 : index
        %swap3A_1111 = tpu.vector_load %arg8[%swap3A_1108, %swap3A_1109, %swap3A_1110] {strides = array<i32>} : memref<4x200x128xf32, #tpu.memory_space<vmem>>, vector<1x1x16xf32>,
        %swap3A_1112 = vector.shape_cast %swap3A_1111 : vector<1x1x16xf32> to vector<16xf32>
        %swap3A_1113 = vector.shape_cast %add3A_1106 : vector<16xf32> to vector<1x1x16xf32>
        tpu.vector_store %arg8[%swap3A_1108, %swap3A_1109, %swap3A_1110], %swap3A_1113 {strides = array<i32>} : memref<4x200x128xf32, #tpu.memory_space<vmem>>, vector<1x1x16xf32>,
        %sub3A_1114 = arith.constant 1 : i32
        %sub3A_1115 = arith.subi %sub3A_987, %sub3A_1114 : i32
        %get3A_1116 = arith.constant 2 : i32
        %get3A_1117 = arith.index_cast %get3A_1116 : i32 to index
        %get3A_1118 = arith.index_cast %sub3A_1115 : i32 to index
        %get3A_1119 = arith.constant 112 : index
        %get3A_1120 = tpu.vector_load %arg8[%get3A_1117, %get3A_1118, %get3A_1119] {strides = array<i32>} : memref<4x200x128xf32, #tpu.memory_space<vmem>>, vector<1x1x16xf32>,
        %get3A_1121 = vector.shape_cast %get3A_1120 : vector<1x1x16xf32> to vector<16xf32>
        %mul3A_1122 = arith.mulf %get3A_51, %scan3A_985 : vector<16xf32>
        %mul3A_1123 = arith.mulf %get3A_27, %get3A_1121 : vector<16xf32>
        %add3A_1124 = arith.addf %mul3A_1122, %mul3A_1123 : vector<16xf32>
        %swap3A_1125 = arith.constant 2 : i32
        %swap3A_1126 = arith.index_cast %swap3A_1125 : i32 to index
        %swap3A_1127 = arith.index_cast %sub3A_987 : i32 to index
        %swap3A_1128 = arith.constant 112 : index
        %swap3A_1129 = tpu.vector_load %arg8[%swap3A_1126, %swap3A_1127, %swap3A_1128] {strides = array<i32>} : memref<4x200x128xf32, #tpu.memory_space<vmem>>, vector<1x1x16xf32>,
        %swap3A_1130 = vector.shape_cast %swap3A_1129 : vector<1x1x16xf32> to vector<16xf32>
        %swap3A_1131 = vector.shape_cast %add3A_1124 : vector<16xf32> to vector<1x1x16xf32>
        tpu.vector_store %arg8[%swap3A_1126, %swap3A_1127, %swap3A_1128], %swap3A_1131 {strides = array<i32>} : memref<4x200x128xf32, #tpu.memory_space<vmem>>, vector<1x1x16xf32>,
        scf.yield %get3A_995, %get3A_1013, %get3A_1031, %get3A_1049, %get3A_1067, %get3A_1085, %get3A_1103, %get3A_1121 : vector<16xf32>, vector<16xf32>, vector<16xf32>, vector<16xf32>, vector<16xf32>, vector<16xf32>, vector<16xf32>, vector<16xf32>
      }
      %scan3A_680 = arith.constant 199 : i32
      %mul3A_681 = arith.mulf %get3A_30, %scan3A_679#0 : vector<16xf32>
      %swap3A_682 = arith.constant 2 : i32
      %swap3A_683 = arith.constant 0 : i32
      %swap3A_684 = arith.index_cast %swap3A_682 : i32 to index
      %swap3A_685 = arith.index_cast %swap3A_683 : i32 to index
      %swap3A_686 = arith.constant 0 : index
      %swap3A_687 = tpu.vector_load %arg8[%swap3A_684, %swap3A_685, %swap3A_686] {strides = array<i32>} : memref<4x200x128xf32, #tpu.memory_space<vmem>>, vector<1x1x16xf32>,
      %swap3A_688 = vector.shape_cast %swap3A_687 : vector<1x1x16xf32> to vector<16xf32>
      %swap3A_689 = vector.shape_cast %mul3A_681 : vector<16xf32> to vector<1x1x16xf32>
      tpu.vector_store %arg8[%swap3A_684, %swap3A_685, %swap3A_686], %swap3A_689 {strides = array<i32>} : memref<4x200x128xf32, #tpu.memory_space<vmem>>, vector<1x1x16xf32>,
      %mul3A_690 = arith.mulf %get3A_33, %scan3A_679#1 : vector<16xf32>
      %swap3A_691 = arith.constant 2 : i32
      %swap3A_692 = arith.constant 0 : i32
      %swap3A_693 = arith.index_cast %swap3A_691 : i32 to index
      %swap3A_694 = arith.index_cast %swap3A_692 : i32 to index
      %swap3A_695 = arith.constant 16 : index
      %swap3A_696 = tpu.vector_load %arg8[%swap3A_693, %swap3A_694, %swap3A_695] {strides = array<i32>} : memref<4x200x128xf32, #tpu.memory_space<vmem>>, vector<1x1x16xf32>,
      %swap3A_697 = vector.shape_cast %swap3A_696 : vector<1x1x16xf32> to vector<16xf32>
      %swap3A_698 = vector.shape_cast %mul3A_690 : vector<16xf32> to vector<1x1x16xf32>
      tpu.vector_store %arg8[%swap3A_693, %swap3A_694, %swap3A_695], %swap3A_698 {strides = array<i32>} : memref<4x200x128xf32, #tpu.memory_space<vmem>>, vector<1x1x16xf32>,
      %mul3A_699 = arith.mulf %get3A_36, %scan3A_679#2 : vector<16xf32>
      %swap3A_700 = arith.constant 2 : i32
      %swap3A_701 = arith.constant 0 : i32
      %swap3A_702 = arith.index_cast %swap3A_700 : i32 to index
      %swap3A_703 = arith.index_cast %swap3A_701 : i32 to index
      %swap3A_704 = arith.constant 32 : index
      %swap3A_705 = tpu.vector_load %arg8[%swap3A_702, %swap3A_703, %swap3A_704] {strides = array<i32>} : memref<4x200x128xf32, #tpu.memory_space<vmem>>, vector<1x1x16xf32>,
      %swap3A_706 = vector.shape_cast %swap3A_705 : vector<1x1x16xf32> to vector<16xf32>
      %swap3A_707 = vector.shape_cast %mul3A_699 : vector<16xf32> to vector<1x1x16xf32>
      tpu.vector_store %arg8[%swap3A_702, %swap3A_703, %swap3A_704], %swap3A_707 {strides = array<i32>} : memref<4x200x128xf32, #tpu.memory_space<vmem>>, vector<1x1x16xf32>,
      %mul3A_708 = arith.mulf %get3A_39, %scan3A_679#3 : vector<16xf32>
      %swap3A_709 = arith.constant 2 : i32
      %swap3A_710 = arith.constant 0 : i32
      %swap3A_711 = arith.index_cast %swap3A_709 : i32 to index
      %swap3A_712 = arith.index_cast %swap3A_710 : i32 to index
      %swap3A_713 = arith.constant 48 : index
      %swap3A_714 = tpu.vector_load %arg8[%swap3A_711, %swap3A_712, %swap3A_713] {strides = array<i32>} : memref<4x200x128xf32, #tpu.memory_space<vmem>>, vector<1x1x16xf32>,
      %swap3A_715 = vector.shape_cast %swap3A_714 : vector<1x1x16xf32> to vector<16xf32>
      %swap3A_716 = vector.shape_cast %mul3A_708 : vector<16xf32> to vector<1x1x16xf32>
      tpu.vector_store %arg8[%swap3A_711, %swap3A_712, %swap3A_713], %swap3A_716 {strides = array<i32>} : memref<4x200x128xf32, #tpu.memory_space<vmem>>, vector<1x1x16xf32>,
      %mul3A_717 = arith.mulf %get3A_42, %scan3A_679#4 : vector<16xf32>
      %swap3A_718 = arith.constant 2 : i32
      %swap3A_719 = arith.constant 0 : i32
      %swap3A_720 = arith.index_cast %swap3A_718 : i32 to index
      %swap3A_721 = arith.index_cast %swap3A_719 : i32 to index
      %swap3A_722 = arith.constant 64 : index
      %swap3A_723 = tpu.vector_load %arg8[%swap3A_720, %swap3A_721, %swap3A_722] {strides = array<i32>} : memref<4x200x128xf32, #tpu.memory_space<vmem>>, vector<1x1x16xf32>,
      %swap3A_724 = vector.shape_cast %swap3A_723 : vector<1x1x16xf32> to vector<16xf32>
      %swap3A_725 = vector.shape_cast %mul3A_717 : vector<16xf32> to vector<1x1x16xf32>
      tpu.vector_store %arg8[%swap3A_720, %swap3A_721, %swap3A_722], %swap3A_725 {strides = array<i32>} : memref<4x200x128xf32, #tpu.memory_space<vmem>>, vector<1x1x16xf32>,
      %mul3A_726 = arith.mulf %get3A_45, %scan3A_679#5 : vector<16xf32>
      %swap3A_727 = arith.constant 2 : i32
      %swap3A_728 = arith.constant 0 : i32
      %swap3A_729 = arith.index_cast %swap3A_727 : i32 to index
      %swap3A_730 = arith.index_cast %swap3A_728 : i32 to index
      %swap3A_731 = arith.constant 80 : index
      %swap3A_732 = tpu.vector_load %arg8[%swap3A_729, %swap3A_730, %swap3A_731] {strides = array<i32>} : memref<4x200x128xf32, #tpu.memory_space<vmem>>, vector<1x1x16xf32>,
      %swap3A_733 = vector.shape_cast %swap3A_732 : vector<1x1x16xf32> to vector<16xf32>
      %swap3A_734 = vector.shape_cast %mul3A_726 : vector<16xf32> to vector<1x1x16xf32>
      tpu.vector_store %arg8[%swap3A_729, %swap3A_730, %swap3A_731], %swap3A_734 {strides = array<i32>} : memref<4x200x128xf32, #tpu.memory_space<vmem>>, vector<1x1x16xf32>,
      %mul3A_735 = arith.mulf %get3A_48, %scan3A_679#6 : vector<16xf32>
      %swap3A_736 = arith.constant 2 : i32
      %swap3A_737 = arith.constant 0 : i32
      %swap3A_738 = arith.index_cast %swap3A_736 : i32 to index
      %swap3A_739 = arith.index_cast %swap3A_737 : i32 to index
      %swap3A_740 = arith.constant 96 : index
      %swap3A_741 = tpu.vector_load %arg8[%swap3A_738, %swap3A_739, %swap3A_740] {strides = array<i32>} : memref<4x200x128xf32, #tpu.memory_space<vmem>>, vector<1x1x16xf32>,
      %swap3A_742 = vector.shape_cast %swap3A_741 : vector<1x1x16xf32> to vector<16xf32>
      %swap3A_743 = vector.shape_cast %mul3A_735 : vector<16xf32> to vector<1x1x16xf32>
      tpu.vector_store %arg8[%swap3A_738, %swap3A_739, %swap3A_740], %swap3A_743 {strides = array<i32>} : memref<4x200x128xf32, #tpu.memory_space<vmem>>, vector<1x1x16xf32>,
      %mul3A_744 = arith.mulf %get3A_51, %scan3A_679#7 : vector<16xf32>
      %swap3A_745 = arith.constant 2 : i32
      %swap3A_746 = arith.constant 0 : i32
      %swap3A_747 = arith.index_cast %swap3A_745 : i32 to index
      %swap3A_748 = arith.index_cast %swap3A_746 : i32 to index
      %swap3A_749 = arith.constant 112 : index
      %swap3A_750 = tpu.vector_load %arg8[%swap3A_747, %swap3A_748, %swap3A_749] {strides = array<i32>} : memref<4x200x128xf32, #tpu.memory_space<vmem>>, vector<1x1x16xf32>,
      %swap3A_751 = vector.shape_cast %swap3A_750 : vector<1x1x16xf32> to vector<16xf32>
      %swap3A_752 = vector.shape_cast %mul3A_744 : vector<16xf32> to vector<1x1x16xf32>
      tpu.vector_store %arg8[%swap3A_747, %swap3A_748, %swap3A_749], %swap3A_752 {strides = array<i32>} : memref<4x200x128xf32, #tpu.memory_space<vmem>>, vector<1x1x16xf32>,
      %add3A_753 = arith.addi %mul3A_2, %add3A_571 : i32
      %dma_start3A_754 = arith.constant 2 : i32
      %dma_start3A_755 = arith.constant 0 : i32
      %dma_start3A_756 = arith.constant 0 : i32
      %dma_start3A_757 = tpu.memref_slice %arg8[%dma_start3A_754, %dma_start3A_755, %dma_start3A_756] : memref<4x200x128xf32, #tpu.memory_space<vmem>> -> memref<1x200x128xf32, #tpu.memory_space<vmem>>
      %dma_start3A_758 = tpu.memref_squeeze %dma_start3A_757 : memref<1x200x128xf32, #tpu.memory_space<vmem>> -> memref<200x128xf32, #tpu.memory_space<vmem>>
      %dma_start3A_759 = arith.constant 0 : i32
      %dma_start3A_760 = arith.constant 0 : i32
      %dma_start3A_761 = tpu.memref_slice %arg6[%add3A_753, %dma_start3A_759, %dma_start3A_760] : memref<1024x200x128xf32, #tpu.memory_space<hbm>> -> memref<1x200x128xf32, #tpu.memory_space<hbm>>
      %dma_start3A_762 = tpu.memref_squeeze %dma_start3A_761 : memref<1x200x128xf32, #tpu.memory_space<hbm>> -> memref<200x128xf32, #tpu.memory_space<hbm>>
      %dma_start3A_763 = arith.constant 0 : i32
      %dma_start3A_764 = arith.constant 0 : i32
      %dma_start3A_765 = tpu.memref_slice %arg6[%add3A_753, %dma_start3A_763, %dma_start3A_764] : memref<1024x200x128xf32, #tpu.memory_space<hbm>> -> memref<1x200x128xf32, #tpu.memory_space<hbm>>
      %dma_start3A_766 = tpu.memref_squeeze %dma_start3A_765 : memref<1x200x128xf32, #tpu.memory_space<hbm>> -> memref<200x128xf32, #tpu.memory_space<hbm>>
      %dma_start3A_767 = arith.constant 0 : i32
      %dma_start3A_768 = arith.constant 0 : i32
      %dma_start3A_769 = tpu.memref_slice %arg8[%dma_start3A_754, %dma_start3A_767, %dma_start3A_768] : memref<4x200x128xf32, #tpu.memory_space<vmem>> -> memref<1x200x128xf32, #tpu.memory_space<vmem>>
      %dma_start3A_770 = tpu.memref_squeeze %dma_start3A_769 : memref<1x200x128xf32, #tpu.memory_space<vmem>> -> memref<200x128xf32, #tpu.memory_space<vmem>>
      tpu.enqueue_dma source(%dma_start3A_770 : memref<200x128xf32, #tpu.memory_space<vmem>>) target(%dma_start3A_766 : memref<200x128xf32, #tpu.memory_space<hbm>>) target_semaphore(%arg18 : memref<!tpu.dma_semaphore, #tpu.memory_space<semaphore_mem>>)
      %mul3A_771 = arith.constant 4 : i32
      %mul3A_772 = arith.muli %scan3A_146, %mul3A_771 : i32
      %add3A_773 = arith.constant 3 : i32
      %add3A_774 = arith.addi %mul3A_772, %add3A_773 : i32
      %sub3A_775 = arith.constant 2 : i32
      %sub3A_776 = arith.subi %add3A_774, %sub3A_775 : i32
      %add3A_777 = arith.addi %mul3A_2, %sub3A_776 : i32
      %dma_wait3A_778 = arith.constant 1 : i32
      %dma_wait3A_779 = arith.constant 0 : i32
      %dma_wait3A_780 = arith.constant 0 : i32
      %dma_wait3A_781 = tpu.memref_slice %arg8[%dma_wait3A_778, %dma_wait3A_779, %dma_wait3A_780] : memref<4x200x128xf32, #tpu.memory_space<vmem>> -> memref<1x200x128xf32, #tpu.memory_space<vmem>>
      %dma_wait3A_782 = tpu.memref_squeeze %dma_wait3A_781 : memref<1x200x128xf32, #tpu.memory_space<vmem>> -> memref<200x128xf32, #tpu.memory_space<vmem>>
      %dma_wait3A_783 = arith.constant 0 : i32
      %dma_wait3A_784 = arith.constant 0 : i32
      %dma_wait3A_785 = tpu.memref_slice %arg6[%add3A_777, %dma_wait3A_783, %dma_wait3A_784] : memref<1024x200x128xf32, #tpu.memory_space<hbm>> -> memref<1x200x128xf32, #tpu.memory_space<hbm>>
      %dma_wait3A_786 = tpu.memref_squeeze %dma_wait3A_785 : memref<1x200x128xf32, #tpu.memory_space<hbm>> -> memref<200x128xf32, #tpu.memory_space<hbm>>
      %dma_wait3A_787 = arith.constant 0 : i32
      %dma_wait3A_788 = arith.constant 0 : i32
      %dma_wait3A_789 = tpu.memref_slice %arg6[%add3A_777, %dma_wait3A_787, %dma_wait3A_788] : memref<1024x200x128xf32, #tpu.memory_space<hbm>> -> memref<1x200x128xf32, #tpu.memory_space<hbm>>
      %dma_wait3A_790 = tpu.memref_squeeze %dma_wait3A_789 : memref<1x200x128xf32, #tpu.memory_space<hbm>> -> memref<200x128xf32, #tpu.memory_space<hbm>>
      %dma_wait3A_791 = arith.constant 0 : i32
      %dma_wait3A_792 = arith.constant 0 : i32
      %dma_wait3A_793 = tpu.memref_slice %arg8[%dma_wait3A_778, %dma_wait3A_791, %dma_wait3A_792] : memref<4x200x128xf32, #tpu.memory_space<vmem>> -> memref<1x200x128xf32, #tpu.memory_space<vmem>>
      %dma_wait3A_794 = tpu.memref_squeeze %dma_wait3A_793 : memref<1x200x128xf32, #tpu.memory_space<vmem>> -> memref<200x128xf32, #tpu.memory_space<vmem>>
      tpu.wait_dma2 semaphore(%arg17 : memref<!tpu.dma_semaphore, #tpu.memory_space<semaphore_mem>>) src(%dma_wait3A_794 : memref<200x128xf32, #tpu.memory_space<vmem>>) dst(%dma_wait3A_790 : memref<200x128xf32, #tpu.memory_space<hbm>>)
      %lt3A_795 = arith.constant 7 : i32
      %lt3A_796 = arith.cmpi slt, %scan3A_146, %lt3A_795 : i32
      %convert_element_type3A_797 = arith.extui %lt3A_796 : i1 to i32
      %cond3A_798 = arith.constant 0 : i32
      %cond3A_799 = arith.cmpi ne, %convert_element_type3A_797, %cond3A_798 : i32
      scf.if %cond3A_799 {
        %add3A_977 = arith.constant 2 : i32
        %add3A_978 = arith.addi %add3A_774, %add3A_977 : i32
        %dma_start3A_979 = arith.constant 0 : i32
        %dma_start3A_980 = arith.constant 1 : i32
        %dma_start3A_981 = arith.constant 0 : i32
        %dma_start3A_982 = arith.constant 0 : i32
        %dma_start3A_983 = tpu.memref_slice %arg8[%dma_start3A_980, %dma_start3A_981, %dma_start3A_982] : memref<4x200x128xf32, #tpu.memory_space<vmem>> -> memref<1x100x128xf32, #tpu.memory_space<vmem>>
        %dma_start3A_984 = tpu.memref_squeeze %dma_start3A_983 : memref<1x100x128xf32, #tpu.memory_space<vmem>> -> memref<100x128xf32, #tpu.memory_space<vmem>>
        %dma_start3A_985 = arith.constant 0 : i32
        %dma_start3A_986 = tpu.memref_slice %arg7[%add3A_978, %dma_start3A_979, %dma_start3A_985] : memref<32x2x100xi32, #tpu.memory_space<vmem>> -> memref<1x1x100xi32, #tpu.memory_space<vmem>>
        %dma_start3A_987 = tpu.memref_squeeze %dma_start3A_986 : memref<1x1x100xi32, #tpu.memory_space<vmem>> -> memref<100xi32, #tpu.memory_space<vmem>>
        %dma_start3A_988 = arith.constant 0 : i32
        %dma_start3A_989 = arith.constant 0 : i32
        %dma_start3A_990 = tpu.memref_slice %arg9[%dma_start3A_988, %dma_start3A_989] : memref<1000x128xf32, #tpu.memory_space<vmem_shared>> -> memref<1000x128xf32, #tpu.memory_space<vmem_shared>>
        tpu.enqueue_indirect_dma source(%dma_start3A_990 : memref<1000x128xf32, #tpu.memory_space<vmem_shared>>) target(%dma_start3A_984 : memref<100x128xf32, #tpu.memory_space<vmem>>) offsets(%dma_start3A_987 : memref<100xi32, #tpu.memory_space<vmem>>) semaphore(%arg13 : memref<!tpu.dma_semaphore, #tpu.memory_space<semaphore_mem>>)
        %dma_start3A_991 = arith.constant 1 : i32
        %dma_start3A_992 = arith.constant 1 : i32
        %dma_start3A_993 = arith.constant 100 : i32
        %dma_start3A_994 = arith.constant 0 : i32
        %dma_start3A_995 = tpu.memref_slice %arg8[%dma_start3A_992, %dma_start3A_993, %dma_start3A_994] : memref<4x200x128xf32, #tpu.memory_space<vmem>> -> memref<1x100x128xf32, #tpu.memory_space<vmem>>
        %dma_start3A_996 = tpu.memref_squeeze %dma_start3A_995 : memref<1x100x128xf32, #tpu.memory_space<vmem>> -> memref<100x128xf32, #tpu.memory_space<vmem>>
        %dma_start3A_997 = arith.constant 0 : i32
        %dma_start3A_998 = tpu.memref_slice %arg7[%add3A_978, %dma_start3A_991, %dma_start3A_997] : memref<32x2x100xi32, #tpu.memory_space<vmem>> -> memref<1x1x100xi32, #tpu.memory_space<vmem>>
        %dma_start3A_999 = tpu.memref_squeeze %dma_start3A_998 : memref<1x1x100xi32, #tpu.memory_space<vmem>> -> memref<100xi32, #tpu.memory_space<vmem>>
        %dma_start3A_1000 = arith.constant 0 : i32
        %dma_start3A_1001 = arith.constant 0 : i32
        %dma_start3A_1002 = tpu.memref_slice %arg9[%dma_start3A_1000, %dma_start3A_1001] : memref<1000x128xf32, #tpu.memory_space<vmem_shared>> -> memref<1000x128xf32, #tpu.memory_space<vmem_shared>>
        tpu.enqueue_indirect_dma source(%dma_start3A_1002 : memref<1000x128xf32, #tpu.memory_space<vmem_shared>>) target(%dma_start3A_996 : memref<100x128xf32, #tpu.memory_space<vmem>>) offsets(%dma_start3A_999 : memref<100xi32, #tpu.memory_space<vmem>>) semaphore(%arg13 : memref<!tpu.dma_semaphore, #tpu.memory_space<semaphore_mem>>)
      } else {
      }
      %dma_wait3A_800 = arith.constant 0 : i32
      %dma_wait3A_801 = arith.constant 3 : i32
      %dma_wait3A_802 = arith.constant 0 : i32
      %dma_wait3A_803 = arith.constant 0 : i32
      %dma_wait3A_804 = tpu.memref_slice %arg8[%dma_wait3A_801, %dma_wait3A_802, %dma_wait3A_803] : memref<4x200x128xf32, #tpu.memory_space<vmem>> -> memref<1x100x128xf32, #tpu.memory_space<vmem>>
      %dma_wait3A_805 = tpu.memref_squeeze %dma_wait3A_804 : memref<1x100x128xf32, #tpu.memory_space<vmem>> -> memref<100x128xf32, #tpu.memory_space<vmem>>
      %dma_wait3A_806 = arith.constant 0 : i32
      %dma_wait3A_807 = tpu.memref_slice %arg7[%add3A_774, %dma_wait3A_800, %dma_wait3A_806] : memref<32x2x100xi32, #tpu.memory_space<vmem>> -> memref<1x1x100xi32, #tpu.memory_space<vmem>>
      %dma_wait3A_808 = tpu.memref_squeeze %dma_wait3A_807 : memref<1x1x100xi32, #tpu.memory_space<vmem>> -> memref<100xi32, #tpu.memory_space<vmem>>
      %dma_wait3A_809 = arith.constant 0 : i32
      %dma_wait3A_810 = arith.constant 0 : i32
      %dma_wait3A_811 = tpu.memref_slice %arg9[%dma_wait3A_809, %dma_wait3A_810] : memref<1000x128xf32, #tpu.memory_space<vmem_shared>> -> memref<1000x128xf32, #tpu.memory_space<vmem_shared>>
      tpu.wait_indirect_dma semaphore(%arg15 : memref<!tpu.dma_semaphore, #tpu.memory_space<semaphore_mem>>) src(%dma_wait3A_811 : memref<1000x128xf32, #tpu.memory_space<vmem_shared>>) dst(%dma_wait3A_805 : memref<100x128xf32, #tpu.memory_space<vmem>>)
      %dma_wait3A_812 = arith.constant 1 : i32
      %dma_wait3A_813 = arith.constant 3 : i32
      %dma_wait3A_814 = arith.constant 100 : i32
      %dma_wait3A_815 = arith.constant 0 : i32
      %dma_wait3A_816 = tpu.memref_slice %arg8[%dma_wait3A_813, %dma_wait3A_814, %dma_wait3A_815] : memref<4x200x128xf32, #tpu.memory_space<vmem>> -> memref<1x100x128xf32, #tpu.memory_space<vmem>>
      %dma_wait3A_817 = tpu.memref_squeeze %dma_wait3A_816 : memref<1x100x128xf32, #tpu.memory_space<vmem>> -> memref<100x128xf32, #tpu.memory_space<vmem>>
      %dma_wait3A_818 = arith.constant 0 : i32
      %dma_wait3A_819 = tpu.memref_slice %arg7[%add3A_774, %dma_wait3A_812, %dma_wait3A_818] : memref<32x2x100xi32, #tpu.memory_space<vmem>> -> memref<1x1x100xi32, #tpu.memory_space<vmem>>
      %dma_wait3A_820 = tpu.memref_squeeze %dma_wait3A_819 : memref<1x1x100xi32, #tpu.memory_space<vmem>> -> memref<100xi32, #tpu.memory_space<vmem>>
      %dma_wait3A_821 = arith.constant 0 : i32
      %dma_wait3A_822 = arith.constant 0 : i32
      %dma_wait3A_823 = tpu.memref_slice %arg9[%dma_wait3A_821, %dma_wait3A_822] : memref<1000x128xf32, #tpu.memory_space<vmem_shared>> -> memref<1000x128xf32, #tpu.memory_space<vmem_shared>>
      tpu.wait_indirect_dma semaphore(%arg15 : memref<!tpu.dma_semaphore, #tpu.memory_space<semaphore_mem>>) src(%dma_wait3A_823 : memref<1000x128xf32, #tpu.memory_space<vmem_shared>>) dst(%dma_wait3A_817 : memref<100x128xf32, #tpu.memory_space<vmem>>)
      %get3A_824 = arith.constant 3 : i32
      %get3A_825 = arith.constant 199 : i32
      %get3A_826 = arith.index_cast %get3A_824 : i32 to index
      %get3A_827 = arith.index_cast %get3A_825 : i32 to index
      %get3A_828 = arith.constant 0 : index
      %get3A_829 = tpu.vector_load %arg8[%get3A_826, %get3A_827, %get3A_828] {strides = array<i32>} : memref<4x200x128xf32, #tpu.memory_space<vmem>>, vector<1x1x16xf32>,
      %get3A_830 = vector.shape_cast %get3A_829 : vector<1x1x16xf32> to vector<16xf32>
      %get3A_831 = arith.constant 3 : i32
      %get3A_832 = arith.constant 199 : i32
      %get3A_833 = arith.index_cast %get3A_831 : i32 to index
      %get3A_834 = arith.index_cast %get3A_832 : i32 to index
      %get3A_835 = arith.constant 16 : index
      %get3A_836 = tpu.vector_load %arg8[%get3A_833, %get3A_834, %get3A_835] {strides = array<i32>} : memref<4x200x128xf32, #tpu.memory_space<vmem>>, vector<1x1x16xf32>,
      %get3A_837 = vector.shape_cast %get3A_836 : vector<1x1x16xf32> to vector<16xf32>
      %get3A_838 = arith.constant 3 : i32
      %get3A_839 = arith.constant 199 : i32
      %get3A_840 = arith.index_cast %get3A_838 : i32 to index
      %get3A_841 = arith.index_cast %get3A_839 : i32 to index
      %get3A_842 = arith.constant 32 : index
      %get3A_843 = tpu.vector_load %arg8[%get3A_840, %get3A_841, %get3A_842] {strides = array<i32>} : memref<4x200x128xf32, #tpu.memory_space<vmem>>, vector<1x1x16xf32>,
      %get3A_844 = vector.shape_cast %get3A_843 : vector<1x1x16xf32> to vector<16xf32>
      %get3A_845 = arith.constant 3 : i32
      %get3A_846 = arith.constant 199 : i32
      %get3A_847 = arith.index_cast %get3A_845 : i32 to index
      %get3A_848 = arith.index_cast %get3A_846 : i32 to index
      %get3A_849 = arith.constant 48 : index
      %get3A_850 = tpu.vector_load %arg8[%get3A_847, %get3A_848, %get3A_849] {strides = array<i32>} : memref<4x200x128xf32, #tpu.memory_space<vmem>>, vector<1x1x16xf32>,
      %get3A_851 = vector.shape_cast %get3A_850 : vector<1x1x16xf32> to vector<16xf32>
      %get3A_852 = arith.constant 3 : i32
      %get3A_853 = arith.constant 199 : i32
      %get3A_854 = arith.index_cast %get3A_852 : i32 to index
      %get3A_855 = arith.index_cast %get3A_853 : i32 to index
      %get3A_856 = arith.constant 64 : index
      %get3A_857 = tpu.vector_load %arg8[%get3A_854, %get3A_855, %get3A_856] {strides = array<i32>} : memref<4x200x128xf32, #tpu.memory_space<vmem>>, vector<1x1x16xf32>,
      %get3A_858 = vector.shape_cast %get3A_857 : vector<1x1x16xf32> to vector<16xf32>
      %get3A_859 = arith.constant 3 : i32
      %get3A_860 = arith.constant 199 : i32
      %get3A_861 = arith.index_cast %get3A_859 : i32 to index
      %get3A_862 = arith.index_cast %get3A_860 : i32 to index
      %get3A_863 = arith.constant 80 : index
      %get3A_864 = tpu.vector_load %arg8[%get3A_861, %get3A_862, %get3A_863] {strides = array<i32>} : memref<4x200x128xf32, #tpu.memory_space<vmem>>, vector<1x1x16xf32>,
      %get3A_865 = vector.shape_cast %get3A_864 : vector<1x1x16xf32> to vector<16xf32>
      %get3A_866 = arith.constant 3 : i32
      %get3A_867 = arith.constant 199 : i32
      %get3A_868 = arith.index_cast %get3A_866 : i32 to index
      %get3A_869 = arith.index_cast %get3A_867 : i32 to index
      %get3A_870 = arith.constant 96 : index
      %get3A_871 = tpu.vector_load %arg8[%get3A_868, %get3A_869, %get3A_870] {strides = array<i32>} : memref<4x200x128xf32, #tpu.memory_space<vmem>>, vector<1x1x16xf32>,
      %get3A_872 = vector.shape_cast %get3A_871 : vector<1x1x16xf32> to vector<16xf32>
      %get3A_873 = arith.constant 3 : i32
      %get3A_874 = arith.constant 199 : i32
      %get3A_875 = arith.index_cast %get3A_873 : i32 to index
      %get3A_876 = arith.index_cast %get3A_874 : i32 to index
      %get3A_877 = arith.constant 112 : index
      %get3A_878 = tpu.vector_load %arg8[%get3A_875, %get3A_876, %get3A_877] {strides = array<i32>} : memref<4x200x128xf32, #tpu.memory_space<vmem>>, vector<1x1x16xf32>,
      %get3A_879 = vector.shape_cast %get3A_878 : vector<1x1x16xf32> to vector<16xf32>
      %scan3A_880 = arith.constant 0 : i32
      %scan3A_881 = arith.constant 199 : i32
      %scan3A_882 = arith.addi %scan3A_880, %scan3A_881 : i32
      %scan3A_883 = arith.constant 1 : i32
      %scan3A_884:8 = scf.for %scan3A_977 = %scan3A_880 to %scan3A_882 step %scan3A_883 iter_args(%scan3A_978 = %get3A_830, %scan3A_979 = %get3A_837, %scan3A_980 = %get3A_844, %scan3A_981 = %get3A_851, %scan3A_982 = %get3A_858, %scan3A_983 = %get3A_865, %scan3A_984 = %get3A_872, %scan3A_985 = %get3A_879) -> (vector<16xf32>, vector<16xf32>, vector<16xf32>, vector<16xf32>, vector<16xf32>, vector<16xf32>, vector<16xf32>, vector<16xf32>)  : i32 {
        %sub3A_986 = arith.constant 199 : i32
        %sub3A_987 = arith.subi %sub3A_986, %scan3A_977 : i32
        %sub3A_988 = arith.constant 1 : i32
        %sub3A_989 = arith.subi %sub3A_987, %sub3A_988 : i32
        %get3A_990 = arith.constant 3 : i32
        %get3A_991 = arith.index_cast %get3A_990 : i32 to index
        %get3A_992 = arith.index_cast %sub3A_989 : i32 to index
        %get3A_993 = arith.constant 0 : index
        %get3A_994 = tpu.vector_load %arg8[%get3A_991, %get3A_992, %get3A_993] {strides = array<i32>} : memref<4x200x128xf32, #tpu.memory_space<vmem>>, vector<1x1x16xf32>,
        %get3A_995 = vector.shape_cast %get3A_994 : vector<1x1x16xf32> to vector<16xf32>
        %mul3A_996 = arith.mulf %get3A_30, %scan3A_978 : vector<16xf32>
        %mul3A_997 = arith.mulf %get3A_6, %get3A_995 : vector<16xf32>
        %add3A_998 = arith.addf %mul3A_996, %mul3A_997 : vector<16xf32>
        %swap3A_999 = arith.constant 3 : i32
        %swap3A_1000 = arith.index_cast %swap3A_999 : i32 to index
        %swap3A_1001 = arith.index_cast %sub3A_987 : i32 to index
        %swap3A_1002 = arith.constant 0 : index
        %swap3A_1003 = tpu.vector_load %arg8[%swap3A_1000, %swap3A_1001, %swap3A_1002] {strides = array<i32>} : memref<4x200x128xf32, #tpu.memory_space<vmem>>, vector<1x1x16xf32>,
        %swap3A_1004 = vector.shape_cast %swap3A_1003 : vector<1x1x16xf32> to vector<16xf32>
        %swap3A_1005 = vector.shape_cast %add3A_998 : vector<16xf32> to vector<1x1x16xf32>
        tpu.vector_store %arg8[%swap3A_1000, %swap3A_1001, %swap3A_1002], %swap3A_1005 {strides = array<i32>} : memref<4x200x128xf32, #tpu.memory_space<vmem>>, vector<1x1x16xf32>,
        %sub3A_1006 = arith.constant 1 : i32
        %sub3A_1007 = arith.subi %sub3A_987, %sub3A_1006 : i32
        %get3A_1008 = arith.constant 3 : i32
        %get3A_1009 = arith.index_cast %get3A_1008 : i32 to index
        %get3A_1010 = arith.index_cast %sub3A_1007 : i32 to index
        %get3A_1011 = arith.constant 16 : index
        %get3A_1012 = tpu.vector_load %arg8[%get3A_1009, %get3A_1010, %get3A_1011] {strides = array<i32>} : memref<4x200x128xf32, #tpu.memory_space<vmem>>, vector<1x1x16xf32>,
        %get3A_1013 = vector.shape_cast %get3A_1012 : vector<1x1x16xf32> to vector<16xf32>
        %mul3A_1014 = arith.mulf %get3A_33, %scan3A_979 : vector<16xf32>
        %mul3A_1015 = arith.mulf %get3A_9, %get3A_1013 : vector<16xf32>
        %add3A_1016 = arith.addf %mul3A_1014, %mul3A_1015 : vector<16xf32>
        %swap3A_1017 = arith.constant 3 : i32
        %swap3A_1018 = arith.index_cast %swap3A_1017 : i32 to index
        %swap3A_1019 = arith.index_cast %sub3A_987 : i32 to index
        %swap3A_1020 = arith.constant 16 : index
        %swap3A_1021 = tpu.vector_load %arg8[%swap3A_1018, %swap3A_1019, %swap3A_1020] {strides = array<i32>} : memref<4x200x128xf32, #tpu.memory_space<vmem>>, vector<1x1x16xf32>,
        %swap3A_1022 = vector.shape_cast %swap3A_1021 : vector<1x1x16xf32> to vector<16xf32>
        %swap3A_1023 = vector.shape_cast %add3A_1016 : vector<16xf32> to vector<1x1x16xf32>
        tpu.vector_store %arg8[%swap3A_1018, %swap3A_1019, %swap3A_1020], %swap3A_1023 {strides = array<i32>} : memref<4x200x128xf32, #tpu.memory_space<vmem>>, vector<1x1x16xf32>,
        %sub3A_1024 = arith.constant 1 : i32
        %sub3A_1025 = arith.subi %sub3A_987, %sub3A_1024 : i32
        %get3A_1026 = arith.constant 3 : i32
        %get3A_1027 = arith.index_cast %get3A_1026 : i32 to index
        %get3A_1028 = arith.index_cast %sub3A_1025 : i32 to index
        %get3A_1029 = arith.constant 32 : index
        %get3A_1030 = tpu.vector_load %arg8[%get3A_1027, %get3A_1028, %get3A_1029] {strides = array<i32>} : memref<4x200x128xf32, #tpu.memory_space<vmem>>, vector<1x1x16xf32>,
        %get3A_1031 = vector.shape_cast %get3A_1030 : vector<1x1x16xf32> to vector<16xf32>
        %mul3A_1032 = arith.mulf %get3A_36, %scan3A_980 : vector<16xf32>
        %mul3A_1033 = arith.mulf %get3A_12, %get3A_1031 : vector<16xf32>
        %add3A_1034 = arith.addf %mul3A_1032, %mul3A_1033 : vector<16xf32>
        %swap3A_1035 = arith.constant 3 : i32
        %swap3A_1036 = arith.index_cast %swap3A_1035 : i32 to index
        %swap3A_1037 = arith.index_cast %sub3A_987 : i32 to index
        %swap3A_1038 = arith.constant 32 : index
        %swap3A_1039 = tpu.vector_load %arg8[%swap3A_1036, %swap3A_1037, %swap3A_1038] {strides = array<i32>} : memref<4x200x128xf32, #tpu.memory_space<vmem>>, vector<1x1x16xf32>,
        %swap3A_1040 = vector.shape_cast %swap3A_1039 : vector<1x1x16xf32> to vector<16xf32>
        %swap3A_1041 = vector.shape_cast %add3A_1034 : vector<16xf32> to vector<1x1x16xf32>
        tpu.vector_store %arg8[%swap3A_1036, %swap3A_1037, %swap3A_1038], %swap3A_1041 {strides = array<i32>} : memref<4x200x128xf32, #tpu.memory_space<vmem>>, vector<1x1x16xf32>,
        %sub3A_1042 = arith.constant 1 : i32
        %sub3A_1043 = arith.subi %sub3A_987, %sub3A_1042 : i32
        %get3A_1044 = arith.constant 3 : i32
        %get3A_1045 = arith.index_cast %get3A_1044 : i32 to index
        %get3A_1046 = arith.index_cast %sub3A_1043 : i32 to index
        %get3A_1047 = arith.constant 48 : index
        %get3A_1048 = tpu.vector_load %arg8[%get3A_1045, %get3A_1046, %get3A_1047] {strides = array<i32>} : memref<4x200x128xf32, #tpu.memory_space<vmem>>, vector<1x1x16xf32>,
        %get3A_1049 = vector.shape_cast %get3A_1048 : vector<1x1x16xf32> to vector<16xf32>
        %mul3A_1050 = arith.mulf %get3A_39, %scan3A_981 : vector<16xf32>
        %mul3A_1051 = arith.mulf %get3A_15, %get3A_1049 : vector<16xf32>
        %add3A_1052 = arith.addf %mul3A_1050, %mul3A_1051 : vector<16xf32>
        %swap3A_1053 = arith.constant 3 : i32
        %swap3A_1054 = arith.index_cast %swap3A_1053 : i32 to index
        %swap3A_1055 = arith.index_cast %sub3A_987 : i32 to index
        %swap3A_1056 = arith.constant 48 : index
        %swap3A_1057 = tpu.vector_load %arg8[%swap3A_1054, %swap3A_1055, %swap3A_1056] {strides = array<i32>} : memref<4x200x128xf32, #tpu.memory_space<vmem>>, vector<1x1x16xf32>,
        %swap3A_1058 = vector.shape_cast %swap3A_1057 : vector<1x1x16xf32> to vector<16xf32>
        %swap3A_1059 = vector.shape_cast %add3A_1052 : vector<16xf32> to vector<1x1x16xf32>
        tpu.vector_store %arg8[%swap3A_1054, %swap3A_1055, %swap3A_1056], %swap3A_1059 {strides = array<i32>} : memref<4x200x128xf32, #tpu.memory_space<vmem>>, vector<1x1x16xf32>,
        %sub3A_1060 = arith.constant 1 : i32
        %sub3A_1061 = arith.subi %sub3A_987, %sub3A_1060 : i32
        %get3A_1062 = arith.constant 3 : i32
        %get3A_1063 = arith.index_cast %get3A_1062 : i32 to index
        %get3A_1064 = arith.index_cast %sub3A_1061 : i32 to index
        %get3A_1065 = arith.constant 64 : index
        %get3A_1066 = tpu.vector_load %arg8[%get3A_1063, %get3A_1064, %get3A_1065] {strides = array<i32>} : memref<4x200x128xf32, #tpu.memory_space<vmem>>, vector<1x1x16xf32>,
        %get3A_1067 = vector.shape_cast %get3A_1066 : vector<1x1x16xf32> to vector<16xf32>
        %mul3A_1068 = arith.mulf %get3A_42, %scan3A_982 : vector<16xf32>
        %mul3A_1069 = arith.mulf %get3A_18, %get3A_1067 : vector<16xf32>
        %add3A_1070 = arith.addf %mul3A_1068, %mul3A_1069 : vector<16xf32>
        %swap3A_1071 = arith.constant 3 : i32
        %swap3A_1072 = arith.index_cast %swap3A_1071 : i32 to index
        %swap3A_1073 = arith.index_cast %sub3A_987 : i32 to index
        %swap3A_1074 = arith.constant 64 : index
        %swap3A_1075 = tpu.vector_load %arg8[%swap3A_1072, %swap3A_1073, %swap3A_1074] {strides = array<i32>} : memref<4x200x128xf32, #tpu.memory_space<vmem>>, vector<1x1x16xf32>,
        %swap3A_1076 = vector.shape_cast %swap3A_1075 : vector<1x1x16xf32> to vector<16xf32>
        %swap3A_1077 = vector.shape_cast %add3A_1070 : vector<16xf32> to vector<1x1x16xf32>
        tpu.vector_store %arg8[%swap3A_1072, %swap3A_1073, %swap3A_1074], %swap3A_1077 {strides = array<i32>} : memref<4x200x128xf32, #tpu.memory_space<vmem>>, vector<1x1x16xf32>,
        %sub3A_1078 = arith.constant 1 : i32
        %sub3A_1079 = arith.subi %sub3A_987, %sub3A_1078 : i32
        %get3A_1080 = arith.constant 3 : i32
        %get3A_1081 = arith.index_cast %get3A_1080 : i32 to index
        %get3A_1082 = arith.index_cast %sub3A_1079 : i32 to index
        %get3A_1083 = arith.constant 80 : index
        %get3A_1084 = tpu.vector_load %arg8[%get3A_1081, %get3A_1082, %get3A_1083] {strides = array<i32>} : memref<4x200x128xf32, #tpu.memory_space<vmem>>, vector<1x1x16xf32>,
        %get3A_1085 = vector.shape_cast %get3A_1084 : vector<1x1x16xf32> to vector<16xf32>
        %mul3A_1086 = arith.mulf %get3A_45, %scan3A_983 : vector<16xf32>
        %mul3A_1087 = arith.mulf %get3A_21, %get3A_1085 : vector<16xf32>
        %add3A_1088 = arith.addf %mul3A_1086, %mul3A_1087 : vector<16xf32>
        %swap3A_1089 = arith.constant 3 : i32
        %swap3A_1090 = arith.index_cast %swap3A_1089 : i32 to index
        %swap3A_1091 = arith.index_cast %sub3A_987 : i32 to index
        %swap3A_1092 = arith.constant 80 : index
        %swap3A_1093 = tpu.vector_load %arg8[%swap3A_1090, %swap3A_1091, %swap3A_1092] {strides = array<i32>} : memref<4x200x128xf32, #tpu.memory_space<vmem>>, vector<1x1x16xf32>,
        %swap3A_1094 = vector.shape_cast %swap3A_1093 : vector<1x1x16xf32> to vector<16xf32>
        %swap3A_1095 = vector.shape_cast %add3A_1088 : vector<16xf32> to vector<1x1x16xf32>
        tpu.vector_store %arg8[%swap3A_1090, %swap3A_1091, %swap3A_1092], %swap3A_1095 {strides = array<i32>} : memref<4x200x128xf32, #tpu.memory_space<vmem>>, vector<1x1x16xf32>,
        %sub3A_1096 = arith.constant 1 : i32
        %sub3A_1097 = arith.subi %sub3A_987, %sub3A_1096 : i32
        %get3A_1098 = arith.constant 3 : i32
        %get3A_1099 = arith.index_cast %get3A_1098 : i32 to index
        %get3A_1100 = arith.index_cast %sub3A_1097 : i32 to index
        %get3A_1101 = arith.constant 96 : index
        %get3A_1102 = tpu.vector_load %arg8[%get3A_1099, %get3A_1100, %get3A_1101] {strides = array<i32>} : memref<4x200x128xf32, #tpu.memory_space<vmem>>, vector<1x1x16xf32>,
        %get3A_1103 = vector.shape_cast %get3A_1102 : vector<1x1x16xf32> to vector<16xf32>
        %mul3A_1104 = arith.mulf %get3A_48, %scan3A_984 : vector<16xf32>
        %mul3A_1105 = arith.mulf %get3A_24, %get3A_1103 : vector<16xf32>
        %add3A_1106 = arith.addf %mul3A_1104, %mul3A_1105 : vector<16xf32>
        %swap3A_1107 = arith.constant 3 : i32
        %swap3A_1108 = arith.index_cast %swap3A_1107 : i32 to index
        %swap3A_1109 = arith.index_cast %sub3A_987 : i32 to index
        %swap3A_1110 = arith.constant 96 : index
        %swap3A_1111 = tpu.vector_load %arg8[%swap3A_1108, %swap3A_1109, %swap3A_1110] {strides = array<i32>} : memref<4x200x128xf32, #tpu.memory_space<vmem>>, vector<1x1x16xf32>,
        %swap3A_1112 = vector.shape_cast %swap3A_1111 : vector<1x1x16xf32> to vector<16xf32>
        %swap3A_1113 = vector.shape_cast %add3A_1106 : vector<16xf32> to vector<1x1x16xf32>
        tpu.vector_store %arg8[%swap3A_1108, %swap3A_1109, %swap3A_1110], %swap3A_1113 {strides = array<i32>} : memref<4x200x128xf32, #tpu.memory_space<vmem>>, vector<1x1x16xf32>,
        %sub3A_1114 = arith.constant 1 : i32
        %sub3A_1115 = arith.subi %sub3A_987, %sub3A_1114 : i32
        %get3A_1116 = arith.constant 3 : i32
        %get3A_1117 = arith.index_cast %get3A_1116 : i32 to index
        %get3A_1118 = arith.index_cast %sub3A_1115 : i32 to index
        %get3A_1119 = arith.constant 112 : index
        %get3A_1120 = tpu.vector_load %arg8[%get3A_1117, %get3A_1118, %get3A_1119] {strides = array<i32>} : memref<4x200x128xf32, #tpu.memory_space<vmem>>, vector<1x1x16xf32>,
        %get3A_1121 = vector.shape_cast %get3A_1120 : vector<1x1x16xf32> to vector<16xf32>
        %mul3A_1122 = arith.mulf %get3A_51, %scan3A_985 : vector<16xf32>
        %mul3A_1123 = arith.mulf %get3A_27, %get3A_1121 : vector<16xf32>
        %add3A_1124 = arith.addf %mul3A_1122, %mul3A_1123 : vector<16xf32>
        %swap3A_1125 = arith.constant 3 : i32
        %swap3A_1126 = arith.index_cast %swap3A_1125 : i32 to index
        %swap3A_1127 = arith.index_cast %sub3A_987 : i32 to index
        %swap3A_1128 = arith.constant 112 : index
        %swap3A_1129 = tpu.vector_load %arg8[%swap3A_1126, %swap3A_1127, %swap3A_1128] {strides = array<i32>} : memref<4x200x128xf32, #tpu.memory_space<vmem>>, vector<1x1x16xf32>,
        %swap3A_1130 = vector.shape_cast %swap3A_1129 : vector<1x1x16xf32> to vector<16xf32>
        %swap3A_1131 = vector.shape_cast %add3A_1124 : vector<16xf32> to vector<1x1x16xf32>
        tpu.vector_store %arg8[%swap3A_1126, %swap3A_1127, %swap3A_1128], %swap3A_1131 {strides = array<i32>} : memref<4x200x128xf32, #tpu.memory_space<vmem>>, vector<1x1x16xf32>,
        scf.yield %get3A_995, %get3A_1013, %get3A_1031, %get3A_1049, %get3A_1067, %get3A_1085, %get3A_1103, %get3A_1121 : vector<16xf32>, vector<16xf32>, vector<16xf32>, vector<16xf32>, vector<16xf32>, vector<16xf32>, vector<16xf32>, vector<16xf32>
      }
      %scan3A_885 = arith.constant 199 : i32
      %mul3A_886 = arith.mulf %get3A_30, %scan3A_884#0 : vector<16xf32>
      %swap3A_887 = arith.constant 3 : i32
      %swap3A_888 = arith.constant 0 : i32
      %swap3A_889 = arith.index_cast %swap3A_887 : i32 to index
      %swap3A_890 = arith.index_cast %swap3A_888 : i32 to index
      %swap3A_891 = arith.constant 0 : index
      %swap3A_892 = tpu.vector_load %arg8[%swap3A_889, %swap3A_890, %swap3A_891] {strides = array<i32>} : memref<4x200x128xf32, #tpu.memory_space<vmem>>, vector<1x1x16xf32>,
      %swap3A_893 = vector.shape_cast %swap3A_892 : vector<1x1x16xf32> to vector<16xf32>
      %swap3A_894 = vector.shape_cast %mul3A_886 : vector<16xf32> to vector<1x1x16xf32>
      tpu.vector_store %arg8[%swap3A_889, %swap3A_890, %swap3A_891], %swap3A_894 {strides = array<i32>} : memref<4x200x128xf32, #tpu.memory_space<vmem>>, vector<1x1x16xf32>,
      %mul3A_895 = arith.mulf %get3A_33, %scan3A_884#1 : vector<16xf32>
      %swap3A_896 = arith.constant 3 : i32
      %swap3A_897 = arith.constant 0 : i32
      %swap3A_898 = arith.index_cast %swap3A_896 : i32 to index
      %swap3A_899 = arith.index_cast %swap3A_897 : i32 to index
      %swap3A_900 = arith.constant 16 : index
      %swap3A_901 = tpu.vector_load %arg8[%swap3A_898, %swap3A_899, %swap3A_900] {strides = array<i32>} : memref<4x200x128xf32, #tpu.memory_space<vmem>>, vector<1x1x16xf32>,
      %swap3A_902 = vector.shape_cast %swap3A_901 : vector<1x1x16xf32> to vector<16xf32>
      %swap3A_903 = vector.shape_cast %mul3A_895 : vector<16xf32> to vector<1x1x16xf32>
      tpu.vector_store %arg8[%swap3A_898, %swap3A_899, %swap3A_900], %swap3A_903 {strides = array<i32>} : memref<4x200x128xf32, #tpu.memory_space<vmem>>, vector<1x1x16xf32>,
      %mul3A_904 = arith.mulf %get3A_36, %scan3A_884#2 : vector<16xf32>
      %swap3A_905 = arith.constant 3 : i32
      %swap3A_906 = arith.constant 0 : i32
      %swap3A_907 = arith.index_cast %swap3A_905 : i32 to index
      %swap3A_908 = arith.index_cast %swap3A_906 : i32 to index
      %swap3A_909 = arith.constant 32 : index
      %swap3A_910 = tpu.vector_load %arg8[%swap3A_907, %swap3A_908, %swap3A_909] {strides = array<i32>} : memref<4x200x128xf32, #tpu.memory_space<vmem>>, vector<1x1x16xf32>,
      %swap3A_911 = vector.shape_cast %swap3A_910 : vector<1x1x16xf32> to vector<16xf32>
      %swap3A_912 = vector.shape_cast %mul3A_904 : vector<16xf32> to vector<1x1x16xf32>
      tpu.vector_store %arg8[%swap3A_907, %swap3A_908, %swap3A_909], %swap3A_912 {strides = array<i32>} : memref<4x200x128xf32, #tpu.memory_space<vmem>>, vector<1x1x16xf32>,
      %mul3A_913 = arith.mulf %get3A_39, %scan3A_884#3 : vector<16xf32>
      %swap3A_914 = arith.constant 3 : i32
      %swap3A_915 = arith.constant 0 : i32
      %swap3A_916 = arith.index_cast %swap3A_914 : i32 to index
      %swap3A_917 = arith.index_cast %swap3A_915 : i32 to index
      %swap3A_918 = arith.constant 48 : index
      %swap3A_919 = tpu.vector_load %arg8[%swap3A_916, %swap3A_917, %swap3A_918] {strides = array<i32>} : memref<4x200x128xf32, #tpu.memory_space<vmem>>, vector<1x1x16xf32>,
      %swap3A_920 = vector.shape_cast %swap3A_919 : vector<1x1x16xf32> to vector<16xf32>
      %swap3A_921 = vector.shape_cast %mul3A_913 : vector<16xf32> to vector<1x1x16xf32>
      tpu.vector_store %arg8[%swap3A_916, %swap3A_917, %swap3A_918], %swap3A_921 {strides = array<i32>} : memref<4x200x128xf32, #tpu.memory_space<vmem>>, vector<1x1x16xf32>,
      %mul3A_922 = arith.mulf %get3A_42, %scan3A_884#4 : vector<16xf32>
      %swap3A_923 = arith.constant 3 : i32
      %swap3A_924 = arith.constant 0 : i32
      %swap3A_925 = arith.index_cast %swap3A_923 : i32 to index
      %swap3A_926 = arith.index_cast %swap3A_924 : i32 to index
      %swap3A_927 = arith.constant 64 : index
      %swap3A_928 = tpu.vector_load %arg8[%swap3A_925, %swap3A_926, %swap3A_927] {strides = array<i32>} : memref<4x200x128xf32, #tpu.memory_space<vmem>>, vector<1x1x16xf32>,
      %swap3A_929 = vector.shape_cast %swap3A_928 : vector<1x1x16xf32> to vector<16xf32>
      %swap3A_930 = vector.shape_cast %mul3A_922 : vector<16xf32> to vector<1x1x16xf32>
      tpu.vector_store %arg8[%swap3A_925, %swap3A_926, %swap3A_927], %swap3A_930 {strides = array<i32>} : memref<4x200x128xf32, #tpu.memory_space<vmem>>, vector<1x1x16xf32>,
      %mul3A_931 = arith.mulf %get3A_45, %scan3A_884#5 : vector<16xf32>
      %swap3A_932 = arith.constant 3 : i32
      %swap3A_933 = arith.constant 0 : i32
      %swap3A_934 = arith.index_cast %swap3A_932 : i32 to index
      %swap3A_935 = arith.index_cast %swap3A_933 : i32 to index
      %swap3A_936 = arith.constant 80 : index
      %swap3A_937 = tpu.vector_load %arg8[%swap3A_934, %swap3A_935, %swap3A_936] {strides = array<i32>} : memref<4x200x128xf32, #tpu.memory_space<vmem>>, vector<1x1x16xf32>,
      %swap3A_938 = vector.shape_cast %swap3A_937 : vector<1x1x16xf32> to vector<16xf32>
      %swap3A_939 = vector.shape_cast %mul3A_931 : vector<16xf32> to vector<1x1x16xf32>
      tpu.vector_store %arg8[%swap3A_934, %swap3A_935, %swap3A_936], %swap3A_939 {strides = array<i32>} : memref<4x200x128xf32, #tpu.memory_space<vmem>>, vector<1x1x16xf32>,
      %mul3A_940 = arith.mulf %get3A_48, %scan3A_884#6 : vector<16xf32>
      %swap3A_941 = arith.constant 3 : i32
      %swap3A_942 = arith.constant 0 : i32
      %swap3A_943 = arith.index_cast %swap3A_941 : i32 to index
      %swap3A_944 = arith.index_cast %swap3A_942 : i32 to index
      %swap3A_945 = arith.constant 96 : index
      %swap3A_946 = tpu.vector_load %arg8[%swap3A_943, %swap3A_944, %swap3A_945] {strides = array<i32>} : memref<4x200x128xf32, #tpu.memory_space<vmem>>, vector<1x1x16xf32>,
      %swap3A_947 = vector.shape_cast %swap3A_946 : vector<1x1x16xf32> to vector<16xf32>
      %swap3A_948 = vector.shape_cast %mul3A_940 : vector<16xf32> to vector<1x1x16xf32>
      tpu.vector_store %arg8[%swap3A_943, %swap3A_944, %swap3A_945], %swap3A_948 {strides = array<i32>} : memref<4x200x128xf32, #tpu.memory_space<vmem>>, vector<1x1x16xf32>,
      %mul3A_949 = arith.mulf %get3A_51, %scan3A_884#7 : vector<16xf32>
      %swap3A_950 = arith.constant 3 : i32
      %swap3A_951 = arith.constant 0 : i32
      %swap3A_952 = arith.index_cast %swap3A_950 : i32 to index
      %swap3A_953 = arith.index_cast %swap3A_951 : i32 to index
      %swap3A_954 = arith.constant 112 : index
      %swap3A_955 = tpu.vector_load %arg8[%swap3A_952, %swap3A_953, %swap3A_954] {strides = array<i32>} : memref<4x200x128xf32, #tpu.memory_space<vmem>>, vector<1x1x16xf32>,
      %swap3A_956 = vector.shape_cast %swap3A_955 : vector<1x1x16xf32> to vector<16xf32>
      %swap3A_957 = vector.shape_cast %mul3A_949 : vector<16xf32> to vector<1x1x16xf32>
      tpu.vector_store %arg8[%swap3A_952, %swap3A_953, %swap3A_954], %swap3A_957 {strides = array<i32>} : memref<4x200x128xf32, #tpu.memory_space<vmem>>, vector<1x1x16xf32>,
      %add3A_958 = arith.addi %mul3A_2, %add3A_774 : i32
      %dma_start3A_959 = arith.constant 3 : i32
      %dma_start3A_960 = arith.constant 0 : i32
      %dma_start3A_961 = arith.constant 0 : i32
      %dma_start3A_962 = tpu.memref_slice %arg8[%dma_start3A_959, %dma_start3A_960, %dma_start3A_961] : memref<4x200x128xf32, #tpu.memory_space<vmem>> -> memref<1x200x128xf32, #tpu.memory_space<vmem>>
      %dma_start3A_963 = tpu.memref_squeeze %dma_start3A_962 : memref<1x200x128xf32, #tpu.memory_space<vmem>> -> memref<200x128xf32, #tpu.memory_space<vmem>>
      %dma_start3A_964 = arith.constant 0 : i32
      %dma_start3A_965 = arith.constant 0 : i32
      %dma_start3A_966 = tpu.memref_slice %arg6[%add3A_958, %dma_start3A_964, %dma_start3A_965] : memref<1024x200x128xf32, #tpu.memory_space<hbm>> -> memref<1x200x128xf32, #tpu.memory_space<hbm>>
      %dma_start3A_967 = tpu.memref_squeeze %dma_start3A_966 : memref<1x200x128xf32, #tpu.memory_space<hbm>> -> memref<200x128xf32, #tpu.memory_space<hbm>>
      %dma_start3A_968 = arith.constant 0 : i32
      %dma_start3A_969 = arith.constant 0 : i32
      %dma_start3A_970 = tpu.memref_slice %arg6[%add3A_958, %dma_start3A_968, %dma_start3A_969] : memref<1024x200x128xf32, #tpu.memory_space<hbm>> -> memref<1x200x128xf32, #tpu.memory_space<hbm>>
      %dma_start3A_971 = tpu.memref_squeeze %dma_start3A_970 : memref<1x200x128xf32, #tpu.memory_space<hbm>> -> memref<200x128xf32, #tpu.memory_space<hbm>>
      %dma_start3A_972 = arith.constant 0 : i32
      %dma_start3A_973 = arith.constant 0 : i32
      %dma_start3A_974 = tpu.memref_slice %arg8[%dma_start3A_959, %dma_start3A_972, %dma_start3A_973] : memref<4x200x128xf32, #tpu.memory_space<vmem>> -> memref<1x200x128xf32, #tpu.memory_space<vmem>>
      %dma_start3A_975 = tpu.memref_squeeze %dma_start3A_974 : memref<1x200x128xf32, #tpu.memory_space<vmem>> -> memref<200x128xf32, #tpu.memory_space<vmem>>
      tpu.enqueue_dma source(%dma_start3A_975 : memref<200x128xf32, #tpu.memory_space<vmem>>) target(%dma_start3A_971 : memref<200x128xf32, #tpu.memory_space<hbm>>) target_semaphore(%arg19 : memref<!tpu.dma_semaphore, #tpu.memory_space<semaphore_mem>>)
      %scan3A_976 = arith.constant 0 : i32
      scf.yield %scan3A_976 : i32
    }
    %scan3A_108 = arith.constant 8 : i32
    %add3A_109 = arith.constant 30 : i32
    %add3A_110 = arith.addi %mul3A_2, %add3A_109 : i32
    %dma_wait3A = arith.constant 2 : i32
    %dma_wait3A_111 = arith.constant 0 : i32
    %dma_wait3A_112 = arith.constant 0 : i32
    %dma_wait3A_113 = tpu.memref_slice %arg8[%dma_wait3A, %dma_wait3A_111, %dma_wait3A_112] : memref<4x200x128xf32, #tpu.memory_space<vmem>> -> memref<1x200x128xf32, #tpu.memory_space<vmem>>
    %dma_wait3A_114 = tpu.memref_squeeze %dma_wait3A_113 : memref<1x200x128xf32, #tpu.memory_space<vmem>> -> memref<200x128xf32, #tpu.memory_space<vmem>>
    %dma_wait3A_115 = arith.constant 0 : i32
    %dma_wait3A_116 = arith.constant 0 : i32
    %dma_wait3A_117 = tpu.memref_slice %arg6[%add3A_110, %dma_wait3A_115, %dma_wait3A_116] : memref<1024x200x128xf32, #tpu.memory_space<hbm>> -> memref<1x200x128xf32, #tpu.memory_space<hbm>>
    %dma_wait3A_118 = tpu.memref_squeeze %dma_wait3A_117 : memref<1x200x128xf32, #tpu.memory_space<hbm>> -> memref<200x128xf32, #tpu.memory_space<hbm>>
    %dma_wait3A_119 = arith.constant 0 : i32
    %dma_wait3A_120 = arith.constant 0 : i32
    %dma_wait3A_121 = tpu.memref_slice %arg6[%add3A_110, %dma_wait3A_119, %dma_wait3A_120] : memref<1024x200x128xf32, #tpu.memory_space<hbm>> -> memref<1x200x128xf32, #tpu.memory_space<hbm>>
    %dma_wait3A_122 = tpu.memref_squeeze %dma_wait3A_121 : memref<1x200x128xf32, #tpu.memory_space<hbm>> -> memref<200x128xf32, #tpu.memory_space<hbm>>
    %dma_wait3A_123 = arith.constant 0 : i32
    %dma_wait3A_124 = arith.constant 0 : i32
    %dma_wait3A_125 = tpu.memref_slice %arg8[%dma_wait3A, %dma_wait3A_123, %dma_wait3A_124] : memref<4x200x128xf32, #tpu.memory_space<vmem>> -> memref<1x200x128xf32, #tpu.memory_space<vmem>>
    %dma_wait3A_126 = tpu.memref_squeeze %dma_wait3A_125 : memref<1x200x128xf32, #tpu.memory_space<vmem>> -> memref<200x128xf32, #tpu.memory_space<vmem>>
    tpu.wait_dma2 semaphore(%arg18 : memref<!tpu.dma_semaphore, #tpu.memory_space<semaphore_mem>>) src(%dma_wait3A_126 : memref<200x128xf32, #tpu.memory_space<vmem>>) dst(%dma_wait3A_122 : memref<200x128xf32, #tpu.memory_space<hbm>>)
    %add3A_127 = arith.constant 31 : i32
    %add3A_128 = arith.addi %mul3A_2, %add3A_127 : i32
    %dma_wait3A_129 = arith.constant 3 : i32
    %dma_wait3A_130 = arith.constant 0 : i32
    %dma_wait3A_131 = arith.constant 0 : i32
    %dma_wait3A_132 = tpu.memref_slice %arg8[%dma_wait3A_129, %dma_wait3A_130, %dma_wait3A_131] : memref<4x200x128xf32, #tpu.memory_space<vmem>> -> memref<1x200x128xf32, #tpu.memory_space<vmem>>
    %dma_wait3A_133 = tpu.memref_squeeze %dma_wait3A_132 : memref<1x200x128xf32, #tpu.memory_space<vmem>> -> memref<200x128xf32, #tpu.memory_space<vmem>>
    %dma_wait3A_134 = arith.constant 0 : i32
    %dma_wait3A_135 = arith.constant 0 : i32
    %dma_wait3A_136 = tpu.memref_slice %arg6[%add3A_128, %dma_wait3A_134, %dma_wait3A_135] : memref<1024x200x128xf32, #tpu.memory_space<hbm>> -> memref<1x200x128xf32, #tpu.memory_space<hbm>>
    %dma_wait3A_137 = tpu.memref_squeeze %dma_wait3A_136 : memref<1x200x128xf32, #tpu.memory_space<hbm>> -> memref<200x128xf32, #tpu.memory_space<hbm>>
    %dma_wait3A_138 = arith.constant 0 : i32
    %dma_wait3A_139 = arith.constant 0 : i32
    %dma_wait3A_140 = tpu.memref_slice %arg6[%add3A_128, %dma_wait3A_138, %dma_wait3A_139] : memref<1024x200x128xf32, #tpu.memory_space<hbm>> -> memref<1x200x128xf32, #tpu.memory_space<hbm>>
    %dma_wait3A_141 = tpu.memref_squeeze %dma_wait3A_140 : memref<1x200x128xf32, #tpu.memory_space<hbm>> -> memref<200x128xf32, #tpu.memory_space<hbm>>
    %dma_wait3A_142 = arith.constant 0 : i32
    %dma_wait3A_143 = arith.constant 0 : i32
    %dma_wait3A_144 = tpu.memref_slice %arg8[%dma_wait3A_129, %dma_wait3A_142, %dma_wait3A_143] : memref<4x200x128xf32, #tpu.memory_space<vmem>> -> memref<1x200x128xf32, #tpu.memory_space<vmem>>
    %dma_wait3A_145 = tpu.memref_squeeze %dma_wait3A_144 : memref<1x200x128xf32, #tpu.memory_space<vmem>> -> memref<200x128xf32, #tpu.memory_space<vmem>>
    tpu.wait_dma2 semaphore(%arg19 : memref<!tpu.dma_semaphore, #tpu.memory_space<semaphore_mem>>) src(%dma_wait3A_145 : memref<200x128xf32, #tpu.memory_space<vmem>>) dst(%dma_wait3A_141 : memref<200x128xf32, #tpu.memory_space<hbm>>)
    return
  }
}

</mosaic_0001>

<sc_bundles>
// kernel: kernel.3.cloned.1.call-start
scs
__scs_entry_jumppad:
0x0: {  	(pc) =	sbr.rel $0x88, $3  }
0x1: {  	(tag) =	ssettag $0x0;
	lr =	simm.s32 $0x1  }
0x2: {  	[smem:$0x3F9E] =	sst lr;
	_ =	strace $0xD0000000  }
0x3: {  	_ = 	snop  }
0x4: {  	_ = 	snop  }
0x5: {  	_ = 	snop  }
0x6: {  	_ = 	snop  }
0x7: {  	_ = 	snop  }
__scs_overlays_trampoline_lowered:
0x8: {  	[smem:$0x3FAD] =	sst s0  }
0x9: {  	[smem:$0x3FAE] =	sst s1  }
0xa: {  	[smem:$0x3FAF] =	sst s2  }
0xb: {  	[smem:$0x3FB0] =	sst s3  }
0xc: {  	[smem:$0x3FB1] =	sst s4  }
0xd: {  	[smem:$0x3FB2] =	sst s5  }
0xe: {  	[smem:$0x3FB3] =	sst s6  }
0xf: {  	[smem:$0x3FB4] =	sst s7  }
0x10: {  	[smem:$0x3FB5] =	sst s8  }
0x11: {  	[smem:$0x3FB6] =	sst s9;
	s0 =	simm.s32 @!p0 $0x0  }
0x12: {  	s1 =	sld [smem:$0x3F9C];
	s0 =	simm.s32 @p0 $0x1  }
0x13: {  	[smem:$0x3FB7] =	sst s0;
	s0 =	simm.s32 @!p1 $0x0  }
0x14: {  	s2 =	sld [smem:$0x3F9B];
	s0 =	simm.s32 @p1 $0x1  }
0x15: {  	[smem:$0x3FB8] =	sst s0;
	s0 =	simm.s32 @!p2 $0x0  }
0x16: {  	s3 =	sld [smem:$0x3FDB];
	s0 =	simm.s32 @p2 $0x1  }
0x17: {  	s4 =	simm.s32 $0x1BF5;
	[smem:$0x3FBA] =	sst s0  }
0x18: {  	s0 =	sld [smem:$0x3F9D];
	_ =	swait.ge [sflag:s4], $0x0  }
0x19: {  	s7 =	sld [smem:$0x3F9E]  }
0x1a: {  	s8 =	sadd.s32 $0xFFFFE003, lr  }
0x1b: {  	s9 =	sadd.s32 $0xFFFFFEF7, lr;
	s5 =	simm.s32 $0xFFFFFFFF;
	p2 =	slt.u32 s8, $0xFFFFF086  }
0x1c: {  	p1 =	slt.u32 s9, $0xF7A;
	s5 =	simm.s32 @!p2 $0x0  }
0x1d: {  	s5 =	simm.s32 @p1 $0x1;
	p0 =	seq.s32 s7, s2  }
0x1e: {  	s7 =	smul.u32 @!p0 $0xF7A, s2;
	p2 =	seq.s32 @!p0 s5, $0x0  }
0x1f: {  	s9 =	smul.u32 $0xF7A, s1;
	s8 =	simm.s32 @!p0 $0x1BF5;
	p2 =	por !p2, p0  }
0x20: {  	[sflag:s8] =	ssyncset.s32 @!p0 $0xFFFFF086;
	s6 =	sadd.s32 @!p0 s3, s7;
	s7 =	simm.s32 @!p0 $0x108  }
0x21: {  	s3 =	sadd.s32 s3, s9;
	s6 =	sadd.s32 @!p0 $0x88, s6;
	s7 =	simm.s32 @p2 $0x1082  }
0x22: {  	[simem:s7], [sflag:s8] =	dma.local @!p0 [hbm:s6], $0xF7A  }
0x23: {  	s9 =	sor.u32 $0xD0000000, s2;
	s6 =	simm.s32 $0x108;
	_ =	swait.ge @!p0 [sflag:s8], $0x0  }
0x24: {  	s3 =	sadd.s32 $0x88, s3;
	s6 =	simm.s32 @!p1 $0x1082;
	[sflag:s4] =	ssyncset.s32 $0xFFFFF086  }
0x25: {  	[simem:s6], [sflag:s4] =	dma.local [hbm:s3], $0xF7A  }
0x26: {  	[smem:$0x3F9E] =	sst s1;
	(tag) =	ssettag s2;
	_ =	strace s9  }
0x27: {  	s1 =	sld [smem:$0x3FAE]  }
0x28: {  	s2 =	sld [smem:$0x3FAF]  }
0x29: {  	s4 =	sld [smem:$0x3FB1]  }
0x2a: {  	p0 =	seq.s32 s5, $0x0;
	s5 =	sld [smem:$0x3FB2]  }
0x2b: {  	s6 =	sld [smem:$0x3FB3]  }
0x2c: {  	s7 =	sld [smem:$0x3FB4]  }
0x2d: {  	s3 =	simm.s32 $0x108;
	s8 =	sld [smem:$0x3FB5]  }
0x2e: {  	s3 =	simm.s32 @!p0 $0x1082;
	s9 =	sld [smem:$0x3FB6]  }
0x2f: {  	lr =	sadd.s32 s0, s3;
	s0 =	sld [smem:$0x3FAD]  }
0x30: {  	s3 =	sld [smem:$0x3FB0]  }
0x31: {  	[smem:$0x3FB9] =	sst s10  }
0x32: {  	s10 =	sld [smem:$0x3FB7];
	_ =	sdelay $0x3  }
0x33: {  	p0 =	seq.s32 s10, $0x1;
	s10 =	sld [smem:$0x3FB9];
	_ =	sdelay $0x3  }
0x34: {  	[smem:$0x3FB9] =	sst s10  }
0x35: {  	s10 =	sld [smem:$0x3FB8];
	_ =	sdelay $0x3  }
0x36: {  	p1 =	seq.s32 s10, $0x1;
	s10 =	sld [smem:$0x3FB9];
	_ =	sdelay $0x3  }
0x37: {  	[smem:$0x3FB9] =	sst s10  }
0x38: {  	s10 =	sld [smem:$0x3FBA]  }
0x39: {  	_ = 	snop;
	(pc) =	sbr.ind lr, $3  }
0x3a: {  	_ = 	snop  }
0x3b: {  	_ = 	snop  }
0x3c: {  	p2 =	seq.s32 s10, $0x1;
	s10 =	sld [smem:$0x3FB9]  }
0x3d: {  	_ =	shalt  }
0x3e: {  	_ =	shalt  }
0x3f: {  	_ =	shalt  }
0x40: {  	_ =	shalt  }
0x41: {  	_ =	shalt  }
0x42: {  	_ =	shalt  }
0x43: {  	_ =	shalt  }
0x44: {  	_ =	shalt  }
0x45: {  	_ =	shalt  }
0x46: {  	_ =	shalt  }
0x47: {  	_ =	shalt  }
0x48: {  	_ =	shalt  }
0x49: {  	_ =	shalt  }
0x4a: {  	_ =	shalt  }
0x4b: {  	_ =	shalt  }
0x4c: {  	_ =	shalt  }
0x4d: {  	_ =	shalt  }
0x4e: {  	_ =	shalt  }
0x4f: {  	_ =	shalt  }
0x50: {  	_ =	shalt  }
0x51: {  	_ =	shalt  }
0x52: {  	_ =	shalt  }
0x53: {  	_ =	shalt  }
0x54: {  	_ =	shalt  }
0x55: {  	_ =	shalt  }
0x56: {  	_ =	shalt  }
0x57: {  	_ =	shalt  }
0x58: {  	_ =	shalt  }
0x59: {  	_ =	shalt  }
0x5a: {  	_ =	shalt  }
0x5b: {  	_ =	shalt  }
0x5c: {  	_ =	shalt  }
0x5d: {  	_ =	shalt  }
0x5e: {  	_ =	shalt  }
0x5f: {  	_ =	shalt  }
0x60: {  	_ =	shalt  }
0x61: {  	_ =	shalt  }
0x62: {  	_ =	shalt  }
0x63: {  	_ =	shalt  }
0x64: {  	_ =	shalt  }
0x65: {  	_ =	shalt  }
0x66: {  	_ =	shalt  }
0x67: {  	_ =	shalt  }
0x68: {  	_ =	shalt  }
0x69: {  	_ =	shalt  }
0x6a: {  	_ =	shalt  }
0x6b: {  	_ =	shalt  }
0x6c: {  	_ =	shalt  }
0x6d: {  	_ =	shalt  }
0x6e: {  	_ =	shalt  }
0x6f: {  	_ =	shalt  }
0x70: {  	_ =	shalt  }
0x71: {  	_ =	shalt  }
0x72: {  	_ =	shalt  }
0x73: {  	_ =	shalt  }
0x74: {  	_ =	shalt  }
0x75: {  	_ =	shalt  }
0x76: {  	_ =	shalt  }
0x77: {  	_ =	shalt  }
0x78: {  	_ =	shalt  }
0x79: {  	_ =	shalt  }
0x7a: {  	_ =	shalt  }
0x7b: {  	_ =	shalt  }
0x7c: {  	_ =	shalt  }
0x7d: {  	_ =	shalt  }
0x7e: {  	_ =	shalt  }
0x7f: {  	_ =	shalt  }
0x80: {  	_ =	shalt  }
0x81: {  	_ =	shalt  }
0x82: {  	_ =	shalt  }
0x83: {  	_ =	shalt  }
0x84: {  	_ =	shalt  }
0x85: {  	_ =	shalt  }
0x86: {  	_ =	shalt  }
0x87: {  	_ =	shalt  }
.Lfunc_end0:
.L_simem_size_0:
called_computation_lowered:
.L_overlay_start_0:
0x88: {  	s2 =	sld [smem:$0x3FD9]  }
0x89: {  	s3 =	sld [smem:$0x3FFE];
	_ =	sdelay $0x1  }
0x8a: {  	s1 =	srdreg.scid  }
0x8b: {  	s0 =	sand.u32 $0x1, s1  }
0x8c: {  	s17 =	sshll.u32 s0, $0xA;
	s2 =	sadd.s32 s3, s2  }
0x8d: {  	s2 =	sadd.s32 s2, s17  }
0x8e: {  	[smem:$0x3FC5] =	sst s2  }
0x8f: {  	_ = 	snop  }
0x90: {  	s2 =	sld [smem:$0x3FC8]  }
0x91: {  	s18 =	sld [smem:$0x3FD0];
	(tm) =	ssettm $0x1  }
0x92: {  	s4 =	sld [smem:$0x3FFB];
	_ =	sdelay $0x3  }
0x93: {  	_ =	strace s4  }
0x94: {  	s4 =	sld [smem:$0x3FFC];
	_ =	sdelay $0x3  }
0x95: {  	_ =	strace s4  }
0x96: {  	s4 =	sld [smem:$0x3FFD];
	_ =	sdelay $0x3  }
0x97: {  	_ =	strace s4  }
0x98: {  	_ =	strace $0x8FFFFFFF  }
0x99: {  	s19 =	sld [smem:$0x3FDB];
	_ =	sdelay $0x1  }
0x9a: {  	s5 =	simm.s32 $_scs_section_size  }
0x9b: {  	s6 =	simm.s32 $_size__tile_overlayer_lowered;
	s7 =	simm.s32 $_tile_overlayer_lowered  }
0x9c: {  	s22 =	simm.s32 $0x1BFF;
	s21 =	sshll.u32 s7, $0x1;
	s4 =	sadd.s32 s5, s19  }
0x9d: {  	s8 =	simm.s32 $0x0;
	s20 =	sshll.u32 s6, $0x1;
	s6 =	sadd.s32 s21, s4  }
0x9e: {  	[timem:s8], [sflag:s22] =	dma.local [hbm:s6], s20  }
0x9f: {  	_ =	swait.ge [sflag:s22], s20  }
0xa0: {  	s5 =	ssub.s32 $0x0, s20;
	[sflag:s22] =	ssyncset.done $0x0  }
0xa1: {  	[sflag:s22] =	ssyncadd.s32 s5;
	_ =	sdelay $0x1  }
0xa2: {  	s23 =	simm.s32 $0x1B8B  }
0xa3: {  	_ =	swait.ge [sflag:s23], $0x1  }
0xa4: {  	[sflag:s23] =	ssyncset.done $0x0  }
0xa5: {  	s25 =	simm.s32 $0x1B8E;
	s24 =	sld [smem:$0x3FFE];
	[sflag:s23] =	ssyncadd.s32 $0xFFFFFFFF  }
0xa6: {  	s26 =	simm.s32 $execute0_lowered;
	[smem:$0x3FD2] =	sst s25  }
0xa7: {  	s6 =	sshll.u32 s26, $0x1;
	_ =	strace $0x80000046;
	[dreg:$0x1] =	wrdreg $0xFFFFFFFF  }
0xa8: {  	s28 =	simm.s32 $_size_execute0_lowered;
	s4 =	sadd.s32 s4, s6;
	[dreg:$0x0] =	wrdreg $0x0  }
0xa9: {  	s6 =	sshll.u32 s28, $0x1;
	[dreg:$0x2] =	wrdreg s4  }
0xaa: {  	[dreg:$0x3] =	wrdreg s6  }
0xab: {  	[dreg:$0x4] =	wrdreg $0xC0  }
0xac: {  	_ =	task [dreg:s8], $0x5FFFF  }
0xad: {  	[dreg:$0x1] =	wrdreg $0xFFFFFFFF  }
0xae: {  	[dreg:$0x0] =	wrdreg $0x60  }
0xaf: {  	[dreg:$0x2] =	wrdreg s24  }
0xb0: {  	[dreg:$0x3] =	wrdreg s2  }
0xb1: {  	[dreg:$0x4] =	wrdreg s18  }
0xb2: {  	[dreg:$0x5] =	wrdreg $0x1B0000  }
0xb3: {  	[dreg:$0x6] =	wrdreg $0x9  }
0xb4: {  	_ =	task.clear_ibuf [dreg:s8], $0x7FFFF;
	_ =	strace $0x90000046  }
0xb5: {  	s29 =	simm.s32 $0x9;
	_ =	strace $0x80000048  }
0xb6: {  	_ =	swait.ge [sflag:s29], $0x1  }
0xb7: {  	[sflag:s29] =	ssyncadd.s32 $0xFFFFFFFF  }
0xb8: {  	_ =	strace $0x90000048  }
0xb9: {  	_ =	sfence  }
0xba: {  	s30 =	sld [smem:$0x0];
	_ =	sdelay $0x2  }
0xbb: {  	s31 =	sshll.u32 s1, $0xD;
	s1 =	sshrl.u32 s1, $0x2  }
0xbc: {  	s3 =	sand.u32 $0x4000, s31;
	s1 =	sadd.s32 s1, s30  }
0xbd: {  	s0 =	sor.u32 s3, s0;
	s1 =	sshll.u32 s1, $0x11  }
0xbe: {  	s0 =	sor.u32 s1, s0  }
0xbf: {  	s0 =	sadd.s32 $0x8F2B, s0  }
0xc0: {  	[sflag:s0] =	ssyncadd.remote.s32 $0x1  }
0xc1: {  	_ =	sfence.sel $0xFFFF  }
0xc2: {  	[dreg:$0x0] =	wrdreg $0xFFFFFFFF;
	(pc) =	sbr.abs _section_cstart, $3  }
0xc3: {  	[dreg:$0x1] =	wrdreg $0xFFFFFFFF  }
0xc4: {  	_ =	task.clear_ibuf [dreg:s8], $0x2FFFF;
	_ =	strace $0x9FFFFFFF  }
0xc5: {  	(tm) =	ssettm $0x7FFFFFFF  }
tec
execute0_lowered:
.L_overlay_start_1:
0x0: {  	(tag) =	ssettag $0x1  }
0x1: {  	s0 =	rddreg [dreg:$0x0]  }
0x2: {  	s2 =	rddreg [dreg:$0x2]  }
0x3: {  	s3 =	rddreg [dreg:$0x3]  }
0x4: {  	s1 =	srdreg.scid;
	s6 =	stileid.u32;
	s4 =	simm.s32 $0x0  }
0x5: {  	s12 =	simm.s32 $0x9;
	s14 =	simm.s32 $0x64;
	s15 =	simm.s32 $0x2000  }
0x6: {  	s19 =	simm.s32 $0x8400;
	s22 =	simm.s32 $0xE800;
	s23 =	simm.s32 $0x11A00  }
0x7: {  	s24 =	simm.s32 $0x1;
	s28 =	simm.s32 $0x2;
	s29 =	simm.s32 $0x5  }
0x8: {  	s30 =	simm.s32 $0x3;
	s31 =	simm.s32 $0x6;
	s11 =	simm.s32 $0x8  }
0x9: {  	s13 =	simm.s32 $0x0;
	s1 =	sand.u32 $0x1, s1;
	s5 =	sshll.u32 s6, $0x6  }
0xa: {  	[smem:$0x7FF] =	sst s4;
	s8 =	sadd.s32 $0x800, s0;
	p0 =	sne.s32 s6, $0x0  }
0xb: {  	s7 =	sshll.u32 s1, $0x5;
	_ =	strace $0x80000047;
	s1 =	ssub.s32 $0x2, s1  }
0xc: {  	[dreg:$0x5] =	wrdreg s8;
	s5 =	sor.u32 s7, s5;
	s25 =	sshrl.u32 s1, $0x1  }
0xd: {  	s10 =	sshrl.u32 @!p0 s3, $0x3;
	s7 =	sshll.u32 s5, $0x5;
	s26 =	ssub.s32 s1, s25  }
0xe: {  	s25 =	simm.s32 $0x14C00;
	s1 =	simm.s32 $0x7;
	s7 =	sadd.s32 s7, s0  }
0xf: {  	s0 =	sadd.s32 $0x600, s0;
	s9 =	smax.u32 s26, $0x1;
	s26 =	simm.s32 $0x17E00  }
0x10: {  	[dreg:$0x6] =	wrdreg s0;
	s8 =	sadd.s32 $0xA00, s7;
	s0 =	simm.s32 $0x4  }
.LBB2_1:
0x11: {  	s6 =	simm.s32 @!p0 $0x1C09;
	s7 =	rddreg [dreg:$0x1]  }
0x12: {  	[spmem:s10], [sflag:s6] =	dma.local @!p0 [hbm:s7], $0x3E80  }
0x13: {  	s6 =	simm.s32 @!p0 $0x9  }
0x14: {  	_ =	swait.ge @!p0 [sflag:s6], $0x3E80  }
0x15: {  	[sflag:s6] =	ssyncset.done @!p0 $0x0  }
0x16: {  	s18 =	simm.s32 $0x1CF40;
	s17 =	rddreg [dreg:$0x5];
	[sflag:s6] =	ssyncadd.s32 @!p0 $0xFFFFC180  }
0x17: {  	[tilespmem:s18], [sflag:$0x9] =	stream.linear.gather [hbm4b:s17+s4], $0x80, $0x38;
	[tilespmem:$0x1D040] =	vst v63  }
0x18: {  	_ =	swait.ge [sflag:s12], $0x80  }
0x19: {  	[sflag:s12] =	ssyncset.done $0x0  }
0x1a: {  	s21 =	simm.s32 $0x1CFC0;
	s20 =	rddreg [dreg:$0x6];
	[sflag:s12] =	ssyncadd.s32 $0xFFFFFF80  }
0x1b: {  	[tilespmem:s21], [sflag:$0x9] =	stream.linear.gather [hbm4b:s20+s4], $0x80, $0x38;
	[tilespmem:$0x1D040] =	vst v63  }
0x1c: {  	_ =	swait.ge [sflag:s12], $0x80  }
0x1d: {  	[sflag:s12] =	ssyncset.done $0x0  }
0x1e: {  	[sflag:s12] =	ssyncadd.s32 $0xFFFFFF80  }
0x1f: {  	[tilespmem:s4], [sflag:$0x9] =	stream.linear.gather [hbm4b:s8+s4], $0x2000, $0x38;
	[tilespmem:$0x1D040] =	vst v63  }
0x20: {  	_ =	swait.ge [sflag:s12], $0x2000  }
0x21: {  	[sflag:s12] =	ssyncset.done $0x0  }
0x22: {  	[sflag:s12] =	ssyncadd.s32 $0xFFFFE000  }
0x23: {  	[bflag:$0x0] =	sbarrier.arrive $0xFFFF  }
0x24: {  	v0 =	vld [tilespmem:$0x1CF40]  }
0x25: {  	v1 =	vld [tilespmem:$0x1CF50]  }
0x26: {  	v2 =	vld [tilespmem:$0x1CF60]  }
0x27: {  	v3 =	vld [tilespmem:$0x1CF70]  }
0x28: {  	v4 =	vld [tilespmem:$0x1CF80]  }
0x29: {  	v5 =	vld [tilespmem:$0x1CF90]  }
0x2a: {  	v6 =	vld [tilespmem:$0x1CFA0]  }
0x2b: {  	v7 =	vld [tilespmem:$0x1CFB0]  }
0x2c: {  	v8 =	vld [tilespmem:$0x1CFC0]  }
0x2d: {  	v9 =	vld [tilespmem:$0x1CFD0]  }
0x2e: {  	v10 =	vld [tilespmem:$0x1CFE0]  }
0x2f: {  	v11 =	vld [tilespmem:$0x1CFF0]  }
0x30: {  	v12 =	vld [tilespmem:$0x1D000]  }
0x31: {  	v13 =	vld [tilespmem:$0x1D010]  }
0x32: {  	v14 =	vld [tilespmem:$0x1D020]  }
0x33: {  	v15 =	vld [tilespmem:$0x1D030];
	[tilespmem:s15], [sflag:$0x1] =	stream.indirect.gather [spmem:s3], $0x80, s4, s14, $0xb8  }
0x34: {  	s16 =	simm.s32 $0x80;
	s17 =	simm.s32 $0x5200  }
0x35: {  	[tilespmem:s17], [sflag:$0x1] =	stream.indirect.gather [spmem:s3], $0x80, s16, s14, $0xb8;
	[tilespmem:$0x1D040] =	vst v63  }
0x36: {  	s18 =	simm.s32 $0x100  }
0x37: {  	[tilespmem:s19], [sflag:$0x2] =	stream.indirect.gather [spmem:s3], $0x80, s18, s14, $0xb8;
	[tilespmem:$0x1D040] =	vst v63  }
0x38: {  	s20 =	simm.s32 $0x180;
	s21 =	simm.s32 $0xB600;
	s16 =	simm.s32 $0x0  }
0x39: {  	[tilespmem:s21], [sflag:$0x2] =	stream.indirect.gather [spmem:s3], $0x80, s20, s14, $0xb8;
	[tilespmem:$0x1D040] =	vst v63  }
.LBB2_2:
0x3a: {  	p1 =	seq.s32 s16, $0x0  }
0x3b: {  	s20 =	sshll.u32 s16, $0x2;
	s6 =	simm.s32 @!p1 $0x7  }
0x3c: {  	s17 =	sor.u32 $0x2, s20;
	_ =	swait.ge @!p1 [sflag:s6], $0x6400  }
0x3d: {  	s7 =	sshll.u32 s17, $0x8;
	[sflag:s6] =	ssyncset.done @!p1 $0x0  }
0x3e: {  	s21 =	sand.u32 $0x3FFFFF00, s7;
	[sflag:s6] =	ssyncadd.s32 @!p1 $0xFFFF9C00  }
0x3f: {  	[tilespmem:s22], [sflag:$0x3] =	stream.indirect.gather [spmem:s3], $0x80, s21, s14, $0xb8;
	[tilespmem:$0x1D040] =	vst v63  }
0x40: {  	s6 =	sor.u32 $0x80, s21  }
0x41: {  	[tilespmem:s23], [sflag:$0x3] =	stream.indirect.gather [spmem:s3], $0x80, s6, s14, $0xb8;
	[tilespmem:$0x1D040] =	vst v63  }
0x42: {  	_ =	swait.ge [sflag:s24], $0x3200  }
0x43: {  	[sflag:s24] =	ssyncset.done $0x0  }
0x44: {  	[sflag:s24] =	ssyncadd.s32 $0xFFFFCE00  }
0x45: {  	_ =	swait.ge [sflag:s24], $0x3200  }
0x46: {  	[sflag:s24] =	ssyncset.done $0x0  }
0x47: {  	[sflag:s24] =	ssyncadd.s32 $0xFFFFCE00  }
0x48: {  	v16 =	vld [tilespmem:$0x8380]  }
0x49: {  	v18 =	vld [tilespmem:$0x8390]  }
0x4a: {  	v19 =	vld [tilespmem:$0x83A0]  }
0x4b: {  	v20 =	vld [tilespmem:$0x83B0]  }
0x4c: {  	v21 =	vld [tilespmem:$0x83C0]  }
0x4d: {  	v22 =	vld [tilespmem:$0x83D0]  }
0x4e: {  	v23 =	vld [tilespmem:$0x83E0]  }
0x4f: {  	s6 =	simm.s32 $0x0;
	v24 =	vld [tilespmem:$0x83F0]  }
0x50: {  	v17 =	vld [tilespmem:s6+$0x8370]  }
0x51: {  	v27 =	vld [tilespmem:s6+$0x8300]  }
0x52: {  	v30 =	vld [tilespmem:s6+$0x8310];
	v32 =	vmul.f32 v16, v8;
	v25 =	vmul.f32 v18, v9  }
0x53: {  	v34 =	vld [tilespmem:s6+$0x8320];
	v28 =	vmul.f32 v19, v10;
	v26 =	vmul.f32 v20, v11  }
0x54: {  	v20 =	vmul.f32 v21, v12;
	v18 =	vmul.f32 v22, v13  }
0x55: {  	v19 =	vmul.f32 v23, v14;
	v22 =	vld [tilespmem:s6+$0x8330];
	v24 =	vmul.f32 v24, v15  }
0x56: {  	v31 =	vmul.f32 v17, v7;
	v16 =	vmul.f32 v27, v8  }
0x57: {  	v21 =	vld [tilespmem:s6+$0x8340];
	v33 =	vmul.f32 v27, v0;
	v29 =	vmul.f32 v30, v9  }
0x58: {  	v23 =	vld [tilespmem:s6+$0x8350];
	v30 =	vmul.f32 v30, v1;
	v27 =	vmul.f32 v34, v10  }
0x59: {  	s18 =	simm.s32 $0xFFFFFF80;
	s21 =	simm.s32 $0xFFFFFC00;
	v31 =	vadd.f32 v31, v24;
	v24 =	vld [tilespmem:s6+$0x8360];
	v33 =	vadd.f32 v33, v32;
	v32 =	vmul.f32 v34, v2  }
.LBB2_3:
0x5a: {  	v34 =	vmul.f32 v22, v11  }
0x5b: {  	p2 =	sne.s32 s21, $0xFFFE7400;
	v35 =	vld [tilespmem:s18+$0x8370];
	v30 =	vadd.f32 v30, v25;
	v22 =	vmul.f32 v22, v3;
	[tilespmem:s6+$0x83F0] =	vst v31;
	v25 =	vmov v29  }
0x5c: {  	v29 =	vld [tilespmem:s18+$0x8300];
	v31 =	vmul.f32 v21, v12;
	[tilespmem:s6+$0x8380] =	vst v33;
	v40 =	vadd.f32 v32, v28;
	v21 =	vmul.f32 v21, v4  }
0x5d: {  	v32 =	vld [tilespmem:s18+$0x8310];
	v33 =	vmul.f32 v23, v13;
	[tilespmem:s6+$0x8390] =	vst v30;
	v39 =	vadd.f32 v22, v26;
	v23 =	vmul.f32 v23, v5  }
0x5e: {  	v36 =	vld [tilespmem:s18+$0x8320];
	v30 =	vmul.f32 v24, v14;
	[tilespmem:s6+$0x83A0] =	vst v40;
	v37 =	vadd.f32 v21, v20;
	v24 =	vmul.f32 v24, v6  }
.Ltmp0:
0x5f: {  	v28 =	vmovc v27;
	v26 =	vmovc v34;
	v20 =	vmov v31;
	v22 =	vld [tilespmem:s18+$0x8330];
	[tilespmem:s6+$0x83B0] =	vst v39;
	v38 =	vadd.f32 v23, v18;
	v18 =	vmov v33;
	(pc) =	sbr.rel @p2 .LBB2_3-.Ltmp0, $4  }
0x60: {  	v27 =	vmul.f32 v17, v15;
	v21 =	vld [tilespmem:s18+$0x8340];
	v31 =	vmul.f32 v35, v7;
	[tilespmem:s6+$0x83C0] =	vst v37;
	v33 =	vadd.f32 v24, v19  }
0x61: {  	v17 =	vmovc v35;
	v19 =	vmov v30;
	v34 =	vmul.f32 v29, v8;
	v37 =	vmul.f32 v29, v0;
	v23 =	vld [tilespmem:s18+$0x8350];
	[tilespmem:s6+$0x83D0] =	vst v38  }
0x62: {  	v29 =	vmul.f32 v32, v9;
	v30 =	vmul.f32 v32, v1;
	v24 =	vld [tilespmem:s18+$0x8360];
	v31 =	vadd.f32 v31, v27;
	[tilespmem:s6+$0x83E0] =	vst v33;
	s6 =	smov.u32 s18  }
0x63: {  	s18 =	sshra.s32 s21, $0x2;
	s21 =	sadd.s32 $0xFFFFFE00, s21;
	v27 =	vmul.f32 v36, v10;
	v33 =	vadd.f32 v37, v16;
	v32 =	vmul.f32 v36, v2;
	v16 =	vmovc v34  }
0x64: {  	v34 =	vld [tilespmem:s18+$0x8370];
	[tilespmem:s6+$0x83F0] =	vst v31;
	v25 =	vadd.f32 v30, v25;
	v55 =	vmul.f32 v22, v3  }
0x65: {  	v31 =	vld [tilespmem:s18+$0x8300];
	[tilespmem:s6+$0x8380] =	vst v33;
	v28 =	vadd.f32 v32, v28;
	v56 =	vmul.f32 v21, v4  }
0x66: {  	v30 =	vld [tilespmem:s18+$0x8310];
	[tilespmem:s6+$0x8390] =	vst v25;
	v26 =	vadd.f32 v55, v26;
	v57 =	vmul.f32 v23, v5  }
0x67: {  	v25 =	vld [tilespmem:s18+$0x8320];
	[tilespmem:s6+$0x83A0] =	vst v28;
	v20 =	vadd.f32 v56, v20  }
0x68: {  	v58 =	vmul.f32 v24, v6;
	v28 =	vld [tilespmem:s18+$0x8330];
	[tilespmem:s6+$0x83B0] =	vst v26;
	v18 =	vadd.f32 v57, v18  }
0x69: {  	v17 =	vmul.f32 v17, v15;
	v26 =	vld [tilespmem:s18+$0x8340];
	[tilespmem:s6+$0x83C0] =	vst v20;
	v20 =	vmul.f32 v34, v7  }
0x6a: {  	v19 =	vadd.f32 v58, v19;
	v59 =	vld [tilespmem:s18+$0x8350];
	v60 =	vmul.f32 v31, v0;
	[tilespmem:s6+$0x83D0] =	vst v18  }
0x6b: {  	v18 =	vmul.f32 v30, v1;
	v35 =	vld [tilespmem:s18+$0x8360];
	v17 =	vadd.f32 v20, v17  }
0x6c: {  	[tilespmem:s6+$0x83E0] =	vst v19;
	v16 =	vadd.f32 v60, v16;
	v19 =	vmul.f32 v25, v2  }
0x6d: {  	v20 =	vmul.f32 v22, v11;
	v18 =	vadd.f32 v18, v29;
	v22 =	vmul.f32 v28, v3;
	[tilespmem:s18+$0x83F0] =	vst v17  }
0x6e: {  	v17 =	vmul.f32 v21, v12;
	[tilespmem:s18+$0x8380] =	vst v16;
	v16 =	vadd.f32 v19, v27;
	v19 =	vmul.f32 v26, v4  }
0x6f: {  	v21 =	vmul.f32 v23, v13;
	[tilespmem:s18+$0x8390] =	vst v18;
	v18 =	vadd.f32 v22, v20;
	v20 =	vmul.f32 v59, v5  }
0x70: {  	v22 =	vmul.f32 v24, v14;
	[tilespmem:s18+$0x83A0] =	vst v16;
	v16 =	vadd.f32 v19, v17;
	v17 =	vmul.f32 v35, v6  }
0x71: {  	[tilespmem:s18+$0x83B0] =	vst v18;
	v18 =	vadd.f32 v20, v21  }
0x72: {  	[tilespmem:s18+$0x83C0] =	vst v16;
	v16 =	vadd.f32 v17, v22  }
0x73: {  	v17 =	vmul.f32 v31, v8;
	[tilespmem:s18+$0x83D0] =	vst v18  }
0x74: {  	[tilespmem:s18+$0x83E0] =	vst v16;
	v16 =	vmul.f32 v30, v9  }
0x75: {  	[tilespmem:$0x2000] =	vst v17;
	v17 =	vmul.f32 v25, v10  }
0x76: {  	[tilespmem:$0x2010] =	vst v16;
	v16 =	vmul.f32 v28, v11  }
0x77: {  	[tilespmem:$0x2020] =	vst v17;
	v17 =	vmul.f32 v26, v12  }
0x78: {  	[tilespmem:$0x2030] =	vst v16;
	v16 =	vmul.f32 v59, v13  }
0x79: {  	s18 =	sadd.s32 s5, s20;
	[tilespmem:$0x2040] =	vst v17;
	v17 =	vmul.f32 v35, v14  }
0x7a: {  	s6 =	smul.u32 $0xC80, s18;
	[tilespmem:$0x2050] =	vst v16;
	v16 =	vmul.f32 v34, v15  }
0x7b: {  	[tilespmem:$0x2060] =	vst v17  }
0x7c: {  	s6 =	sadd.s32 s2, s6;
	[tilespmem:$0x2070] =	vst v16  }
0x7d: {  	[hbm4b:s6+s4] =	stream.linear.scatter [tilespmem:s15], [sflag:$0x5], $0x6400, $0x38;
	[tilespmem:$0x1D040] =	vst v63  }
0x7e: {  	s6 =	simm.s32 @!p1 $0x8  }
0x7f: {  	s18 =	sor.u32 $0x3, s20;
	_ =	swait.ge @!p1 [sflag:s6], $0x6400  }
0x80: {  	s7 =	sshll.u32 s18, $0x8;
	[sflag:s6] =	ssyncset.done @!p1 $0x0  }
0x81: {  	s21 =	sand.u32 $0x3FFFFF00, s7;
	[sflag:s6] =	ssyncadd.s32 @!p1 $0xFFFF9C00  }
0x82: {  	[tilespmem:s25], [sflag:$0x4] =	stream.indirect.gather [spmem:s3], $0x80, s21, s14, $0xb8;
	[tilespmem:$0x1D040] =	vst v63  }
0x83: {  	s6 =	sor.u32 $0x80, s21  }
0x84: {  	[tilespmem:s26], [sflag:$0x4] =	stream.indirect.gather [spmem:s3], $0x80, s6, s14, $0xb8;
	[tilespmem:$0x1D040] =	vst v63  }
0x85: {  	_ =	swait.ge [sflag:s28], $0x3200  }
0x86: {  	[sflag:s28] =	ssyncset.done $0x0  }
0x87: {  	[sflag:s28] =	ssyncadd.s32 $0xFFFFCE00  }
0x88: {  	_ =	swait.ge [sflag:s28], $0x3200  }
0x89: {  	[sflag:s28] =	ssyncset.done $0x0  }
0x8a: {  	[sflag:s28] =	ssyncadd.s32 $0xFFFFCE00  }
0x8b: {  	v16 =	vld [tilespmem:$0xE780]  }
0x8c: {  	v18 =	vld [tilespmem:$0xE790]  }
0x8d: {  	v19 =	vld [tilespmem:$0xE7A0]  }
0x8e: {  	v20 =	vld [tilespmem:$0xE7B0]  }
0x8f: {  	v21 =	vld [tilespmem:$0xE7C0]  }
0x90: {  	v22 =	vld [tilespmem:$0xE7D0]  }
0x91: {  	v23 =	vld [tilespmem:$0xE7E0]  }
0x92: {  	s21 =	simm.s32 $0x0;
	v24 =	vld [tilespmem:$0xE7F0]  }
0x93: {  	v17 =	vld [tilespmem:s21+$0xE770]  }
0x94: {  	v27 =	vld [tilespmem:s21+$0xE700]  }
0x95: {  	v30 =	vld [tilespmem:s21+$0xE710];
	v61 =	vmul.f32 v16, v8;
	v25 =	vmul.f32 v18, v9  }
0x96: {  	v62 =	vld [tilespmem:s21+$0xE720];
	v28 =	vmul.f32 v19, v10;
	v26 =	vmul.f32 v20, v11  }
0x97: {  	v20 =	vmul.f32 v21, v12;
	v18 =	vmul.f32 v22, v13  }
0x98: {  	v19 =	vmul.f32 v23, v14;
	v22 =	vld [tilespmem:s21+$0xE730];
	v24 =	vmul.f32 v24, v15  }
0x99: {  	v31 =	vmul.f32 v17, v7;
	v16 =	vmul.f32 v27, v8  }
0x9a: {  	v21 =	vld [tilespmem:s21+$0xE740];
	v63 =	vmul.f32 v27, v0;
	v29 =	vmul.f32 v30, v9  }
0x9b: {  	v23 =	vld [tilespmem:s21+$0xE750];
	v30 =	vmul.f32 v30, v1;
	v27 =	vmul.f32 v62, v10  }
0x9c: {  	s20 =	sor.u32 $0x1, s20;
	s7 =	simm.s32 $0xFFFFFC00;
	s6 =	simm.s32 $0xFFFFFF80;
	v32 =	vmul.f32 v62, v2;
	v31 =	vadd.f32 v31, v24;
	v24 =	vld [tilespmem:s21+$0xE760];
	v33 =	vadd.f32 v63, v61  }
.LBB2_5:
0x9d: {  	v34 =	vmul.f32 v22, v11  }
0x9e: {  	p1 =	sne.s32 s7, $0xFFFE7400;
	v35 =	vld [tilespmem:s6+$0xE770];
	v30 =	vadd.f32 v30, v25;
	v22 =	vmul.f32 v22, v3;
	[tilespmem:s21+$0xE7F0] =	vst v31;
	v25 =	vmov v29  }
0x9f: {  	v29 =	vld [tilespmem:s6+$0xE700];
	v31 =	vmul.f32 v21, v12;
	[tilespmem:s21+$0xE780] =	vst v33;
	v40 =	vadd.f32 v32, v28;
	v21 =	vmul.f32 v21, v4  }
0xa0: {  	v32 =	vld [tilespmem:s6+$0xE710];
	v33 =	vmul.f32 v23, v13;
	[tilespmem:s21+$0xE790] =	vst v30;
	v39 =	vadd.f32 v22, v26;
	v23 =	vmul.f32 v23, v5  }
0xa1: {  	v36 =	vld [tilespmem:s6+$0xE720];
	v30 =	vmul.f32 v24, v14;
	[tilespmem:s21+$0xE7A0] =	vst v40;
	v37 =	vadd.f32 v21, v20;
	v24 =	vmul.f32 v24, v6  }
.Ltmp1:
0xa2: {  	v28 =	vmovc v27;
	v26 =	vmovc v34;
	v20 =	vmov v31;
	v22 =	vld [tilespmem:s6+$0xE730];
	[tilespmem:s21+$0xE7B0] =	vst v39;
	v38 =	vadd.f32 v23, v18;
	v18 =	vmov v33;
	(pc) =	sbr.rel @p1 .LBB2_5-.Ltmp1, $4  }
0xa3: {  	v27 =	vmul.f32 v17, v15;
	v21 =	vld [tilespmem:s6+$0xE740];
	v31 =	vmul.f32 v35, v7;
	[tilespmem:s21+$0xE7C0] =	vst v37;
	v33 =	vadd.f32 v24, v19  }
0xa4: {  	v17 =	vmovc v35;
	v19 =	vmov v30;
	v34 =	vmul.f32 v29, v8;
	v37 =	vmul.f32 v29, v0;
	v23 =	vld [tilespmem:s6+$0xE750];
	[tilespmem:s21+$0xE7D0] =	vst v38  }
0xa5: {  	v29 =	vmul.f32 v32, v9;
	v30 =	vmul.f32 v32, v1;
	v24 =	vld [tilespmem:s6+$0xE760];
	v31 =	vadd.f32 v31, v27;
	[tilespmem:s21+$0xE7E0] =	vst v33;
	s21 =	smov.u32 s6  }
0xa6: {  	s6 =	sshra.s32 s7, $0x2;
	s7 =	sadd.s32 $0xFFFFFE00, s7;
	v27 =	vmul.f32 v36, v10;
	v33 =	vadd.f32 v37, v16;
	v32 =	vmul.f32 v36, v2;
	v16 =	vmovc v34  }
0xa7: {  	v34 =	vld [tilespmem:s6+$0xE770];
	[tilespmem:s21+$0xE7F0] =	vst v31;
	v25 =	vadd.f32 v30, v25;
	v55 =	vmul.f32 v22, v3  }
0xa8: {  	v31 =	vld [tilespmem:s6+$0xE700];
	[tilespmem:s21+$0xE780] =	vst v33;
	v28 =	vadd.f32 v32, v28;
	v56 =	vmul.f32 v21, v4  }
0xa9: {  	v30 =	vld [tilespmem:s6+$0xE710];
	[tilespmem:s21+$0xE790] =	vst v25;
	v26 =	vadd.f32 v55, v26;
	v57 =	vmul.f32 v23, v5  }
0xaa: {  	v25 =	vld [tilespmem:s6+$0xE720];
	[tilespmem:s21+$0xE7A0] =	vst v28;
	v20 =	vadd.f32 v56, v20  }
0xab: {  	v58 =	vmul.f32 v24, v6;
	v28 =	vld [tilespmem:s6+$0xE730];
	[tilespmem:s21+$0xE7B0] =	vst v26;
	v18 =	vadd.f32 v57, v18  }
0xac: {  	v17 =	vmul.f32 v17, v15;
	v26 =	vld [tilespmem:s6+$0xE740];
	[tilespmem:s21+$0xE7C0] =	vst v20;
	v20 =	vmul.f32 v34, v7  }
0xad: {  	v19 =	vadd.f32 v58, v19;
	v59 =	vld [tilespmem:s6+$0xE750];
	v60 =	vmul.f32 v31, v0;
	[tilespmem:s21+$0xE7D0] =	vst v18  }
0xae: {  	v18 =	vmul.f32 v30, v1;
	v35 =	vld [tilespmem:s6+$0xE760];
	v17 =	vadd.f32 v20, v17  }
0xaf: {  	[tilespmem:s21+$0xE7E0] =	vst v19;
	v16 =	vadd.f32 v60, v16;
	v19 =	vmul.f32 v25, v2  }
0xb0: {  	v20 =	vmul.f32 v22, v11;
	v18 =	vadd.f32 v18, v29;
	v22 =	vmul.f32 v28, v3;
	[tilespmem:s6+$0xE7F0] =	vst v17  }
0xb1: {  	v17 =	vmul.f32 v21, v12;
	[tilespmem:s6+$0xE780] =	vst v16;
	v16 =	vadd.f32 v19, v27;
	v19 =	vmul.f32 v26, v4  }
0xb2: {  	v21 =	vmul.f32 v23, v13;
	[tilespmem:s6+$0xE790] =	vst v18;
	v18 =	vadd.f32 v22, v20;
	v20 =	vmul.f32 v59, v5  }
0xb3: {  	v22 =	vmul.f32 v24, v14;
	[tilespmem:s6+$0xE7A0] =	vst v16;
	v16 =	vadd.f32 v19, v17;
	v17 =	vmul.f32 v35, v6  }
0xb4: {  	[tilespmem:s6+$0xE7B0] =	vst v18;
	v18 =	vadd.f32 v20, v21  }
0xb5: {  	[tilespmem:s6+$0xE7C0] =	vst v16;
	v16 =	vadd.f32 v17, v22  }
0xb6: {  	v17 =	vmul.f32 v31, v8;
	[tilespmem:s6+$0xE7D0] =	vst v18  }
0xb7: {  	[tilespmem:s6+$0xE7E0] =	vst v16;
	v16 =	vmul.f32 v30, v9  }
0xb8: {  	[tilespmem:$0x8400] =	vst v17;
	v17 =	vmul.f32 v25, v10  }
0xb9: {  	[tilespmem:$0x8410] =	vst v16;
	v16 =	vmul.f32 v28, v11  }
0xba: {  	[tilespmem:$0x8420] =	vst v17;
	v17 =	vmul.f32 v26, v12  }
0xbb: {  	[tilespmem:$0x8430] =	vst v16;
	v16 =	vmul.f32 v59, v13  }
0xbc: {  	s21 =	sadd.s32 s5, s20;
	[tilespmem:$0x8440] =	vst v17;
	v17 =	vmul.f32 v35, v14  }
0xbd: {  	s6 =	smul.u32 $0xC80, s21;
	[tilespmem:$0x8450] =	vst v16;
	v16 =	vmul.f32 v34, v15  }
0xbe: {  	[tilespmem:$0x8460] =	vst v17  }
0xbf: {  	p1 =	seq.s32 s16, $0x7;
	s6 =	sadd.s32 s2, s6;
	[tilespmem:$0x8470] =	vst v16  }
0xc0: {  	[hbm4b:s6+s4] =	stream.linear.scatter [tilespmem:s19], [sflag:$0x6], $0x6400, $0x38;
	[tilespmem:$0x1D040] =	vst v63  }
0xc1: {  	s6 =	sshll.u32 @!p1 s16, $0xA;
	_ =	swait.ge [sflag:s29], $0x6400  }
0xc2: {  	s7 =	simm.s32 @!p1 $0x64;
	s20 =	sand.u32 @!p1 $0x3FFFFC00, s6;
	[sflag:s29] =	ssyncset.done $0x0  }
0xc3: {  	s21 =	simm.s32 @!p1 $0x2000;
	s6 =	sadd.s32 @!p1 $0x400, s20;
	[sflag:s29] =	ssyncadd.s32 $0xFFFF9C00  }
0xc4: {  	[tilespmem:s21], [sflag:$0x1] =	stream.indirect.gather @!p1 [spmem:s3], $0x80, s6, s7, $0xb8;
	[tilespmem:$0x1D040] =	vst v63  }
0xc5: {  	s6 =	sadd.s32 @!p1 $0x480, s20;
	s21 =	simm.s32 @!p1 $0x5200  }
0xc6: {  	[tilespmem:s21], [sflag:$0x1] =	stream.indirect.gather @!p1 [spmem:s3], $0x80, s6, s7, $0xb8;
	[tilespmem:$0x1D040] =	vst v63  }
0xc7: {  	_ =	swait.ge [sflag:s30], $0x3200  }
0xc8: {  	[sflag:s30] =	ssyncset.done $0x0  }
0xc9: {  	[sflag:s30] =	ssyncadd.s32 $0xFFFFCE00  }
0xca: {  	_ =	swait.ge [sflag:s30], $0x3200  }
0xcb: {  	[sflag:s30] =	ssyncset.done $0x0  }
0xcc: {  	[sflag:s30] =	ssyncadd.s32 $0xFFFFCE00  }
0xcd: {  	v16 =	vld [tilespmem:$0x14B80]  }
0xce: {  	v18 =	vld [tilespmem:$0x14B90]  }
0xcf: {  	v19 =	vld [tilespmem:$0x14BA0]  }
0xd0: {  	v20 =	vld [tilespmem:$0x14BB0]  }
0xd1: {  	v21 =	vld [tilespmem:$0x14BC0]  }
0xd2: {  	v22 =	vld [tilespmem:$0x14BD0]  }
0xd3: {  	v23 =	vld [tilespmem:$0x14BE0]  }
0xd4: {  	s21 =	simm.s32 $0x0;
	v24 =	vld [tilespmem:$0x14BF0]  }
0xd5: {  	v17 =	vld [tilespmem:s21+$0x14B70]  }
0xd6: {  	v27 =	vld [tilespmem:s21+$0x14B00]  }
0xd7: {  	v30 =	vld [tilespmem:s21+$0x14B10];
	v61 =	vmul.f32 v16, v8;
	v25 =	vmul.f32 v18, v9  }
0xd8: {  	v62 =	vld [tilespmem:s21+$0x14B20];
	v28 =	vmul.f32 v19, v10;
	v26 =	vmul.f32 v20, v11  }
0xd9: {  	v20 =	vmul.f32 v21, v12;
	v18 =	vmul.f32 v22, v13  }
0xda: {  	v19 =	vmul.f32 v23, v14;
	v22 =	vld [tilespmem:s21+$0x14B30];
	v24 =	vmul.f32 v24, v15  }
0xdb: {  	v31 =	vmul.f32 v17, v7;
	v16 =	vmul.f32 v27, v8  }
0xdc: {  	v21 =	vld [tilespmem:s21+$0x14B40];
	v63 =	vmul.f32 v27, v0;
	v29 =	vmul.f32 v30, v9  }
0xdd: {  	v23 =	vld [tilespmem:s21+$0x14B50];
	v30 =	vmul.f32 v30, v1;
	v27 =	vmul.f32 v62, v10  }
0xde: {  	s6 =	simm.s32 $0xFFFFFF80;
	s7 =	simm.s32 $0xFFFFFC00;
	v32 =	vmul.f32 v62, v2;
	v31 =	vadd.f32 v31, v24;
	v24 =	vld [tilespmem:s21+$0x14B60];
	v33 =	vadd.f32 v63, v61  }
.LBB2_7:
0xdf: {  	v34 =	vmul.f32 v22, v11  }
0xe0: {  	p2 =	sne.s32 s7, $0xFFFE7400;
	v35 =	vld [tilespmem:s6+$0x14B70];
	v30 =	vadd.f32 v30, v25;
	v22 =	vmul.f32 v22, v3;
	[tilespmem:s21+$0x14BF0] =	vst v31;
	v25 =	vmov v29  }
0xe1: {  	v29 =	vld [tilespmem:s6+$0x14B00];
	v31 =	vmul.f32 v21, v12;
	[tilespmem:s21+$0x14B80] =	vst v33;
	v40 =	vadd.f32 v32, v28;
	v21 =	vmul.f32 v21, v4  }
0xe2: {  	v32 =	vld [tilespmem:s6+$0x14B10];
	v33 =	vmul.f32 v23, v13;
	[tilespmem:s21+$0x14B90] =	vst v30;
	v39 =	vadd.f32 v22, v26;
	v23 =	vmul.f32 v23, v5  }
0xe3: {  	v36 =	vld [tilespmem:s6+$0x14B20];
	v30 =	vmul.f32 v24, v14;
	[tilespmem:s21+$0x14BA0] =	vst v40;
	v37 =	vadd.f32 v21, v20;
	v24 =	vmul.f32 v24, v6  }
.Ltmp2:
0xe4: {  	v28 =	vmovc v27;
	v26 =	vmovc v34;
	v20 =	vmov v31;
	v22 =	vld [tilespmem:s6+$0x14B30];
	[tilespmem:s21+$0x14BB0] =	vst v39;
	v38 =	vadd.f32 v23, v18;
	v18 =	vmov v33;
	(pc) =	sbr.rel @p2 .LBB2_7-.Ltmp2, $4  }
0xe5: {  	v27 =	vmul.f32 v17, v15;
	v21 =	vld [tilespmem:s6+$0x14B40];
	v31 =	vmul.f32 v35, v7;
	[tilespmem:s21+$0x14BC0] =	vst v37;
	v33 =	vadd.f32 v24, v19  }
0xe6: {  	v17 =	vmovc v35;
	v19 =	vmov v30;
	v34 =	vmul.f32 v29, v8;
	v37 =	vmul.f32 v29, v0;
	v23 =	vld [tilespmem:s6+$0x14B50];
	[tilespmem:s21+$0x14BD0] =	vst v38  }
0xe7: {  	v29 =	vmul.f32 v32, v9;
	v30 =	vmul.f32 v32, v1;
	v24 =	vld [tilespmem:s6+$0x14B60];
	v31 =	vadd.f32 v31, v27;
	[tilespmem:s21+$0x14BE0] =	vst v33;
	s21 =	smov.u32 s6  }
0xe8: {  	s6 =	sshra.s32 s7, $0x2;
	s7 =	sadd.s32 $0xFFFFFE00, s7;
	v27 =	vmul.f32 v36, v10;
	v33 =	vadd.f32 v37, v16;
	v32 =	vmul.f32 v36, v2;
	v16 =	vmovc v34  }
0xe9: {  	v34 =	vld [tilespmem:s6+$0x14B70];
	[tilespmem:s21+$0x14BF0] =	vst v31;
	v25 =	vadd.f32 v30, v25;
	v55 =	vmul.f32 v22, v3  }
0xea: {  	v31 =	vld [tilespmem:s6+$0x14B00];
	[tilespmem:s21+$0x14B80] =	vst v33;
	v28 =	vadd.f32 v32, v28;
	v56 =	vmul.f32 v21, v4  }
0xeb: {  	v30 =	vld [tilespmem:s6+$0x14B10];
	[tilespmem:s21+$0x14B90] =	vst v25;
	v26 =	vadd.f32 v55, v26;
	v57 =	vmul.f32 v23, v5  }
0xec: {  	v25 =	vld [tilespmem:s6+$0x14B20];
	[tilespmem:s21+$0x14BA0] =	vst v28;
	v20 =	vadd.f32 v56, v20  }
0xed: {  	v58 =	vmul.f32 v24, v6;
	v28 =	vld [tilespmem:s6+$0x14B30];
	[tilespmem:s21+$0x14BB0] =	vst v26;
	v18 =	vadd.f32 v57, v18  }
0xee: {  	v17 =	vmul.f32 v17, v15;
	v26 =	vld [tilespmem:s6+$0x14B40];
	[tilespmem:s21+$0x14BC0] =	vst v20;
	v20 =	vmul.f32 v34, v7  }
0xef: {  	v19 =	vadd.f32 v58, v19;
	v59 =	vld [tilespmem:s6+$0x14B50];
	v60 =	vmul.f32 v31, v0;
	[tilespmem:s21+$0x14BD0] =	vst v18  }
0xf0: {  	v18 =	vmul.f32 v30, v1;
	v35 =	vld [tilespmem:s6+$0x14B60];
	v17 =	vadd.f32 v20, v17  }
0xf1: {  	[tilespmem:s21+$0x14BE0] =	vst v19;
	v16 =	vadd.f32 v60, v16;
	v19 =	vmul.f32 v25, v2  }
0xf2: {  	v20 =	vmul.f32 v22, v11;
	v18 =	vadd.f32 v18, v29;
	v22 =	vmul.f32 v28, v3;
	[tilespmem:s6+$0x14BF0] =	vst v17  }
0xf3: {  	v17 =	vmul.f32 v21, v12;
	[tilespmem:s6+$0x14B80] =	vst v16;
	v16 =	vadd.f32 v19, v27;
	v19 =	vmul.f32 v26, v4  }
0xf4: {  	v21 =	vmul.f32 v23, v13;
	[tilespmem:s6+$0x14B90] =	vst v18;
	v18 =	vadd.f32 v22, v20;
	v20 =	vmul.f32 v59, v5  }
0xf5: {  	v22 =	vmul.f32 v24, v14;
	[tilespmem:s6+$0x14BA0] =	vst v16;
	v16 =	vadd.f32 v19, v17;
	v17 =	vmul.f32 v35, v6  }
0xf6: {  	[tilespmem:s6+$0x14BB0] =	vst v18;
	v18 =	vadd.f32 v20, v21  }
0xf7: {  	[tilespmem:s6+$0x14BC0] =	vst v16;
	v16 =	vadd.f32 v17, v22  }
0xf8: {  	v17 =	vmul.f32 v31, v8;
	[tilespmem:s6+$0x14BD0] =	vst v18  }
0xf9: {  	[tilespmem:s6+$0x14BE0] =	vst v16;
	v16 =	vmul.f32 v30, v9  }
0xfa: {  	[tilespmem:$0xE800] =	vst v17;
	v17 =	vmul.f32 v25, v10  }
0xfb: {  	[tilespmem:$0xE810] =	vst v16;
	v16 =	vmul.f32 v28, v11  }
0xfc: {  	[tilespmem:$0xE820] =	vst v17;
	v17 =	vmul.f32 v26, v12  }
0xfd: {  	[tilespmem:$0xE830] =	vst v16;
	v16 =	vmul.f32 v59, v13  }
0xfe: {  	s21 =	sadd.s32 s5, s17;
	[tilespmem:$0xE840] =	vst v17;
	v17 =	vmul.f32 v35, v14  }
0xff: {  	s6 =	smul.u32 $0xC80, s21;
	[tilespmem:$0xE850] =	vst v16;
	v16 =	vmul.f32 v34, v15  }
0x100: {  	[tilespmem:$0xE860] =	vst v17  }
0x101: {  	s6 =	sadd.s32 s2, s6;
	[tilespmem:$0xE870] =	vst v16  }
0x102: {  	[hbm4b:s6+s4] =	stream.linear.scatter [tilespmem:s22], [sflag:$0x7], $0x6400, $0x38;
	[tilespmem:$0x1D040] =	vst v63  }
0x103: {  	_ =	swait.ge [sflag:s31], $0x6400  }
0x104: {  	s7 =	simm.s32 @!p1 $0x64;
	[sflag:s31] =	ssyncset.done $0x0  }
0x105: {  	s17 =	simm.s32 @!p1 $0x8400;
	s6 =	sadd.s32 @!p1 $0x500, s20;
	[sflag:s31] =	ssyncadd.s32 $0xFFFF9C00  }
0x106: {  	[tilespmem:s17], [sflag:$0x2] =	stream.indirect.gather @!p1 [spmem:s3], $0x80, s6, s7, $0xb8;
	[tilespmem:$0x1D040] =	vst v63  }
0x107: {  	s6 =	sadd.s32 @!p1 $0x580, s20;
	s17 =	simm.s32 @!p1 $0xB600  }
0x108: {  	[tilespmem:s17], [sflag:$0x2] =	stream.indirect.gather @!p1 [spmem:s3], $0x80, s6, s7, $0xb8;
	[tilespmem:$0x1D040] =	vst v63  }
0x109: {  	_ =	swait.ge [sflag:s0], $0x3200  }
0x10a: {  	[sflag:s0] =	ssyncset.done $0x0  }
0x10b: {  	[sflag:s0] =	ssyncadd.s32 $0xFFFFCE00  }
0x10c: {  	_ =	swait.ge [sflag:s0], $0x3200  }
0x10d: {  	[sflag:s0] =	ssyncset.done $0x0  }
0x10e: {  	[sflag:s0] =	ssyncadd.s32 $0xFFFFCE00  }
0x10f: {  	v16 =	vld [tilespmem:$0x1AF80]  }
0x110: {  	v18 =	vld [tilespmem:$0x1AF90]  }
0x111: {  	v19 =	vld [tilespmem:$0x1AFA0]  }
0x112: {  	v20 =	vld [tilespmem:$0x1AFB0]  }
0x113: {  	v21 =	vld [tilespmem:$0x1AFC0]  }
0x114: {  	v22 =	vld [tilespmem:$0x1AFD0]  }
0x115: {  	v23 =	vld [tilespmem:$0x1AFE0]  }
0x116: {  	s17 =	simm.s32 $0x0;
	v24 =	vld [tilespmem:$0x1AFF0]  }
0x117: {  	v17 =	vld [tilespmem:s17+$0x1AF70]  }
0x118: {  	v27 =	vld [tilespmem:s17+$0x1AF00]  }
0x119: {  	v30 =	vld [tilespmem:s17+$0x1AF10];
	v61 =	vmul.f32 v16, v8;
	v25 =	vmul.f32 v18, v9  }
0x11a: {  	v62 =	vld [tilespmem:s17+$0x1AF20];
	v28 =	vmul.f32 v19, v10;
	v26 =	vmul.f32 v20, v11  }
0x11b: {  	v20 =	vmul.f32 v21, v12;
	v18 =	vmul.f32 v22, v13  }
0x11c: {  	v19 =	vmul.f32 v23, v14;
	v22 =	vld [tilespmem:s17+$0x1AF30];
	v24 =	vmul.f32 v24, v15  }
0x11d: {  	v31 =	vmul.f32 v17, v7;
	v16 =	vmul.f32 v27, v8  }
0x11e: {  	v21 =	vld [tilespmem:s17+$0x1AF40];
	v63 =	vmul.f32 v27, v0;
	v29 =	vmul.f32 v30, v9  }
0x11f: {  	v23 =	vld [tilespmem:s17+$0x1AF50];
	v30 =	vmul.f32 v30, v1;
	v27 =	vmul.f32 v62, v10  }
0x120: {  	s6 =	simm.s32 $0xFFFFFF80;
	s7 =	simm.s32 $0xFFFFFC00;
	v32 =	vmul.f32 v62, v2;
	v31 =	vadd.f32 v31, v24;
	v24 =	vld [tilespmem:s17+$0x1AF60];
	v33 =	vadd.f32 v63, v61  }
.LBB2_9:
0x121: {  	v34 =	vmul.f32 v22, v11  }
0x122: {  	p1 =	sne.s32 s7, $0xFFFE7400;
	v35 =	vld [tilespmem:s6+$0x1AF70];
	v30 =	vadd.f32 v30, v25;
	v22 =	vmul.f32 v22, v3;
	[tilespmem:s17+$0x1AFF0] =	vst v31;
	v25 =	vmov v29  }
0x123: {  	v29 =	vld [tilespmem:s6+$0x1AF00];
	v31 =	vmul.f32 v21, v12;
	[tilespmem:s17+$0x1AF80] =	vst v33;
	v40 =	vadd.f32 v32, v28;
	v21 =	vmul.f32 v21, v4  }
0x124: {  	v32 =	vld [tilespmem:s6+$0x1AF10];
	v33 =	vmul.f32 v23, v13;
	[tilespmem:s17+$0x1AF90] =	vst v30;
	v39 =	vadd.f32 v22, v26;
	v23 =	vmul.f32 v23, v5  }
0x125: {  	v36 =	vld [tilespmem:s6+$0x1AF20];
	v30 =	vmul.f32 v24, v14;
	[tilespmem:s17+$0x1AFA0] =	vst v40;
	v37 =	vadd.f32 v21, v20;
	v24 =	vmul.f32 v24, v6  }
.Ltmp3:
0x126: {  	v28 =	vmovc v27;
	v26 =	vmovc v34;
	v20 =	vmov v31;
	v22 =	vld [tilespmem:s6+$0x1AF30];
	[tilespmem:s17+$0x1AFB0] =	vst v39;
	v38 =	vadd.f32 v23, v18;
	v18 =	vmov v33;
	(pc) =	sbr.rel @p1 .LBB2_9-.Ltmp3, $4  }
0x127: {  	v27 =	vmul.f32 v17, v15;
	v21 =	vld [tilespmem:s6+$0x1AF40];
	v31 =	vmul.f32 v35, v7;
	[tilespmem:s17+$0x1AFC0] =	vst v37;
	v33 =	vadd.f32 v24, v19  }
0x128: {  	v17 =	vmovc v35;
	v19 =	vmov v30;
	v34 =	vmul.f32 v29, v8;
	v37 =	vmul.f32 v29, v0;
	v23 =	vld [tilespmem:s6+$0x1AF50];
	[tilespmem:s17+$0x1AFD0] =	vst v38  }
0x129: {  	v29 =	vmul.f32 v32, v9;
	v30 =	vmul.f32 v32, v1;
	v24 =	vld [tilespmem:s6+$0x1AF60];
	v31 =	vadd.f32 v31, v27;
	[tilespmem:s17+$0x1AFE0] =	vst v33;
	s17 =	smov.u32 s6  }
0x12a: {  	s6 =	sshra.s32 s7, $0x2;
	s7 =	sadd.s32 $0xFFFFFE00, s7;
	v27 =	vmul.f32 v36, v10;
	v33 =	vadd.f32 v37, v16;
	v32 =	vmul.f32 v36, v2;
	v16 =	vmovc v34  }
0x12b: {  	v34 =	vld [tilespmem:s6+$0x1AF70];
	[tilespmem:s17+$0x1AFF0] =	vst v31;
	v25 =	vadd.f32 v30, v25;
	v47 =	vmul.f32 v22, v3  }
0x12c: {  	v31 =	vld [tilespmem:s6+$0x1AF00];
	[tilespmem:s17+$0x1AF80] =	vst v33;
	v28 =	vadd.f32 v32, v28;
	v48 =	vmul.f32 v21, v4  }
0x12d: {  	v46 =	vld [tilespmem:s6+$0x1AF10];
	[tilespmem:s17+$0x1AF90] =	vst v25;
	v26 =	vadd.f32 v47, v26;
	v49 =	vmul.f32 v23, v5  }
0x12e: {  	v25 =	vld [tilespmem:s6+$0x1AF20];
	[tilespmem:s17+$0x1AFA0] =	vst v28;
	v20 =	vadd.f32 v48, v20  }
0x12f: {  	v50 =	vmul.f32 v24, v6;
	v28 =	vld [tilespmem:s6+$0x1AF30];
	[tilespmem:s17+$0x1AFB0] =	vst v26;
	v18 =	vadd.f32 v49, v18  }
0x130: {  	v17 =	vmul.f32 v17, v15;
	v26 =	vld [tilespmem:s6+$0x1AF40];
	[tilespmem:s17+$0x1AFC0] =	vst v20;
	v51 =	vmul.f32 v34, v7  }
0x131: {  	v19 =	vadd.f32 v50, v19;
	v52 =	vld [tilespmem:s6+$0x1AF50];
	v53 =	vmul.f32 v31, v0;
	[tilespmem:s17+$0x1AFD0] =	vst v18  }
0x132: {  	v54 =	vmul.f32 v46, v1;
	v35 =	vld [tilespmem:s6+$0x1AF60];
	v17 =	vadd.f32 v51, v17  }
0x133: {  	[tilespmem:s17+$0x1AFE0] =	vst v19;
	v16 =	vadd.f32 v53, v16;
	v55 =	vmul.f32 v25, v2  }
0x134: {  	v56 =	vmul.f32 v22, v11;
	v18 =	vadd.f32 v54, v29;
	v57 =	vmul.f32 v28, v3;
	[tilespmem:s6+$0x1AFF0] =	vst v17  }
0x135: {  	v17 =	vmul.f32 v21, v12;
	[tilespmem:s6+$0x1AF80] =	vst v16;
	v16 =	vadd.f32 v55, v27;
	v58 =	vmul.f32 v26, v4  }
0x136: {  	v59 =	vmul.f32 v23, v13;
	[tilespmem:s6+$0x1AF90] =	vst v18;
	v60 =	vadd.f32 v57, v56;
	v61 =	vmul.f32 v52, v5  }
0x137: {  	v62 =	vmul.f32 v24, v14;
	[tilespmem:s6+$0x1AFA0] =	vst v16;
	v16 =	vadd.f32 v58, v17;
	v17 =	vmul.f32 v35, v6  }
0x138: {  	[tilespmem:s6+$0x1AFB0] =	vst v60;
	v63 =	vadd.f32 v61, v59  }
0x139: {  	[tilespmem:s6+$0x1AFC0] =	vst v16;
	v16 =	vadd.f32 v17, v62  }
0x13a: {  	v17 =	vmul.f32 v31, v8;
	[tilespmem:s6+$0x1AFD0] =	vst v63  }
0x13b: {  	[tilespmem:s6+$0x1AFE0] =	vst v16;
	v16 =	vmul.f32 v46, v9  }
0x13c: {  	[tilespmem:$0x14C00] =	vst v17;
	v17 =	vmul.f32 v25, v10  }
0x13d: {  	[tilespmem:$0x14C10] =	vst v16;
	v16 =	vmul.f32 v28, v11  }
0x13e: {  	s16 =	sadd.s32 $0x1, s16;
	[tilespmem:$0x14C20] =	vst v17;
	v17 =	vmul.f32 v26, v12  }
0x13f: {  	p1 =	sne.s32 s16, $0x8;
	[tilespmem:$0x14C30] =	vst v16;
	v16 =	vmul.f32 v52, v13  }
.Ltmp4:
0x140: {  	s21 =	sadd.s32 s5, s18;
	[tilespmem:$0x14C40] =	vst v17;
	v17 =	vmul.f32 v35, v14;
	(pc) =	sbr.rel @p1 .LBB2_2-.Ltmp4, $4  }
0x141: {  	s6 =	smul.u32 $0xC80, s21;
	[tilespmem:$0x14C50] =	vst v16;
	v16 =	vmul.f32 v34, v15  }
0x142: {  	[tilespmem:$0x14C60] =	vst v17  }
0x143: {  	s6 =	sadd.s32 s2, s6;
	[tilespmem:$0x14C70] =	vst v16  }
0x144: {  	[hbm4b:s6+s4] =	stream.linear.scatter [tilespmem:s25], [sflag:$0x8], $0x6400, $0x38;
	[tilespmem:$0x1D040] =	vst v63  }
0x145: {  	s13 =	sadd.s32 $0x1, s13  }
0x146: {  	_ =	swait.ge [sflag:s1], $0x6400;
	p1 =	sne.s32 s13, s9  }
.Ltmp5:
0x147: {  	[sflag:s1] =	ssyncset.done $0x0;
	(pc) =	sbr.rel @p1 .LBB2_1-.Ltmp5, $4  }
0x148: {  	[sflag:s1] =	ssyncadd.s32 $0xFFFF9C00  }
0x149: {  	_ =	swait.ge [sflag:s11], $0x6400  }
0x14a: {  	[sflag:s11] =	ssyncset.done $0x0  }
0x14b: {  	[sflag:s11] =	ssyncadd.s32 $0xFFFF9C00  }
0x14c: {  	_ =	sfence.sel $0x180000  }
0x14d: {  	[bflag:$0x0] =	sbarrier.arrive $0xFFFF  }
0x14e: {  	_ =	strace $0x90000047  }
0x14f: {  	[bflag:$0x2] =	sbarrier.arrive $0xFFFF  }
0x150: {  	s0 =	rddreg [dreg:$0x4]  }
0x151: {  	s0 =	sadd.s32 @!p0 $0x100000, s0  }
0x152: {  	[sflag:s0] =	ssyncadd.tile.s32 @!p0 $0x1;
	_ =	shalt  }
.Lfunc_end2:
_tile_overlayer_lowered:
.L_overlay_start_2:
0x153: {  	(tag) =	ssettag $0x2  }
0x154: {  	s0 =	rddreg [dreg:$0x0];
	s2 =	stileid.u32  }
0x155: {  	s1 =	rddreg [dreg:$0x1];
	p0 =	sne.s32 s2, $0x0  }
0x156: {  	s3 =	rddreg [dreg:$0x2];
	[bflag:$0x3] =	sbarrier.arrive $0xFFFF;
	s2 =	simm.s32 @!p0 $0x1C09  }
0x157: {  	[timem:s3], [sflag:s2] =	dma.local @!p0 [hbm:s0], s1  }
0x158: {  	s0 =	simm.s32 @!p0 $0x9  }
0x159: {  	_ =	swait.ge @!p0 [sflag:s0], s1  }
0x15a: {  	s1 =	ssub.s32 @!p0 $0x0, s1;
	[sflag:s0] =	ssyncset.done @!p0 $0x0  }
0x15b: {  	[sflag:s0] =	ssyncadd.s32 @!p0 s1  }
0x15c: {  	[bflag:$0x3] =	sbarrier.arrive $0xFFFF  }
0x15d: {  	_ =	shalt  }

</sc_bundles>
